<compile_context>
chip_gen: v7x
topology: tpu7x:2x2x1
jax: 0.10.2.dev20260603
libtpu: 0.0.44.dev20260713+nightly
codegen_flags: <defaults>
</compile_context>

<pallas_src>
import functools
import math

import jax
import jax.numpy as jnp
from jax import lax
from jax.experimental import pallas as pl
from jax.experimental.pallas import tpu as pltpu
from jax.experimental.pallas import tpu_sc as plsc



def _corr_kernel(q_ref, k_ref, out_ref, *, blk_r, l_len):
  ib = pl.program_id(1)
  jrev = jnp.where(
      lax.broadcasted_iota(jnp.int32, (blk_r, blk_r), 0)
      + lax.broadcasted_iota(jnp.int32, (blk_r, blk_r), 1) == blk_r - 1,
      jnp.float32(1.0), jnp.float32(0.0))
  qb = lax.dot_general(
      q_ref[0], jrev, (((1,), (0,)), ((), ())),
      preferred_element_type=jnp.float32)
  m = lax.dot_general(
      qb, k_ref[0], (((0,), (0,)), ((), ())),
      preferred_element_type=jnp.float32)
  slab = 128
  rowsum = jnp.zeros((1, l_len), jnp.float32)
  for s0 in range(0, blk_r, slab):
    msl = m[s0:s0 + slab] if s0 == 0 else pltpu.roll(m[s0:s0 + slab], s0, axis=1)
    aligned = pltpu.roll(msl, 0, axis=1, stride=1, stride_axis=0)
    rowsum = rowsum + jnp.sum(aligned, axis=0, keepdims=True)
  contrib = pltpu.roll(
      rowsum, (2 * l_len - ib * blk_r - blk_r + 1) % l_len, axis=1)

  @pl.when(ib == 0)
  def _init():
    out_ref[0] = jnp.zeros_like(contrib)

  out_ref[0] += contrib


def _mean_corr(q3, k3, blk_r):
  b_sz, f_len, l_len = q3.shape
  grid = (b_sz, l_len // blk_r)
  out = pl.pallas_call(
      functools.partial(_corr_kernel, blk_r=blk_r, l_len=l_len),
      grid=grid,
      in_specs=[
          pl.BlockSpec((1, f_len, blk_r), lambda b, i: (b, 0, i)),
          pl.BlockSpec((1, f_len, l_len), lambda b, i: (b, 0, 0)),
      ],
      out_specs=pl.BlockSpec((1, 1, l_len), lambda b, i: (b, 0, 0)),
      out_shape=jax.ShapeDtypeStruct((b_sz, 1, l_len), jnp.float32),
      compiler_params=pltpu.CompilerParams(
          dimension_semantics=("parallel", "arbitrary"),
      ),
  )(q3, k3)
  return out



def _make_topk_sc(b_sz, l_len, top_k, inv_f):
  lanes = 16
  n_chunks = l_len // lanes
  neg_inf = jnp.float32(-3.0e38)
  mesh = plsc.VectorSubcoreMesh(core_axis_name="c", subcore_axis_name="s")

  @functools.partial(
      pl.kernel,
      mesh=mesh,
      out_type=(
          jax.ShapeDtypeStruct((lanes,), jnp.int32),
          jax.ShapeDtypeStruct((b_sz, lanes), jnp.float32),
      ),
      scratch_types=[
          pltpu.VMEM((b_sz, l_len), jnp.float32),
          pltpu.VMEM((b_sz, l_len), jnp.float32),
          pltpu.VMEM((l_len,), jnp.float32),
          pltpu.VMEM((l_len // 4,), jnp.float32),
          pltpu.VMEM((l_len // 4,), jnp.int32),
          pltpu.VMEM((lanes,), jnp.int32),
          pltpu.VMEM((b_sz, lanes), jnp.float32),
      ],
      compiler_params=pltpu.CompilerParams(needs_layout_passes=False),
  )
  def topk_kernel(corr_hbm, idx_hbm, w_hbm, d_v, mv_v, bm_v, bm4_v, bi4_v,
                  idx_v, w_v):
    cid = lax.axis_index("c")
    sid = lax.axis_index("s")
    is_leader = jnp.logical_and(cid == 0, sid == 0)

    @pl.when(is_leader)
    def _body():
      pltpu.sync_copy(corr_hbm, d_v)
      lane_iota = lax.iota(jnp.int32, lanes)
      scale = jnp.float32(inv_f)

      def scale_chunk(c, carry):
        sl = pl.ds(c * lanes, lanes)
        t = jnp.int32(l_len) - c * lanes - lane_iota
        u = jnp.where(t >= l_len, t - l_len, t)
        acc = jnp.zeros((lanes,), jnp.float32)
        for b in range(b_sz):
          v = plsc.load_gather(
              d_v, [jnp.full((lanes,), b, jnp.int32), u]) * scale
          mv_v[b, sl] = v
          acc = acc + v
        bm_v[sl] = acc * jnp.float32(1.0 / b_sz)
        return carry

      lax.fori_loop(0, n_chunks, scale_chunk, 0)

      def reduce4(g):
        base = g * 4 * lanes
        m = bm_v[pl.ds(base, lanes)]
        j = base + lane_iota
        for t in range(1, 4):
          vt = bm_v[pl.ds(base + t * lanes, lanes)]
          bt = vt > m
          j = jnp.where(bt, base + t * lanes + lane_iota, j)
          m = jnp.where(bt, vt, m)
        bm4_v[pl.ds(g * lanes, lanes)] = m
        bi4_v[pl.ds(g * lanes, lanes)] = j

      def red_loop(g, carry):
        reduce4(g)
        return carry

      lax.fori_loop(0, n_chunks // 4, red_loop, 0)

      found = []
      for _ in range(top_k):
        def scan_chunk(c, carry):
          run_max, run_idx = carry
          v = bm4_v[pl.ds(c * lanes, lanes)]
          ji = bi4_v[pl.ds(c * lanes, lanes)]
          better = v > run_max
          run_max = jnp.where(better, v, run_max)
          run_idx = jnp.where(better, ji, run_idx)
          return run_max, run_idx

        run_max, run_idx = lax.fori_loop(
            0, n_chunks // 4, scan_chunk,
            (jnp.full((lanes,), neg_inf, jnp.float32),
             jnp.zeros((lanes,), jnp.int32)))
        skeys, _ = plsc.sort_key_val(run_max, run_idx, descending=True)
        gmax = skeys[0]
        cand = jnp.where(run_max == gmax, run_idx, jnp.int32(2**31 - 1))
        scand, _ = plsc.sort_key_val(cand, run_idx, descending=False)
        sel = scand[0]
        found.append(sel)
        c_sel = sel // lanes
        sl = pl.ds(c_sel * lanes, lanes)
        bm_v[sl] = jnp.where(lane_iota == sel % lanes, neg_inf, bm_v[sl])
        reduce4(sel // (4 * lanes))

      idxs = jnp.zeros((lanes,), jnp.int32)
      for i, sel in enumerate(found):
        idxs = jnp.where(lane_iota == i, sel, idxs)
      idx_v[...] = idxs

      valid = lane_iota < top_k
      gather_idx = jnp.where(valid, idxs, 0)
      for b in range(b_sz):
        logits = plsc.load_gather(
            mv_v, [jnp.full((lanes,), b, jnp.int32), gather_idx])
        logits = jnp.where(valid, logits, neg_inf)
        skeys, _ = plsc.sort_key_val(logits, gather_idx, descending=True)
        mx = skeys[0]
        e = jnp.where(valid, jnp.exp(logits - mx), jnp.float32(0.0))
        z = jnp.float32(0.0)
        for i in range(lanes):
          z = z + e[i]
        w_v[b, :] = jnp.where(lane_iota == top_k, z, e)

      pltpu.sync_copy(idx_v, idx_hbm)
      pltpu.sync_copy(w_v, w_hbm)

  return topk_kernel



def _agg_kernel(idx_ref, w_ref, v_ref, out_ref, *, top_k):
  b = pl.program_id(0)
  v = v_ref[0]
  l_len = v.shape[-1]
  acc = jnp.zeros_like(v)
  inv_z = 1.0 / w_ref[b * 16 + top_k]
  for i in range(top_k):
    shift = (l_len - idx_ref[i]) & (l_len - 1)
    acc = acc + pltpu.roll(v, shift, axis=2) * (w_ref[b * 16 + i] * inv_z)
  out_ref[0] = acc


def _aggregate(values, idx, w, top_k):
  b_sz, h_sz, d_sz, l_len = values.shape
  h_blk = 1
  grid_spec = pltpu.PrefetchScalarGridSpec(
      num_scalar_prefetch=2,
      grid=(b_sz, h_sz // h_blk),
      in_specs=[
          pl.BlockSpec((1, h_blk, d_sz, l_len), lambda b, h, i_r, w_r: (b, h, 0, 0)),
      ],
      out_specs=pl.BlockSpec((1, h_blk, d_sz, l_len), lambda b, h, i_r, w_r: (b, h, 0, 0)),
  )
  return pl.pallas_call(
      functools.partial(_agg_kernel, top_k=top_k),
      grid_spec=grid_spec,
      out_shape=jax.ShapeDtypeStruct(values.shape, values.dtype),
      compiler_params=pltpu.CompilerParams(
          dimension_semantics=("parallel", "parallel"),
      ),
  )(idx, w.reshape(-1), values)



def kernel(queries, keys, values, attn_mask):
  del attn_mask
  b_sz, h_sz, l_len, d_sz = queries.shape
  f_len = h_sz * d_sz
  top_k = int(math.log(l_len))

  q3 = queries.transpose(0, 1, 3, 2).reshape(b_sz, f_len, l_len)
  k3 = keys.transpose(0, 1, 3, 2).reshape(b_sz, f_len, l_len)

  corr_sum = _mean_corr(q3, k3, blk_r=512)
  corr_sum = corr_sum.reshape(b_sz, l_len)

  topk_fn = _make_topk_sc(b_sz, l_len, top_k, 1.0 / f_len)
  idx, w = topk_fn(corr_sum)

  vp = values.transpose(0, 1, 3, 2)
  outp = _aggregate(vp, idx, w, top_k)
  return outp.transpose(0, 1, 3, 2)

# --- scband reference (transcript-rebuilt; emitter-appended) ---
"""Pipeline reference for scband-auto-correlation-73194832658440 (READ-ONLY COPY).

The authoritative reference and input builder live on the scoring server;
editing this copy changes nothing except your own understanding.
"""

import jax, jax.numpy as jnp
import numpy as np

FACTOR = 1


def setup_inputs(seed: int = 0) -> dict:
    key = jax.random.key(seed)
    kq, kk, kv = jax.random.split(key, 3)
    B, H, L, D = 4, 16, 2048, 64
    queries = jax.random.normal(kq, (B, H, L, D), dtype=jnp.float32)
    keys = jax.random.normal(kk, (B, H, L, D), dtype=jnp.float32)
    values = jax.random.normal(kv, (B, H, L, D), dtype=jnp.float32)
    attn_mask = jnp.zeros((B, 1, L, L), dtype=bool)
    return {"queries": queries, "keys": keys, "values": values, "attn_mask": attn_mask}


def _corr(queries, keys, L):
    # [B,H,L,D] -> [B,H,D,L] -> rFFT autocorrelation -> [B,H,D,L]
    q_fft = jnp.fft.rfft(jnp.transpose(queries, (0, 1, 3, 2)), axis=-1)
    k_fft = jnp.fft.rfft(jnp.transpose(keys, (0, 1, 3, 2)), axis=-1)
    res = q_fft * jnp.conj(k_fft)
    corr = jnp.fft.irfft(res, n=L, axis=-1)
    return corr  # [B,H,D,L]


def _time_delay_agg_training(values_p, corr, index, top_k):
    # values_p, corr: [B,H,D,L]; index: traced int32 array of top-k delays
    mean_value = jnp.mean(jnp.mean(corr, axis=1), axis=1)  # [B, L]
    weights = jnp.take(mean_value, index, axis=1)  # [B, top_k]
    tmp_corr = jax.nn.softmax(weights, axis=-1)
    delays_agg = jnp.zeros_like(values_p)
    for i in range(top_k):
        pattern = jnp.roll(values_p, -index[i], axis=-1)
        delays_agg = delays_agg + pattern * tmp_corr[:, i][:, None, None, None]
    return delays_agg  # [B,H,D,L]


def reference(queries, keys, values, attn_mask):
    # Faithful jax translation of AutoCorrelation.forward (training path, dropout is
    # defined but unused in the original forward; attn_mask is unused).
    B, H, L, D = queries.shape
    corr = _corr(queries, keys, L)  # [B,H,D,L]
    values_p = jnp.transpose(values, (0, 1, 3, 2))  # [B,H,D,L]
    top_k = int(FACTOR * np.log(L))
    mean_value = jnp.mean(jnp.mean(corr, axis=1), axis=1)  # [B, L]
    _, index = jax.lax.top_k(jnp.mean(mean_value, axis=0), top_k)
    V = _time_delay_agg_training(values_p, corr, index, top_k)
    V = jnp.transpose(V, (0, 1, 3, 2))  # [B,H,L,D]
    return V

if __name__ == "__main__":
    import jax
    _d = setup_inputs()
    print(jax.jit(kernel)(*tuple(_d.values())))

</pallas_src>

<mosaic_0001>
#map = affine_map<(d0, d1) -> (0, 0)>
#map1 = affine_map<(d0, d1) -> (0)>
module attributes {stable_mosaic.version = 14 : i64} {
  func.func @_rewritten_body(%arg0: i32, %arg1: i32, %arg2: memref<4x2048xf32, #tpu.memory_space<hbm>>, %arg3: memref<1xf32, #tpu.memory_space<hbm>>, %arg4: memref<16xi32, #tpu.memory_space<hbm>>, %arg5: memref<4x16xf32, #tpu.memory_space<hbm>>, %arg6: memref<4x2048xf32, #tpu.memory_space<vmem>>, %arg7: memref<4x2048xf32, #tpu.memory_space<vmem>>, %arg8: memref<2048xf32, #tpu.memory_space<vmem>>, %arg9: memref<512xf32, #tpu.memory_space<vmem>>, %arg10: memref<512xi32, #tpu.memory_space<vmem>>, %arg11: memref<16xi32, #tpu.memory_space<vmem>>, %arg12: memref<4x16xf32, #tpu.memory_space<vmem>>) attributes {dimension_semantics = [#tpu.dimension_semantics<core_parallel>, #tpu.dimension_semantics<subcore_parallel>], iteration_bounds = array<i64: 2, 16>, scalar_prefetch = 0 : i64, scratch_operands = 7 : i64, tpu.core_type = #tpu.core_type<sc_vector_subcore>, window_params = [{transform_indices = #map}, {transform_indices = #map1}, {transform_indices = #map1}, {transform_indices = #map}]} {
    %empty_ref3A = memref.alloca() : memref<16xf32, #tpu.memory_space<vmem>>
    "tpu.region"() ({
      %run_scoped3A = tpu.sem_alloc : memref<!tpu.dma_semaphore, #tpu.memory_space<semaphore_mem>>
      %dma_start3A = arith.constant 0 : i32
      %dma_start3A_5 = tpu.memref_slice %empty_ref3A[%dma_start3A] : memref<16xf32, #tpu.memory_space<vmem>> -> memref<1xf32, #tpu.memory_space<vmem>>
      %dma_start3A_6 = arith.constant 0 : i32
      %dma_start3A_7 = tpu.memref_slice %empty_ref3A[%dma_start3A_6] : memref<16xf32, #tpu.memory_space<vmem>> -> memref<1xf32, #tpu.memory_space<vmem>>
      tpu.enqueue_dma source(%arg3 : memref<1xf32, #tpu.memory_space<hbm>>) target(%dma_start3A_7 : memref<1xf32, #tpu.memory_space<vmem>>) target_semaphore(%run_scoped3A : memref<!tpu.dma_semaphore, #tpu.memory_space<semaphore_mem>>)
      %dma_wait3A = arith.constant 0 : i32
      %dma_wait3A_8 = tpu.memref_slice %empty_ref3A[%dma_wait3A] : memref<16xf32, #tpu.memory_space<vmem>> -> memref<1xf32, #tpu.memory_space<vmem>>
      %dma_wait3A_9 = arith.constant 0 : i32
      %dma_wait3A_10 = tpu.memref_slice %empty_ref3A[%dma_wait3A_9] : memref<16xf32, #tpu.memory_space<vmem>> -> memref<1xf32, #tpu.memory_space<vmem>>
      tpu.wait_dma2 semaphore(%run_scoped3A : memref<!tpu.dma_semaphore, #tpu.memory_space<semaphore_mem>>) src(%arg3 : memref<1xf32, #tpu.memory_space<hbm>>) dst(%dma_wait3A_10 : memref<1xf32, #tpu.memory_space<vmem>>)
      tpu.yield
    }) : () -> ()
    %get3A = arith.constant 0 : index
    %get3A_0 = tpu.vector_load %empty_ref3A[%get3A] {strides = array<i32>} : memref<16xf32, #tpu.memory_space<vmem>>, vector<16xf32>,
    %slice3A = vector.extract_strided_slice %get3A_0 {offsets = [0], sizes = [1], strides = [1]} : vector<16xf32> to vector<1xf32>
    %squeeze3A = vector.extract %slice3A[0] : f32 from vector<1xf32>
    %eq3A = arith.constant 0 : i32
    %eq3A_1 = arith.cmpi eq, %arg0, %eq3A : i32
    %eq3A_2 = arith.constant 0 : i32
    %eq3A_3 = arith.cmpi eq, %arg1, %eq3A_2 : i32
    %and3A = arith.andi %eq3A_1, %eq3A_3 : i1
    %convert_element_type3A = arith.extui %and3A : i1 to i32
    %cond3A = arith.constant 0 : i32
    %cond3A_4 = arith.cmpi ne, %convert_element_type3A, %cond3A : i32
    scf.if %cond3A_4 {
      "tpu.region"() ({
        %run_scoped3A = tpu.sem_alloc : memref<!tpu.dma_semaphore, #tpu.memory_space<semaphore_mem>>
        tpu.enqueue_dma source(%arg2 : memref<4x2048xf32, #tpu.memory_space<hbm>>) target(%arg6 : memref<4x2048xf32, #tpu.memory_space<vmem>>) target_semaphore(%run_scoped3A : memref<!tpu.dma_semaphore, #tpu.memory_space<semaphore_mem>>)
        tpu.wait_dma2 semaphore(%run_scoped3A : memref<!tpu.dma_semaphore, #tpu.memory_space<semaphore_mem>>) src(%arg2 : memref<4x2048xf32, #tpu.memory_space<hbm>>) dst(%arg6 : memref<4x2048xf32, #tpu.memory_space<vmem>>)
        tpu.yield
      }) : () -> ()
      %iota3A = tpu.iota {dimensions = array<i32: 0>} : vector<16xi32>
      %scan3A = arith.constant 0 : i32
      %scan3A_5 = arith.constant 9.765625E-4 : f32
      %scan3A_6 = arith.constant 0 : i32
      %scan3A_7 = arith.constant 128 : i32
      %scan3A_8 = arith.addi %scan3A_6, %scan3A_7 : i32
      %scan3A_9 = arith.constant 1 : i32
      scf.for %scan3A_1417 = %scan3A_6 to %scan3A_8 step %scan3A_9  : i32 {
        %mul3A_1418 = arith.constant 16 : i32
        %mul3A_1419 = arith.muli %scan3A_1417, %mul3A_1418 : i32
        %mul3A_1420 = arith.constant 16 : i32
        %mul3A_1421 = arith.muli %scan3A_1417, %mul3A_1420 : i32
        %sub3A_1422 = arith.constant 2048 : i32
        %sub3A_1423 = arith.subi %sub3A_1422, %mul3A_1421 : i32
        %sub3A_1424 = vector.broadcast %sub3A_1423 : i32 to vector<16xi32>
        %sub3A_1425 = arith.subi %sub3A_1424, %iota3A : vector<16xi32>
        %ge3A = arith.constant 2048 : i32
        %ge3A_1426 = vector.broadcast %ge3A : i32 to vector<16xi32>
        %ge3A_1427 = arith.cmpi sge, %sub3A_1425, %ge3A_1426 : vector<16xi32>
        %sub3A_1428 = arith.constant 2048 : i32
        %sub3A_1429 = vector.broadcast %sub3A_1428 : i32 to vector<16xi32>
        %sub3A_1430 = arith.subi %sub3A_1425, %sub3A_1429 : vector<16xi32>
        %select_n3A_1431 = arith.select %ge3A_1427, %sub3A_1430, %sub3A_1425 : vector<16xi1>, vector<16xi32>
        %broadcast_in_dim3A_1432 = arith.constant 0.000000e+00 : f32
        %broadcast_in_dim3A_1433 = vector.broadcast %broadcast_in_dim3A_1432 : f32 to vector<16xf32>
        %broadcast_in_dim3A_1434 = arith.constant 0 : i32
        %broadcast_in_dim3A_1435 = vector.broadcast %broadcast_in_dim3A_1434 : i32 to vector<16xi32>
        %gather3A_1436 = tpu.vector_load_idx %arg6[%broadcast_in_dim3A_1435, %select_n3A_1431] : memref<4x2048xf32, #tpu.memory_space<vmem>>[vector<16xi32>, vector<16xi32>], vector<16xf32>,
        %mul3A_1437 = vector.broadcast %scan3A_5 : f32 to vector<16xf32>
        %mul3A_1438 = arith.mulf %gather3A_1436, %mul3A_1437 : vector<16xf32>
        %swap3A_1439 = arith.constant 0 : i32
        %swap3A_1440 = arith.index_cast %swap3A_1439 : i32 to index
        %swap3A_1441 = arith.index_cast %mul3A_1419 : i32 to index
        %swap3A_1442 = tpu.vector_load %arg7[%swap3A_1440, %swap3A_1441] {strides = array<i32>} : memref<4x2048xf32, #tpu.memory_space<vmem>>, vector<16xf32>,
        tpu.vector_store %arg7[%swap3A_1440, %swap3A_1441], %mul3A_1438 {strides = array<i32>} : memref<4x2048xf32, #tpu.memory_space<vmem>>, vector<16xf32>,
        %add3A_1443 = arith.addf %broadcast_in_dim3A_1433, %mul3A_1438 : vector<16xf32>
        %broadcast_in_dim3A_1444 = arith.constant 1 : i32
        %broadcast_in_dim3A_1445 = vector.broadcast %broadcast_in_dim3A_1444 : i32 to vector<16xi32>
        %gather3A_1446 = tpu.vector_load_idx %arg6[%broadcast_in_dim3A_1445, %select_n3A_1431] : memref<4x2048xf32, #tpu.memory_space<vmem>>[vector<16xi32>, vector<16xi32>], vector<16xf32>,
        %mul3A_1447 = vector.broadcast %scan3A_5 : f32 to vector<16xf32>
        %mul3A_1448 = arith.mulf %gather3A_1446, %mul3A_1447 : vector<16xf32>
        %swap3A_1449 = arith.constant 1 : i32
        %swap3A_1450 = arith.index_cast %swap3A_1449 : i32 to index
        %swap3A_1451 = arith.index_cast %mul3A_1419 : i32 to index
        %swap3A_1452 = tpu.vector_load %arg7[%swap3A_1450, %swap3A_1451] {strides = array<i32>} : memref<4x2048xf32, #tpu.memory_space<vmem>>, vector<16xf32>,
        tpu.vector_store %arg7[%swap3A_1450, %swap3A_1451], %mul3A_1448 {strides = array<i32>} : memref<4x2048xf32, #tpu.memory_space<vmem>>, vector<16xf32>,
        %add3A_1453 = arith.addf %add3A_1443, %mul3A_1448 : vector<16xf32>
        %broadcast_in_dim3A_1454 = arith.constant 2 : i32
        %broadcast_in_dim3A_1455 = vector.broadcast %broadcast_in_dim3A_1454 : i32 to vector<16xi32>
        %gather3A_1456 = tpu.vector_load_idx %arg6[%broadcast_in_dim3A_1455, %select_n3A_1431] : memref<4x2048xf32, #tpu.memory_space<vmem>>[vector<16xi32>, vector<16xi32>], vector<16xf32>,
        %mul3A_1457 = vector.broadcast %scan3A_5 : f32 to vector<16xf32>
        %mul3A_1458 = arith.mulf %gather3A_1456, %mul3A_1457 : vector<16xf32>
        %swap3A_1459 = arith.constant 2 : i32
        %swap3A_1460 = arith.index_cast %swap3A_1459 : i32 to index
        %swap3A_1461 = arith.index_cast %mul3A_1419 : i32 to index
        %swap3A_1462 = tpu.vector_load %arg7[%swap3A_1460, %swap3A_1461] {strides = array<i32>} : memref<4x2048xf32, #tpu.memory_space<vmem>>, vector<16xf32>,
        tpu.vector_store %arg7[%swap3A_1460, %swap3A_1461], %mul3A_1458 {strides = array<i32>} : memref<4x2048xf32, #tpu.memory_space<vmem>>, vector<16xf32>,
        %add3A_1463 = arith.addf %add3A_1453, %mul3A_1458 : vector<16xf32>
        %broadcast_in_dim3A_1464 = arith.constant 3 : i32
        %broadcast_in_dim3A_1465 = vector.broadcast %broadcast_in_dim3A_1464 : i32 to vector<16xi32>
        %gather3A_1466 = tpu.vector_load_idx %arg6[%broadcast_in_dim3A_1465, %select_n3A_1431] : memref<4x2048xf32, #tpu.memory_space<vmem>>[vector<16xi32>, vector<16xi32>], vector<16xf32>,
        %mul3A_1467 = vector.broadcast %scan3A_5 : f32 to vector<16xf32>
        %mul3A_1468 = arith.mulf %gather3A_1466, %mul3A_1467 : vector<16xf32>
        %swap3A_1469 = arith.constant 3 : i32
        %swap3A_1470 = arith.index_cast %swap3A_1469 : i32 to index
        %swap3A_1471 = arith.index_cast %mul3A_1419 : i32 to index
        %swap3A_1472 = tpu.vector_load %arg7[%swap3A_1470, %swap3A_1471] {strides = array<i32>} : memref<4x2048xf32, #tpu.memory_space<vmem>>, vector<16xf32>,
        tpu.vector_store %arg7[%swap3A_1470, %swap3A_1471], %mul3A_1468 {strides = array<i32>} : memref<4x2048xf32, #tpu.memory_space<vmem>>, vector<16xf32>,
        %add3A_1473 = arith.addf %add3A_1463, %mul3A_1468 : vector<16xf32>
        %mul3A_1474 = arith.constant 2.500000e-01 : f32
        %mul3A_1475 = vector.broadcast %mul3A_1474 : f32 to vector<16xf32>
        %mul3A_1476 = arith.mulf %add3A_1473, %mul3A_1475 : vector<16xf32>
        %swap3A_1477 = arith.index_cast %mul3A_1419 : i32 to index
        %swap3A_1478 = tpu.vector_load %arg8[%swap3A_1477] {strides = array<i32>} : memref<2048xf32, #tpu.memory_space<vmem>>, vector<16xf32>,
        tpu.vector_store %arg8[%swap3A_1477], %mul3A_1476 {strides = array<i32>} : memref<2048xf32, #tpu.memory_space<vmem>>, vector<16xf32>,
      }
      %scan3A_10 = arith.constant 128 : i32
      %scan3A_11 = arith.constant 0 : i32
      %scan3A_12 = arith.constant 0 : i32
      %scan3A_13 = arith.constant 32 : i32
      %scan3A_14 = arith.addi %scan3A_12, %scan3A_13 : i32
      %scan3A_15 = arith.constant 1 : i32
      scf.for %scan3A_1417 = %scan3A_12 to %scan3A_14 step %scan3A_15  : i32 {
        %mul3A_1418 = arith.constant 4 : i32
        %mul3A_1419 = arith.muli %scan3A_1417, %mul3A_1418 : i32
        %mul3A_1420 = arith.constant 16 : i32
        %mul3A_1421 = arith.muli %mul3A_1419, %mul3A_1420 : i32
        %get3A_1422 = arith.index_cast %mul3A_1421 : i32 to index
        %get3A_1423 = tpu.vector_load %arg8[%get3A_1422] {strides = array<i32>} : memref<2048xf32, #tpu.memory_space<vmem>>, vector<16xf32>,
        %add3A_1424 = vector.broadcast %mul3A_1421 : i32 to vector<16xi32>
        %add3A_1425 = arith.addi %add3A_1424, %iota3A : vector<16xi32>
        %add3A_1426 = arith.constant 16 : i32
        %add3A_1427 = arith.addi %mul3A_1421, %add3A_1426 : i32
        %get3A_1428 = arith.index_cast %add3A_1427 : i32 to index
        %get3A_1429 = tpu.vector_load %arg8[%get3A_1428] {strides = array<i32>} : memref<2048xf32, #tpu.memory_space<vmem>>, vector<16xf32>,
        %gt3A_1430 = arith.cmpf ogt, %get3A_1429, %get3A_1423 : vector<16xf32>
        %add3A_1431 = arith.constant 16 : i32
        %add3A_1432 = arith.addi %mul3A_1421, %add3A_1431 : i32
        %add3A_1433 = vector.broadcast %add3A_1432 : i32 to vector<16xi32>
        %add3A_1434 = arith.addi %add3A_1433, %iota3A : vector<16xi32>
        %select_n3A_1435 = arith.select %gt3A_1430, %add3A_1434, %add3A_1425 : vector<16xi1>, vector<16xi32>
        %select_n3A_1436 = arith.select %gt3A_1430, %get3A_1429, %get3A_1423 : vector<16xi1>, vector<16xf32>
        %add3A_1437 = arith.constant 32 : i32
        %add3A_1438 = arith.addi %mul3A_1421, %add3A_1437 : i32
        %get3A_1439 = arith.index_cast %add3A_1438 : i32 to index
        %get3A_1440 = tpu.vector_load %arg8[%get3A_1439] {strides = array<i32>} : memref<2048xf32, #tpu.memory_space<vmem>>, vector<16xf32>,
        %gt3A_1441 = arith.cmpf ogt, %get3A_1440, %select_n3A_1436 : vector<16xf32>
        %add3A_1442 = arith.constant 32 : i32
        %add3A_1443 = arith.addi %mul3A_1421, %add3A_1442 : i32
        %add3A_1444 = vector.broadcast %add3A_1443 : i32 to vector<16xi32>
        %add3A_1445 = arith.addi %add3A_1444, %iota3A : vector<16xi32>
        %select_n3A_1446 = arith.select %gt3A_1441, %add3A_1445, %select_n3A_1435 : vector<16xi1>, vector<16xi32>
        %select_n3A_1447 = arith.select %gt3A_1441, %get3A_1440, %select_n3A_1436 : vector<16xi1>, vector<16xf32>
        %add3A_1448 = arith.constant 48 : i32
        %add3A_1449 = arith.addi %mul3A_1421, %add3A_1448 : i32
        %get3A_1450 = arith.index_cast %add3A_1449 : i32 to index
        %get3A_1451 = tpu.vector_load %arg8[%get3A_1450] {strides = array<i32>} : memref<2048xf32, #tpu.memory_space<vmem>>, vector<16xf32>,
        %gt3A_1452 = arith.cmpf ogt, %get3A_1451, %select_n3A_1447 : vector<16xf32>
        %add3A_1453 = arith.constant 48 : i32
        %add3A_1454 = arith.addi %mul3A_1421, %add3A_1453 : i32
        %add3A_1455 = vector.broadcast %add3A_1454 : i32 to vector<16xi32>
        %add3A_1456 = arith.addi %add3A_1455, %iota3A : vector<16xi32>
        %select_n3A_1457 = arith.select %gt3A_1452, %add3A_1456, %select_n3A_1446 : vector<16xi1>, vector<16xi32>
        %select_n3A_1458 = arith.select %gt3A_1452, %get3A_1451, %select_n3A_1447 : vector<16xi1>, vector<16xf32>
        %mul3A_1459 = arith.constant 16 : i32
        %mul3A_1460 = arith.muli %scan3A_1417, %mul3A_1459 : i32
        %swap3A_1461 = arith.index_cast %mul3A_1460 : i32 to index
        %swap3A_1462 = tpu.vector_load %arg9[%swap3A_1461] {strides = array<i32>} : memref<512xf32, #tpu.memory_space<vmem>>, vector<16xf32>,
        tpu.vector_store %arg9[%swap3A_1461], %select_n3A_1458 {strides = array<i32>} : memref<512xf32, #tpu.memory_space<vmem>>, vector<16xf32>,
        %mul3A_1463 = arith.constant 16 : i32
        %mul3A_1464 = arith.muli %scan3A_1417, %mul3A_1463 : i32
        %swap3A_1465 = arith.index_cast %mul3A_1464 : i32 to index
        %swap3A_1466 = tpu.vector_load %arg10[%swap3A_1465] {strides = array<i32>} : memref<512xi32, #tpu.memory_space<vmem>>, vector<16xi32>,
        tpu.vector_store %arg10[%swap3A_1465], %select_n3A_1457 {strides = array<i32>} : memref<512xi32, #tpu.memory_space<vmem>>, vector<16xi32>,
      }
      %scan3A_16 = arith.constant 32 : i32
      %broadcast_in_dim3A = vector.broadcast %squeeze3A : f32 to vector<16xf32>
      %broadcast_in_dim3A_17 = arith.constant 0 : i32
      %broadcast_in_dim3A_18 = vector.broadcast %broadcast_in_dim3A_17 : i32 to vector<16xi32>
      %scan3A_19 = arith.constant 0 : i32
      %scan3A_20 = arith.constant 32 : i32
      %scan3A_21 = arith.addi %scan3A_19, %scan3A_20 : i32
      %scan3A_22 = arith.constant 1 : i32
      %scan3A_23:2 = scf.for %scan3A_1417 = %scan3A_19 to %scan3A_21 step %scan3A_22 iter_args(%scan3A_1418 = %broadcast_in_dim3A, %scan3A_1419 = %broadcast_in_dim3A_18) -> (vector<16xf32>, vector<16xi32>)  : i32 {
        %mul3A_1420 = arith.constant 16 : i32
        %mul3A_1421 = arith.muli %scan3A_1417, %mul3A_1420 : i32
        %get3A_1422 = arith.index_cast %mul3A_1421 : i32 to index
        %get3A_1423 = tpu.vector_load %arg9[%get3A_1422] {strides = array<i32>} : memref<512xf32, #tpu.memory_space<vmem>>, vector<16xf32>,
        %mul3A_1424 = arith.constant 16 : i32
        %mul3A_1425 = arith.muli %scan3A_1417, %mul3A_1424 : i32
        %get3A_1426 = arith.index_cast %mul3A_1425 : i32 to index
        %get3A_1427 = tpu.vector_load %arg10[%get3A_1426] {strides = array<i32>} : memref<512xi32, #tpu.memory_space<vmem>>, vector<16xi32>,
        %gt3A_1428 = arith.cmpf ogt, %get3A_1423, %scan3A_1418 : vector<16xf32>
        %select_n3A_1429 = arith.select %gt3A_1428, %get3A_1423, %scan3A_1418 : vector<16xi1>, vector<16xf32>
        %select_n3A_1430 = arith.select %gt3A_1428, %get3A_1427, %scan3A_1419 : vector<16xi1>, vector<16xi32>
        scf.yield %select_n3A_1429, %select_n3A_1430 : vector<16xf32>, vector<16xi32>
      }
      %scan3A_24 = arith.constant 32 : i32
      %masked_sort3A = arith.constant dense<true> : vector<16xi1>
      %masked_sort3A_25, %masked_sort3A_26, %masked_sort3A_27 = tpu.sort %scan3A_23#0, %scan3A_23#1 masked %masked_sort3A {descending = true} : (vector<16xf32>, vector<16xi32>, vector<16xi1>) -> (vector<16xi1>, vector<16xf32>, vector<16xi32>)
      %slice3A_28 = vector.extract_strided_slice %masked_sort3A_26 {offsets = [0], sizes = [1], strides = [1]} : vector<16xf32> to vector<1xf32>
      %squeeze3A_29 = vector.extract %slice3A_28[0] : f32 from vector<1xf32>
      %eq3A_30 = vector.broadcast %squeeze3A_29 : f32 to vector<16xf32>
      %eq3A_31 = arith.cmpf oeq, %scan3A_23#0, %eq3A_30 : vector<16xf32>
      %jit3A = arith.constant 2147483647 : i32
      %broadcast_in_dim3A_32 = vector.broadcast %jit3A : i32 to vector<16xi32>
      %select_n3A = arith.select %eq3A_31, %scan3A_23#1, %broadcast_in_dim3A_32 : vector<16xi1>, vector<16xi32>
      %masked_sort3A_33 = arith.constant dense<true> : vector<16xi1>
      %masked_sort3A_34 = arith.constant -2147483648 : i32
      %masked_sort3A_35 = vector.broadcast %masked_sort3A_34 : i32 to vector<16xi32>
      %masked_sort3A_36 = arith.xori %select_n3A, %masked_sort3A_35 : vector<16xi32>
      %masked_sort3A_37, %masked_sort3A_38, %masked_sort3A_39 = tpu.sort %masked_sort3A_36, %scan3A_23#1 masked %masked_sort3A_33 : (vector<16xi32>, vector<16xi32>, vector<16xi1>) -> (vector<16xi1>, vector<16xi32>, vector<16xi32>)
      %masked_sort3A_40 = arith.xori %masked_sort3A_38, %masked_sort3A_35 : vector<16xi32>
      %slice3A_41 = vector.extract_strided_slice %masked_sort3A_40 {offsets = [0], sizes = [1], strides = [1]} : vector<16xi32> to vector<1xi32>
      %squeeze3A_42 = vector.extract %slice3A_41[0] : i32 from vector<1xi32>
      %jit3A_43 = arith.constant 16 : i32
      %div3A = arith.divsi %squeeze3A_42, %jit3A_43 : i32
      %sign3A = arith.constant 0 : i32
      %sign3A_44 = arith.cmpi sgt, %squeeze3A_42, %sign3A : i32
      %sign3A_45 = arith.extui %sign3A_44 : i1 to i32
      %sign3A_46 = arith.constant 0 : i32
      %sign3A_47 = arith.cmpi slt, %squeeze3A_42, %sign3A_46 : i32
      %sign3A_48 = arith.extui %sign3A_47 : i1 to i32
      %sign3A_49 = arith.subi %sign3A_45, %sign3A_48 : i32
      %sign3A_50 = arith.constant 0 : i32
      %sign3A_51 = arith.cmpi sgt, %jit3A_43, %sign3A_50 : i32
      %sign3A_52 = arith.extui %sign3A_51 : i1 to i32
      %sign3A_53 = arith.constant 0 : i32
      %sign3A_54 = arith.cmpi slt, %jit3A_43, %sign3A_53 : i32
      %sign3A_55 = arith.extui %sign3A_54 : i1 to i32
      %sign3A_56 = arith.subi %sign3A_52, %sign3A_55 : i32
      %ne3A = arith.cmpi ne, %sign3A_49, %sign3A_56 : i32
      %rem3A = arith.remsi %squeeze3A_42, %jit3A_43 : i32
      %ne3A_57 = arith.constant 0 : i32
      %ne3A_58 = arith.cmpi ne, %rem3A, %ne3A_57 : i32
      %and3A_59 = arith.andi %ne3A, %ne3A_58 : i1
      %sub3A = arith.constant 1 : i32
      %sub3A_60 = arith.subi %div3A, %sub3A : i32
      %select_n3A_61 = arith.select %and3A_59, %sub3A_60, %div3A : i32
      %mul3A = arith.constant 16 : i32
      %mul3A_62 = arith.muli %select_n3A_61, %mul3A : i32
      %jit3A_63 = arith.constant 16 : i32
      %eq3A_64 = arith.constant 0 : i32
      %eq3A_65 = arith.cmpi eq, %jit3A_63, %eq3A_64 : i32
      %jit3A_66 = arith.constant 1 : i32
      %select_n3A_67 = arith.select %eq3A_65, %jit3A_66, %jit3A_63 : i32
      %rem3A_68 = arith.remsi %squeeze3A_42, %select_n3A_67 : i32
      %ne3A_69 = arith.constant 0 : i32
      %ne3A_70 = arith.cmpi ne, %rem3A_68, %ne3A_69 : i32
      %lt3A = arith.constant 0 : i32
      %lt3A_71 = arith.cmpi slt, %rem3A_68, %lt3A : i32
      %lt3A_72 = arith.constant 0 : i32
      %lt3A_73 = arith.cmpi slt, %select_n3A_67, %lt3A_72 : i32
      %ne3A_74 = arith.xori %lt3A_71, %lt3A_73 : i1
      %and3A_75 = arith.andi %ne3A_74, %ne3A_70 : i1
      %add3A = arith.addi %rem3A_68, %select_n3A_67 : i32
      %select_n3A_76 = arith.select %and3A_75, %add3A, %rem3A_68 : i32
      %eq3A_77 = vector.broadcast %select_n3A_76 : i32 to vector<16xi32>
      %eq3A_78 = arith.cmpi eq, %iota3A, %eq3A_77 : vector<16xi32>
      %get3A_79 = arith.index_cast %mul3A_62 : i32 to index
      %get3A_80 = tpu.vector_load %arg8[%get3A_79] {strides = array<i32>} : memref<2048xf32, #tpu.memory_space<vmem>>, vector<16xf32>,
      %broadcast_in_dim3A_81 = vector.broadcast %squeeze3A : f32 to vector<16xf32>
      %select_n3A_82 = arith.select %eq3A_78, %broadcast_in_dim3A_81, %get3A_80 : vector<16xi1>, vector<16xf32>
      %swap3A = arith.index_cast %mul3A_62 : i32 to index
      %swap3A_83 = tpu.vector_load %arg8[%swap3A] {strides = array<i32>} : memref<2048xf32, #tpu.memory_space<vmem>>, vector<16xf32>,
      tpu.vector_store %arg8[%swap3A], %select_n3A_82 {strides = array<i32>} : memref<2048xf32, #tpu.memory_space<vmem>>, vector<16xf32>,
      %jit3A_84 = arith.constant 64 : i32
      %div3A_85 = arith.divsi %squeeze3A_42, %jit3A_84 : i32
      %sign3A_86 = arith.constant 0 : i32
      %sign3A_87 = arith.cmpi sgt, %squeeze3A_42, %sign3A_86 : i32
      %sign3A_88 = arith.extui %sign3A_87 : i1 to i32
      %sign3A_89 = arith.constant 0 : i32
      %sign3A_90 = arith.cmpi slt, %squeeze3A_42, %sign3A_89 : i32
      %sign3A_91 = arith.extui %sign3A_90 : i1 to i32
      %sign3A_92 = arith.subi %sign3A_88, %sign3A_91 : i32
      %sign3A_93 = arith.constant 0 : i32
      %sign3A_94 = arith.cmpi sgt, %jit3A_84, %sign3A_93 : i32
      %sign3A_95 = arith.extui %sign3A_94 : i1 to i32
      %sign3A_96 = arith.constant 0 : i32
      %sign3A_97 = arith.cmpi slt, %jit3A_84, %sign3A_96 : i32
      %sign3A_98 = arith.extui %sign3A_97 : i1 to i32
      %sign3A_99 = arith.subi %sign3A_95, %sign3A_98 : i32
      %ne3A_100 = arith.cmpi ne, %sign3A_92, %sign3A_99 : i32
      %rem3A_101 = arith.remsi %squeeze3A_42, %jit3A_84 : i32
      %ne3A_102 = arith.constant 0 : i32
      %ne3A_103 = arith.cmpi ne, %rem3A_101, %ne3A_102 : i32
      %and3A_104 = arith.andi %ne3A_100, %ne3A_103 : i1
      %sub3A_105 = arith.constant 1 : i32
      %sub3A_106 = arith.subi %div3A_85, %sub3A_105 : i32
      %select_n3A_107 = arith.select %and3A_104, %sub3A_106, %div3A_85 : i32
      %mul3A_108 = arith.constant 4 : i32
      %mul3A_109 = arith.muli %select_n3A_107, %mul3A_108 : i32
      %mul3A_110 = arith.constant 16 : i32
      %mul3A_111 = arith.muli %mul3A_109, %mul3A_110 : i32
      %get3A_112 = arith.index_cast %mul3A_111 : i32 to index
      %get3A_113 = tpu.vector_load %arg8[%get3A_112] {strides = array<i32>} : memref<2048xf32, #tpu.memory_space<vmem>>, vector<16xf32>,
      %add3A_114 = vector.broadcast %mul3A_111 : i32 to vector<16xi32>
      %add3A_115 = arith.addi %add3A_114, %iota3A : vector<16xi32>
      %add3A_116 = arith.constant 16 : i32
      %add3A_117 = arith.addi %mul3A_111, %add3A_116 : i32
      %get3A_118 = arith.index_cast %add3A_117 : i32 to index
      %get3A_119 = tpu.vector_load %arg8[%get3A_118] {strides = array<i32>} : memref<2048xf32, #tpu.memory_space<vmem>>, vector<16xf32>,
      %gt3A = arith.cmpf ogt, %get3A_119, %get3A_113 : vector<16xf32>
      %add3A_120 = arith.constant 16 : i32
      %add3A_121 = arith.addi %mul3A_111, %add3A_120 : i32
      %add3A_122 = vector.broadcast %add3A_121 : i32 to vector<16xi32>
      %add3A_123 = arith.addi %add3A_122, %iota3A : vector<16xi32>
      %select_n3A_124 = arith.select %gt3A, %add3A_123, %add3A_115 : vector<16xi1>, vector<16xi32>
      %select_n3A_125 = arith.select %gt3A, %get3A_119, %get3A_113 : vector<16xi1>, vector<16xf32>
      %add3A_126 = arith.constant 32 : i32
      %add3A_127 = arith.addi %mul3A_111, %add3A_126 : i32
      %get3A_128 = arith.index_cast %add3A_127 : i32 to index
      %get3A_129 = tpu.vector_load %arg8[%get3A_128] {strides = array<i32>} : memref<2048xf32, #tpu.memory_space<vmem>>, vector<16xf32>,
      %gt3A_130 = arith.cmpf ogt, %get3A_129, %select_n3A_125 : vector<16xf32>
      %add3A_131 = arith.constant 32 : i32
      %add3A_132 = arith.addi %mul3A_111, %add3A_131 : i32
      %add3A_133 = vector.broadcast %add3A_132 : i32 to vector<16xi32>
      %add3A_134 = arith.addi %add3A_133, %iota3A : vector<16xi32>
      %select_n3A_135 = arith.select %gt3A_130, %add3A_134, %select_n3A_124 : vector<16xi1>, vector<16xi32>
      %select_n3A_136 = arith.select %gt3A_130, %get3A_129, %select_n3A_125 : vector<16xi1>, vector<16xf32>
      %add3A_137 = arith.constant 48 : i32
      %add3A_138 = arith.addi %mul3A_111, %add3A_137 : i32
      %get3A_139 = arith.index_cast %add3A_138 : i32 to index
      %get3A_140 = tpu.vector_load %arg8[%get3A_139] {strides = array<i32>} : memref<2048xf32, #tpu.memory_space<vmem>>, vector<16xf32>,
      %gt3A_141 = arith.cmpf ogt, %get3A_140, %select_n3A_136 : vector<16xf32>
      %add3A_142 = arith.constant 48 : i32
      %add3A_143 = arith.addi %mul3A_111, %add3A_142 : i32
      %add3A_144 = vector.broadcast %add3A_143 : i32 to vector<16xi32>
      %add3A_145 = arith.addi %add3A_144, %iota3A : vector<16xi32>
      %select_n3A_146 = arith.select %gt3A_141, %add3A_145, %select_n3A_135 : vector<16xi1>, vector<16xi32>
      %select_n3A_147 = arith.select %gt3A_141, %get3A_140, %select_n3A_136 : vector<16xi1>, vector<16xf32>
      %mul3A_148 = arith.constant 16 : i32
      %mul3A_149 = arith.muli %select_n3A_107, %mul3A_148 : i32
      %swap3A_150 = arith.index_cast %mul3A_149 : i32 to index
      %swap3A_151 = tpu.vector_load %arg9[%swap3A_150] {strides = array<i32>} : memref<512xf32, #tpu.memory_space<vmem>>, vector<16xf32>,
      tpu.vector_store %arg9[%swap3A_150], %select_n3A_147 {strides = array<i32>} : memref<512xf32, #tpu.memory_space<vmem>>, vector<16xf32>,
      %mul3A_152 = arith.constant 16 : i32
      %mul3A_153 = arith.muli %select_n3A_107, %mul3A_152 : i32
      %swap3A_154 = arith.index_cast %mul3A_153 : i32 to index
      %swap3A_155 = tpu.vector_load %arg10[%swap3A_154] {strides = array<i32>} : memref<512xi32, #tpu.memory_space<vmem>>, vector<16xi32>,
      tpu.vector_store %arg10[%swap3A_154], %select_n3A_146 {strides = array<i32>} : memref<512xi32, #tpu.memory_space<vmem>>, vector<16xi32>,
      %broadcast_in_dim3A_156 = vector.broadcast %squeeze3A : f32 to vector<16xf32>
      %broadcast_in_dim3A_157 = arith.constant 0 : i32
      %broadcast_in_dim3A_158 = vector.broadcast %broadcast_in_dim3A_157 : i32 to vector<16xi32>
      %scan3A_159 = arith.constant 0 : i32
      %scan3A_160 = arith.constant 32 : i32
      %scan3A_161 = arith.addi %scan3A_159, %scan3A_160 : i32
      %scan3A_162 = arith.constant 1 : i32
      %scan3A_163:2 = scf.for %scan3A_1417 = %scan3A_159 to %scan3A_161 step %scan3A_162 iter_args(%scan3A_1418 = %broadcast_in_dim3A_156, %scan3A_1419 = %broadcast_in_dim3A_158) -> (vector<16xf32>, vector<16xi32>)  : i32 {
        %mul3A_1420 = arith.constant 16 : i32
        %mul3A_1421 = arith.muli %scan3A_1417, %mul3A_1420 : i32
        %get3A_1422 = arith.index_cast %mul3A_1421 : i32 to index
        %get3A_1423 = tpu.vector_load %arg9[%get3A_1422] {strides = array<i32>} : memref<512xf32, #tpu.memory_space<vmem>>, vector<16xf32>,
        %mul3A_1424 = arith.constant 16 : i32
        %mul3A_1425 = arith.muli %scan3A_1417, %mul3A_1424 : i32
        %get3A_1426 = arith.index_cast %mul3A_1425 : i32 to index
        %get3A_1427 = tpu.vector_load %arg10[%get3A_1426] {strides = array<i32>} : memref<512xi32, #tpu.memory_space<vmem>>, vector<16xi32>,
        %gt3A_1428 = arith.cmpf ogt, %get3A_1423, %scan3A_1418 : vector<16xf32>
        %select_n3A_1429 = arith.select %gt3A_1428, %get3A_1423, %scan3A_1418 : vector<16xi1>, vector<16xf32>
        %select_n3A_1430 = arith.select %gt3A_1428, %get3A_1427, %scan3A_1419 : vector<16xi1>, vector<16xi32>
        scf.yield %select_n3A_1429, %select_n3A_1430 : vector<16xf32>, vector<16xi32>
      }
      %scan3A_164 = arith.constant 32 : i32
      %masked_sort3A_165 = arith.constant dense<true> : vector<16xi1>
      %masked_sort3A_166, %masked_sort3A_167, %masked_sort3A_168 = tpu.sort %scan3A_163#0, %scan3A_163#1 masked %masked_sort3A_165 {descending = true} : (vector<16xf32>, vector<16xi32>, vector<16xi1>) -> (vector<16xi1>, vector<16xf32>, vector<16xi32>)
      %slice3A_169 = vector.extract_strided_slice %masked_sort3A_167 {offsets = [0], sizes = [1], strides = [1]} : vector<16xf32> to vector<1xf32>
      %squeeze3A_170 = vector.extract %slice3A_169[0] : f32 from vector<1xf32>
      %eq3A_171 = vector.broadcast %squeeze3A_170 : f32 to vector<16xf32>
      %eq3A_172 = arith.cmpf oeq, %scan3A_163#0, %eq3A_171 : vector<16xf32>
      %jit3A_173 = arith.constant 2147483647 : i32
      %broadcast_in_dim3A_174 = vector.broadcast %jit3A_173 : i32 to vector<16xi32>
      %select_n3A_175 = arith.select %eq3A_172, %scan3A_163#1, %broadcast_in_dim3A_174 : vector<16xi1>, vector<16xi32>
      %masked_sort3A_176 = arith.constant dense<true> : vector<16xi1>
      %masked_sort3A_177 = arith.constant -2147483648 : i32
      %masked_sort3A_178 = vector.broadcast %masked_sort3A_177 : i32 to vector<16xi32>
      %masked_sort3A_179 = arith.xori %select_n3A_175, %masked_sort3A_178 : vector<16xi32>
      %masked_sort3A_180, %masked_sort3A_181, %masked_sort3A_182 = tpu.sort %masked_sort3A_179, %scan3A_163#1 masked %masked_sort3A_176 : (vector<16xi32>, vector<16xi32>, vector<16xi1>) -> (vector<16xi1>, vector<16xi32>, vector<16xi32>)
      %masked_sort3A_183 = arith.xori %masked_sort3A_181, %masked_sort3A_178 : vector<16xi32>
      %slice3A_184 = vector.extract_strided_slice %masked_sort3A_183 {offsets = [0], sizes = [1], strides = [1]} : vector<16xi32> to vector<1xi32>
      %squeeze3A_185 = vector.extract %slice3A_184[0] : i32 from vector<1xi32>
      %jit3A_186 = arith.constant 16 : i32
      %div3A_187 = arith.divsi %squeeze3A_185, %jit3A_186 : i32
      %sign3A_188 = arith.constant 0 : i32
      %sign3A_189 = arith.cmpi sgt, %squeeze3A_185, %sign3A_188 : i32
      %sign3A_190 = arith.extui %sign3A_189 : i1 to i32
      %sign3A_191 = arith.constant 0 : i32
      %sign3A_192 = arith.cmpi slt, %squeeze3A_185, %sign3A_191 : i32
      %sign3A_193 = arith.extui %sign3A_192 : i1 to i32
      %sign3A_194 = arith.subi %sign3A_190, %sign3A_193 : i32
      %sign3A_195 = arith.constant 0 : i32
      %sign3A_196 = arith.cmpi sgt, %jit3A_186, %sign3A_195 : i32
      %sign3A_197 = arith.extui %sign3A_196 : i1 to i32
      %sign3A_198 = arith.constant 0 : i32
      %sign3A_199 = arith.cmpi slt, %jit3A_186, %sign3A_198 : i32
      %sign3A_200 = arith.extui %sign3A_199 : i1 to i32
      %sign3A_201 = arith.subi %sign3A_197, %sign3A_200 : i32
      %ne3A_202 = arith.cmpi ne, %sign3A_194, %sign3A_201 : i32
      %rem3A_203 = arith.remsi %squeeze3A_185, %jit3A_186 : i32
      %ne3A_204 = arith.constant 0 : i32
      %ne3A_205 = arith.cmpi ne, %rem3A_203, %ne3A_204 : i32
      %and3A_206 = arith.andi %ne3A_202, %ne3A_205 : i1
      %sub3A_207 = arith.constant 1 : i32
      %sub3A_208 = arith.subi %div3A_187, %sub3A_207 : i32
      %select_n3A_209 = arith.select %and3A_206, %sub3A_208, %div3A_187 : i32
      %mul3A_210 = arith.constant 16 : i32
      %mul3A_211 = arith.muli %select_n3A_209, %mul3A_210 : i32
      %jit3A_212 = arith.constant 16 : i32
      %eq3A_213 = arith.constant 0 : i32
      %eq3A_214 = arith.cmpi eq, %jit3A_212, %eq3A_213 : i32
      %jit3A_215 = arith.constant 1 : i32
      %select_n3A_216 = arith.select %eq3A_214, %jit3A_215, %jit3A_212 : i32
      %rem3A_217 = arith.remsi %squeeze3A_185, %select_n3A_216 : i32
      %ne3A_218 = arith.constant 0 : i32
      %ne3A_219 = arith.cmpi ne, %rem3A_217, %ne3A_218 : i32
      %lt3A_220 = arith.constant 0 : i32
      %lt3A_221 = arith.cmpi slt, %rem3A_217, %lt3A_220 : i32
      %lt3A_222 = arith.constant 0 : i32
      %lt3A_223 = arith.cmpi slt, %select_n3A_216, %lt3A_222 : i32
      %ne3A_224 = arith.xori %lt3A_221, %lt3A_223 : i1
      %and3A_225 = arith.andi %ne3A_224, %ne3A_219 : i1
      %add3A_226 = arith.addi %rem3A_217, %select_n3A_216 : i32
      %select_n3A_227 = arith.select %and3A_225, %add3A_226, %rem3A_217 : i32
      %eq3A_228 = vector.broadcast %select_n3A_227 : i32 to vector<16xi32>
      %eq3A_229 = arith.cmpi eq, %iota3A, %eq3A_228 : vector<16xi32>
      %get3A_230 = arith.index_cast %mul3A_211 : i32 to index
      %get3A_231 = tpu.vector_load %arg8[%get3A_230] {strides = array<i32>} : memref<2048xf32, #tpu.memory_space<vmem>>, vector<16xf32>,
      %broadcast_in_dim3A_232 = vector.broadcast %squeeze3A : f32 to vector<16xf32>
      %select_n3A_233 = arith.select %eq3A_229, %broadcast_in_dim3A_232, %get3A_231 : vector<16xi1>, vector<16xf32>
      %swap3A_234 = arith.index_cast %mul3A_211 : i32 to index
      %swap3A_235 = tpu.vector_load %arg8[%swap3A_234] {strides = array<i32>} : memref<2048xf32, #tpu.memory_space<vmem>>, vector<16xf32>,
      tpu.vector_store %arg8[%swap3A_234], %select_n3A_233 {strides = array<i32>} : memref<2048xf32, #tpu.memory_space<vmem>>, vector<16xf32>,
      %jit3A_236 = arith.constant 64 : i32
      %div3A_237 = arith.divsi %squeeze3A_185, %jit3A_236 : i32
      %sign3A_238 = arith.constant 0 : i32
      %sign3A_239 = arith.cmpi sgt, %squeeze3A_185, %sign3A_238 : i32
      %sign3A_240 = arith.extui %sign3A_239 : i1 to i32
      %sign3A_241 = arith.constant 0 : i32
      %sign3A_242 = arith.cmpi slt, %squeeze3A_185, %sign3A_241 : i32
      %sign3A_243 = arith.extui %sign3A_242 : i1 to i32
      %sign3A_244 = arith.subi %sign3A_240, %sign3A_243 : i32
      %sign3A_245 = arith.constant 0 : i32
      %sign3A_246 = arith.cmpi sgt, %jit3A_236, %sign3A_245 : i32
      %sign3A_247 = arith.extui %sign3A_246 : i1 to i32
      %sign3A_248 = arith.constant 0 : i32
      %sign3A_249 = arith.cmpi slt, %jit3A_236, %sign3A_248 : i32
      %sign3A_250 = arith.extui %sign3A_249 : i1 to i32
      %sign3A_251 = arith.subi %sign3A_247, %sign3A_250 : i32
      %ne3A_252 = arith.cmpi ne, %sign3A_244, %sign3A_251 : i32
      %rem3A_253 = arith.remsi %squeeze3A_185, %jit3A_236 : i32
      %ne3A_254 = arith.constant 0 : i32
      %ne3A_255 = arith.cmpi ne, %rem3A_253, %ne3A_254 : i32
      %and3A_256 = arith.andi %ne3A_252, %ne3A_255 : i1
      %sub3A_257 = arith.constant 1 : i32
      %sub3A_258 = arith.subi %div3A_237, %sub3A_257 : i32
      %select_n3A_259 = arith.select %and3A_256, %sub3A_258, %div3A_237 : i32
      %mul3A_260 = arith.constant 4 : i32
      %mul3A_261 = arith.muli %select_n3A_259, %mul3A_260 : i32
      %mul3A_262 = arith.constant 16 : i32
      %mul3A_263 = arith.muli %mul3A_261, %mul3A_262 : i32
      %get3A_264 = arith.index_cast %mul3A_263 : i32 to index
      %get3A_265 = tpu.vector_load %arg8[%get3A_264] {strides = array<i32>} : memref<2048xf32, #tpu.memory_space<vmem>>, vector<16xf32>,
      %add3A_266 = vector.broadcast %mul3A_263 : i32 to vector<16xi32>
      %add3A_267 = arith.addi %add3A_266, %iota3A : vector<16xi32>
      %add3A_268 = arith.constant 16 : i32
      %add3A_269 = arith.addi %mul3A_263, %add3A_268 : i32
      %get3A_270 = arith.index_cast %add3A_269 : i32 to index
      %get3A_271 = tpu.vector_load %arg8[%get3A_270] {strides = array<i32>} : memref<2048xf32, #tpu.memory_space<vmem>>, vector<16xf32>,
      %gt3A_272 = arith.cmpf ogt, %get3A_271, %get3A_265 : vector<16xf32>
      %add3A_273 = arith.constant 16 : i32
      %add3A_274 = arith.addi %mul3A_263, %add3A_273 : i32
      %add3A_275 = vector.broadcast %add3A_274 : i32 to vector<16xi32>
      %add3A_276 = arith.addi %add3A_275, %iota3A : vector<16xi32>
      %select_n3A_277 = arith.select %gt3A_272, %add3A_276, %add3A_267 : vector<16xi1>, vector<16xi32>
      %select_n3A_278 = arith.select %gt3A_272, %get3A_271, %get3A_265 : vector<16xi1>, vector<16xf32>
      %add3A_279 = arith.constant 32 : i32
      %add3A_280 = arith.addi %mul3A_263, %add3A_279 : i32
      %get3A_281 = arith.index_cast %add3A_280 : i32 to index
      %get3A_282 = tpu.vector_load %arg8[%get3A_281] {strides = array<i32>} : memref<2048xf32, #tpu.memory_space<vmem>>, vector<16xf32>,
      %gt3A_283 = arith.cmpf ogt, %get3A_282, %select_n3A_278 : vector<16xf32>
      %add3A_284 = arith.constant 32 : i32
      %add3A_285 = arith.addi %mul3A_263, %add3A_284 : i32
      %add3A_286 = vector.broadcast %add3A_285 : i32 to vector<16xi32>
      %add3A_287 = arith.addi %add3A_286, %iota3A : vector<16xi32>
      %select_n3A_288 = arith.select %gt3A_283, %add3A_287, %select_n3A_277 : vector<16xi1>, vector<16xi32>
      %select_n3A_289 = arith.select %gt3A_283, %get3A_282, %select_n3A_278 : vector<16xi1>, vector<16xf32>
      %add3A_290 = arith.constant 48 : i32
      %add3A_291 = arith.addi %mul3A_263, %add3A_290 : i32
      %get3A_292 = arith.index_cast %add3A_291 : i32 to index
      %get3A_293 = tpu.vector_load %arg8[%get3A_292] {strides = array<i32>} : memref<2048xf32, #tpu.memory_space<vmem>>, vector<16xf32>,
      %gt3A_294 = arith.cmpf ogt, %get3A_293, %select_n3A_289 : vector<16xf32>
      %add3A_295 = arith.constant 48 : i32
      %add3A_296 = arith.addi %mul3A_263, %add3A_295 : i32
      %add3A_297 = vector.broadcast %add3A_296 : i32 to vector<16xi32>
      %add3A_298 = arith.addi %add3A_297, %iota3A : vector<16xi32>
      %select_n3A_299 = arith.select %gt3A_294, %add3A_298, %select_n3A_288 : vector<16xi1>, vector<16xi32>
      %select_n3A_300 = arith.select %gt3A_294, %get3A_293, %select_n3A_289 : vector<16xi1>, vector<16xf32>
      %mul3A_301 = arith.constant 16 : i32
      %mul3A_302 = arith.muli %select_n3A_259, %mul3A_301 : i32
      %swap3A_303 = arith.index_cast %mul3A_302 : i32 to index
      %swap3A_304 = tpu.vector_load %arg9[%swap3A_303] {strides = array<i32>} : memref<512xf32, #tpu.memory_space<vmem>>, vector<16xf32>,
      tpu.vector_store %arg9[%swap3A_303], %select_n3A_300 {strides = array<i32>} : memref<512xf32, #tpu.memory_space<vmem>>, vector<16xf32>,
      %mul3A_305 = arith.constant 16 : i32
      %mul3A_306 = arith.muli %select_n3A_259, %mul3A_305 : i32
      %swap3A_307 = arith.index_cast %mul3A_306 : i32 to index
      %swap3A_308 = tpu.vector_load %arg10[%swap3A_307] {strides = array<i32>} : memref<512xi32, #tpu.memory_space<vmem>>, vector<16xi32>,
      tpu.vector_store %arg10[%swap3A_307], %select_n3A_299 {strides = array<i32>} : memref<512xi32, #tpu.memory_space<vmem>>, vector<16xi32>,
      %broadcast_in_dim3A_309 = vector.broadcast %squeeze3A : f32 to vector<16xf32>
      %broadcast_in_dim3A_310 = arith.constant 0 : i32
      %broadcast_in_dim3A_311 = vector.broadcast %broadcast_in_dim3A_310 : i32 to vector<16xi32>
      %scan3A_312 = arith.constant 0 : i32
      %scan3A_313 = arith.constant 32 : i32
      %scan3A_314 = arith.addi %scan3A_312, %scan3A_313 : i32
      %scan3A_315 = arith.constant 1 : i32
      %scan3A_316:2 = scf.for %scan3A_1417 = %scan3A_312 to %scan3A_314 step %scan3A_315 iter_args(%scan3A_1418 = %broadcast_in_dim3A_309, %scan3A_1419 = %broadcast_in_dim3A_311) -> (vector<16xf32>, vector<16xi32>)  : i32 {
        %mul3A_1420 = arith.constant 16 : i32
        %mul3A_1421 = arith.muli %scan3A_1417, %mul3A_1420 : i32
        %get3A_1422 = arith.index_cast %mul3A_1421 : i32 to index
        %get3A_1423 = tpu.vector_load %arg9[%get3A_1422] {strides = array<i32>} : memref<512xf32, #tpu.memory_space<vmem>>, vector<16xf32>,
        %mul3A_1424 = arith.constant 16 : i32
        %mul3A_1425 = arith.muli %scan3A_1417, %mul3A_1424 : i32
        %get3A_1426 = arith.index_cast %mul3A_1425 : i32 to index
        %get3A_1427 = tpu.vector_load %arg10[%get3A_1426] {strides = array<i32>} : memref<512xi32, #tpu.memory_space<vmem>>, vector<16xi32>,
        %gt3A_1428 = arith.cmpf ogt, %get3A_1423, %scan3A_1418 : vector<16xf32>
        %select_n3A_1429 = arith.select %gt3A_1428, %get3A_1423, %scan3A_1418 : vector<16xi1>, vector<16xf32>
        %select_n3A_1430 = arith.select %gt3A_1428, %get3A_1427, %scan3A_1419 : vector<16xi1>, vector<16xi32>
        scf.yield %select_n3A_1429, %select_n3A_1430 : vector<16xf32>, vector<16xi32>
      }
      %scan3A_317 = arith.constant 32 : i32
      %masked_sort3A_318 = arith.constant dense<true> : vector<16xi1>
      %masked_sort3A_319, %masked_sort3A_320, %masked_sort3A_321 = tpu.sort %scan3A_316#0, %scan3A_316#1 masked %masked_sort3A_318 {descending = true} : (vector<16xf32>, vector<16xi32>, vector<16xi1>) -> (vector<16xi1>, vector<16xf32>, vector<16xi32>)
      %slice3A_322 = vector.extract_strided_slice %masked_sort3A_320 {offsets = [0], sizes = [1], strides = [1]} : vector<16xf32> to vector<1xf32>
      %squeeze3A_323 = vector.extract %slice3A_322[0] : f32 from vector<1xf32>
      %eq3A_324 = vector.broadcast %squeeze3A_323 : f32 to vector<16xf32>
      %eq3A_325 = arith.cmpf oeq, %scan3A_316#0, %eq3A_324 : vector<16xf32>
      %jit3A_326 = arith.constant 2147483647 : i32
      %broadcast_in_dim3A_327 = vector.broadcast %jit3A_326 : i32 to vector<16xi32>
      %select_n3A_328 = arith.select %eq3A_325, %scan3A_316#1, %broadcast_in_dim3A_327 : vector<16xi1>, vector<16xi32>
      %masked_sort3A_329 = arith.constant dense<true> : vector<16xi1>
      %masked_sort3A_330 = arith.constant -2147483648 : i32
      %masked_sort3A_331 = vector.broadcast %masked_sort3A_330 : i32 to vector<16xi32>
      %masked_sort3A_332 = arith.xori %select_n3A_328, %masked_sort3A_331 : vector<16xi32>
      %masked_sort3A_333, %masked_sort3A_334, %masked_sort3A_335 = tpu.sort %masked_sort3A_332, %scan3A_316#1 masked %masked_sort3A_329 : (vector<16xi32>, vector<16xi32>, vector<16xi1>) -> (vector<16xi1>, vector<16xi32>, vector<16xi32>)
      %masked_sort3A_336 = arith.xori %masked_sort3A_334, %masked_sort3A_331 : vector<16xi32>
      %slice3A_337 = vector.extract_strided_slice %masked_sort3A_336 {offsets = [0], sizes = [1], strides = [1]} : vector<16xi32> to vector<1xi32>
      %squeeze3A_338 = vector.extract %slice3A_337[0] : i32 from vector<1xi32>
      %jit3A_339 = arith.constant 16 : i32
      %div3A_340 = arith.divsi %squeeze3A_338, %jit3A_339 : i32
      %sign3A_341 = arith.constant 0 : i32
      %sign3A_342 = arith.cmpi sgt, %squeeze3A_338, %sign3A_341 : i32
      %sign3A_343 = arith.extui %sign3A_342 : i1 to i32
      %sign3A_344 = arith.constant 0 : i32
      %sign3A_345 = arith.cmpi slt, %squeeze3A_338, %sign3A_344 : i32
      %sign3A_346 = arith.extui %sign3A_345 : i1 to i32
      %sign3A_347 = arith.subi %sign3A_343, %sign3A_346 : i32
      %sign3A_348 = arith.constant 0 : i32
      %sign3A_349 = arith.cmpi sgt, %jit3A_339, %sign3A_348 : i32
      %sign3A_350 = arith.extui %sign3A_349 : i1 to i32
      %sign3A_351 = arith.constant 0 : i32
      %sign3A_352 = arith.cmpi slt, %jit3A_339, %sign3A_351 : i32
      %sign3A_353 = arith.extui %sign3A_352 : i1 to i32
      %sign3A_354 = arith.subi %sign3A_350, %sign3A_353 : i32
      %ne3A_355 = arith.cmpi ne, %sign3A_347, %sign3A_354 : i32
      %rem3A_356 = arith.remsi %squeeze3A_338, %jit3A_339 : i32
      %ne3A_357 = arith.constant 0 : i32
      %ne3A_358 = arith.cmpi ne, %rem3A_356, %ne3A_357 : i32
      %and3A_359 = arith.andi %ne3A_355, %ne3A_358 : i1
      %sub3A_360 = arith.constant 1 : i32
      %sub3A_361 = arith.subi %div3A_340, %sub3A_360 : i32
      %select_n3A_362 = arith.select %and3A_359, %sub3A_361, %div3A_340 : i32
      %mul3A_363 = arith.constant 16 : i32
      %mul3A_364 = arith.muli %select_n3A_362, %mul3A_363 : i32
      %jit3A_365 = arith.constant 16 : i32
      %eq3A_366 = arith.constant 0 : i32
      %eq3A_367 = arith.cmpi eq, %jit3A_365, %eq3A_366 : i32
      %jit3A_368 = arith.constant 1 : i32
      %select_n3A_369 = arith.select %eq3A_367, %jit3A_368, %jit3A_365 : i32
      %rem3A_370 = arith.remsi %squeeze3A_338, %select_n3A_369 : i32
      %ne3A_371 = arith.constant 0 : i32
      %ne3A_372 = arith.cmpi ne, %rem3A_370, %ne3A_371 : i32
      %lt3A_373 = arith.constant 0 : i32
      %lt3A_374 = arith.cmpi slt, %rem3A_370, %lt3A_373 : i32
      %lt3A_375 = arith.constant 0 : i32
      %lt3A_376 = arith.cmpi slt, %select_n3A_369, %lt3A_375 : i32
      %ne3A_377 = arith.xori %lt3A_374, %lt3A_376 : i1
      %and3A_378 = arith.andi %ne3A_377, %ne3A_372 : i1
      %add3A_379 = arith.addi %rem3A_370, %select_n3A_369 : i32
      %select_n3A_380 = arith.select %and3A_378, %add3A_379, %rem3A_370 : i32
      %eq3A_381 = vector.broadcast %select_n3A_380 : i32 to vector<16xi32>
      %eq3A_382 = arith.cmpi eq, %iota3A, %eq3A_381 : vector<16xi32>
      %get3A_383 = arith.index_cast %mul3A_364 : i32 to index
      %get3A_384 = tpu.vector_load %arg8[%get3A_383] {strides = array<i32>} : memref<2048xf32, #tpu.memory_space<vmem>>, vector<16xf32>,
      %broadcast_in_dim3A_385 = vector.broadcast %squeeze3A : f32 to vector<16xf32>
      %select_n3A_386 = arith.select %eq3A_382, %broadcast_in_dim3A_385, %get3A_384 : vector<16xi1>, vector<16xf32>
      %swap3A_387 = arith.index_cast %mul3A_364 : i32 to index
      %swap3A_388 = tpu.vector_load %arg8[%swap3A_387] {strides = array<i32>} : memref<2048xf32, #tpu.memory_space<vmem>>, vector<16xf32>,
      tpu.vector_store %arg8[%swap3A_387], %select_n3A_386 {strides = array<i32>} : memref<2048xf32, #tpu.memory_space<vmem>>, vector<16xf32>,
      %jit3A_389 = arith.constant 64 : i32
      %div3A_390 = arith.divsi %squeeze3A_338, %jit3A_389 : i32
      %sign3A_391 = arith.constant 0 : i32
      %sign3A_392 = arith.cmpi sgt, %squeeze3A_338, %sign3A_391 : i32
      %sign3A_393 = arith.extui %sign3A_392 : i1 to i32
      %sign3A_394 = arith.constant 0 : i32
      %sign3A_395 = arith.cmpi slt, %squeeze3A_338, %sign3A_394 : i32
      %sign3A_396 = arith.extui %sign3A_395 : i1 to i32
      %sign3A_397 = arith.subi %sign3A_393, %sign3A_396 : i32
      %sign3A_398 = arith.constant 0 : i32
      %sign3A_399 = arith.cmpi sgt, %jit3A_389, %sign3A_398 : i32
      %sign3A_400 = arith.extui %sign3A_399 : i1 to i32
      %sign3A_401 = arith.constant 0 : i32
      %sign3A_402 = arith.cmpi slt, %jit3A_389, %sign3A_401 : i32
      %sign3A_403 = arith.extui %sign3A_402 : i1 to i32
      %sign3A_404 = arith.subi %sign3A_400, %sign3A_403 : i32
      %ne3A_405 = arith.cmpi ne, %sign3A_397, %sign3A_404 : i32
      %rem3A_406 = arith.remsi %squeeze3A_338, %jit3A_389 : i32
      %ne3A_407 = arith.constant 0 : i32
      %ne3A_408 = arith.cmpi ne, %rem3A_406, %ne3A_407 : i32
      %and3A_409 = arith.andi %ne3A_405, %ne3A_408 : i1
      %sub3A_410 = arith.constant 1 : i32
      %sub3A_411 = arith.subi %div3A_390, %sub3A_410 : i32
      %select_n3A_412 = arith.select %and3A_409, %sub3A_411, %div3A_390 : i32
      %mul3A_413 = arith.constant 4 : i32
      %mul3A_414 = arith.muli %select_n3A_412, %mul3A_413 : i32
      %mul3A_415 = arith.constant 16 : i32
      %mul3A_416 = arith.muli %mul3A_414, %mul3A_415 : i32
      %get3A_417 = arith.index_cast %mul3A_416 : i32 to index
      %get3A_418 = tpu.vector_load %arg8[%get3A_417] {strides = array<i32>} : memref<2048xf32, #tpu.memory_space<vmem>>, vector<16xf32>,
      %add3A_419 = vector.broadcast %mul3A_416 : i32 to vector<16xi32>
      %add3A_420 = arith.addi %add3A_419, %iota3A : vector<16xi32>
      %add3A_421 = arith.constant 16 : i32
      %add3A_422 = arith.addi %mul3A_416, %add3A_421 : i32
      %get3A_423 = arith.index_cast %add3A_422 : i32 to index
      %get3A_424 = tpu.vector_load %arg8[%get3A_423] {strides = array<i32>} : memref<2048xf32, #tpu.memory_space<vmem>>, vector<16xf32>,
      %gt3A_425 = arith.cmpf ogt, %get3A_424, %get3A_418 : vector<16xf32>
      %add3A_426 = arith.constant 16 : i32
      %add3A_427 = arith.addi %mul3A_416, %add3A_426 : i32
      %add3A_428 = vector.broadcast %add3A_427 : i32 to vector<16xi32>
      %add3A_429 = arith.addi %add3A_428, %iota3A : vector<16xi32>
      %select_n3A_430 = arith.select %gt3A_425, %add3A_429, %add3A_420 : vector<16xi1>, vector<16xi32>
      %select_n3A_431 = arith.select %gt3A_425, %get3A_424, %get3A_418 : vector<16xi1>, vector<16xf32>
      %add3A_432 = arith.constant 32 : i32
      %add3A_433 = arith.addi %mul3A_416, %add3A_432 : i32
      %get3A_434 = arith.index_cast %add3A_433 : i32 to index
      %get3A_435 = tpu.vector_load %arg8[%get3A_434] {strides = array<i32>} : memref<2048xf32, #tpu.memory_space<vmem>>, vector<16xf32>,
      %gt3A_436 = arith.cmpf ogt, %get3A_435, %select_n3A_431 : vector<16xf32>
      %add3A_437 = arith.constant 32 : i32
      %add3A_438 = arith.addi %mul3A_416, %add3A_437 : i32
      %add3A_439 = vector.broadcast %add3A_438 : i32 to vector<16xi32>
      %add3A_440 = arith.addi %add3A_439, %iota3A : vector<16xi32>
      %select_n3A_441 = arith.select %gt3A_436, %add3A_440, %select_n3A_430 : vector<16xi1>, vector<16xi32>
      %select_n3A_442 = arith.select %gt3A_436, %get3A_435, %select_n3A_431 : vector<16xi1>, vector<16xf32>
      %add3A_443 = arith.constant 48 : i32
      %add3A_444 = arith.addi %mul3A_416, %add3A_443 : i32
      %get3A_445 = arith.index_cast %add3A_444 : i32 to index
      %get3A_446 = tpu.vector_load %arg8[%get3A_445] {strides = array<i32>} : memref<2048xf32, #tpu.memory_space<vmem>>, vector<16xf32>,
      %gt3A_447 = arith.cmpf ogt, %get3A_446, %select_n3A_442 : vector<16xf32>
      %add3A_448 = arith.constant 48 : i32
      %add3A_449 = arith.addi %mul3A_416, %add3A_448 : i32
      %add3A_450 = vector.broadcast %add3A_449 : i32 to vector<16xi32>
      %add3A_451 = arith.addi %add3A_450, %iota3A : vector<16xi32>
      %select_n3A_452 = arith.select %gt3A_447, %add3A_451, %select_n3A_441 : vector<16xi1>, vector<16xi32>
      %select_n3A_453 = arith.select %gt3A_447, %get3A_446, %select_n3A_442 : vector<16xi1>, vector<16xf32>
      %mul3A_454 = arith.constant 16 : i32
      %mul3A_455 = arith.muli %select_n3A_412, %mul3A_454 : i32
      %swap3A_456 = arith.index_cast %mul3A_455 : i32 to index
      %swap3A_457 = tpu.vector_load %arg9[%swap3A_456] {strides = array<i32>} : memref<512xf32, #tpu.memory_space<vmem>>, vector<16xf32>,
      tpu.vector_store %arg9[%swap3A_456], %select_n3A_453 {strides = array<i32>} : memref<512xf32, #tpu.memory_space<vmem>>, vector<16xf32>,
      %mul3A_458 = arith.constant 16 : i32
      %mul3A_459 = arith.muli %select_n3A_412, %mul3A_458 : i32
      %swap3A_460 = arith.index_cast %mul3A_459 : i32 to index
      %swap3A_461 = tpu.vector_load %arg10[%swap3A_460] {strides = array<i32>} : memref<512xi32, #tpu.memory_space<vmem>>, vector<16xi32>,
      tpu.vector_store %arg10[%swap3A_460], %select_n3A_452 {strides = array<i32>} : memref<512xi32, #tpu.memory_space<vmem>>, vector<16xi32>,
      %broadcast_in_dim3A_462 = vector.broadcast %squeeze3A : f32 to vector<16xf32>
      %broadcast_in_dim3A_463 = arith.constant 0 : i32
      %broadcast_in_dim3A_464 = vector.broadcast %broadcast_in_dim3A_463 : i32 to vector<16xi32>
      %scan3A_465 = arith.constant 0 : i32
      %scan3A_466 = arith.constant 32 : i32
      %scan3A_467 = arith.addi %scan3A_465, %scan3A_466 : i32
      %scan3A_468 = arith.constant 1 : i32
      %scan3A_469:2 = scf.for %scan3A_1417 = %scan3A_465 to %scan3A_467 step %scan3A_468 iter_args(%scan3A_1418 = %broadcast_in_dim3A_462, %scan3A_1419 = %broadcast_in_dim3A_464) -> (vector<16xf32>, vector<16xi32>)  : i32 {
        %mul3A_1420 = arith.constant 16 : i32
        %mul3A_1421 = arith.muli %scan3A_1417, %mul3A_1420 : i32
        %get3A_1422 = arith.index_cast %mul3A_1421 : i32 to index
        %get3A_1423 = tpu.vector_load %arg9[%get3A_1422] {strides = array<i32>} : memref<512xf32, #tpu.memory_space<vmem>>, vector<16xf32>,
        %mul3A_1424 = arith.constant 16 : i32
        %mul3A_1425 = arith.muli %scan3A_1417, %mul3A_1424 : i32
        %get3A_1426 = arith.index_cast %mul3A_1425 : i32 to index
        %get3A_1427 = tpu.vector_load %arg10[%get3A_1426] {strides = array<i32>} : memref<512xi32, #tpu.memory_space<vmem>>, vector<16xi32>,
        %gt3A_1428 = arith.cmpf ogt, %get3A_1423, %scan3A_1418 : vector<16xf32>
        %select_n3A_1429 = arith.select %gt3A_1428, %get3A_1423, %scan3A_1418 : vector<16xi1>, vector<16xf32>
        %select_n3A_1430 = arith.select %gt3A_1428, %get3A_1427, %scan3A_1419 : vector<16xi1>, vector<16xi32>
        scf.yield %select_n3A_1429, %select_n3A_1430 : vector<16xf32>, vector<16xi32>
      }
      %scan3A_470 = arith.constant 32 : i32
      %masked_sort3A_471 = arith.constant dense<true> : vector<16xi1>
      %masked_sort3A_472, %masked_sort3A_473, %masked_sort3A_474 = tpu.sort %scan3A_469#0, %scan3A_469#1 masked %masked_sort3A_471 {descending = true} : (vector<16xf32>, vector<16xi32>, vector<16xi1>) -> (vector<16xi1>, vector<16xf32>, vector<16xi32>)
      %slice3A_475 = vector.extract_strided_slice %masked_sort3A_473 {offsets = [0], sizes = [1], strides = [1]} : vector<16xf32> to vector<1xf32>
      %squeeze3A_476 = vector.extract %slice3A_475[0] : f32 from vector<1xf32>
      %eq3A_477 = vector.broadcast %squeeze3A_476 : f32 to vector<16xf32>
      %eq3A_478 = arith.cmpf oeq, %scan3A_469#0, %eq3A_477 : vector<16xf32>
      %jit3A_479 = arith.constant 2147483647 : i32
      %broadcast_in_dim3A_480 = vector.broadcast %jit3A_479 : i32 to vector<16xi32>
      %select_n3A_481 = arith.select %eq3A_478, %scan3A_469#1, %broadcast_in_dim3A_480 : vector<16xi1>, vector<16xi32>
      %masked_sort3A_482 = arith.constant dense<true> : vector<16xi1>
      %masked_sort3A_483 = arith.constant -2147483648 : i32
      %masked_sort3A_484 = vector.broadcast %masked_sort3A_483 : i32 to vector<16xi32>
      %masked_sort3A_485 = arith.xori %select_n3A_481, %masked_sort3A_484 : vector<16xi32>
      %masked_sort3A_486, %masked_sort3A_487, %masked_sort3A_488 = tpu.sort %masked_sort3A_485, %scan3A_469#1 masked %masked_sort3A_482 : (vector<16xi32>, vector<16xi32>, vector<16xi1>) -> (vector<16xi1>, vector<16xi32>, vector<16xi32>)
      %masked_sort3A_489 = arith.xori %masked_sort3A_487, %masked_sort3A_484 : vector<16xi32>
      %slice3A_490 = vector.extract_strided_slice %masked_sort3A_489 {offsets = [0], sizes = [1], strides = [1]} : vector<16xi32> to vector<1xi32>
      %squeeze3A_491 = vector.extract %slice3A_490[0] : i32 from vector<1xi32>
      %jit3A_492 = arith.constant 16 : i32
      %div3A_493 = arith.divsi %squeeze3A_491, %jit3A_492 : i32
      %sign3A_494 = arith.constant 0 : i32
      %sign3A_495 = arith.cmpi sgt, %squeeze3A_491, %sign3A_494 : i32
      %sign3A_496 = arith.extui %sign3A_495 : i1 to i32
      %sign3A_497 = arith.constant 0 : i32
      %sign3A_498 = arith.cmpi slt, %squeeze3A_491, %sign3A_497 : i32
      %sign3A_499 = arith.extui %sign3A_498 : i1 to i32
      %sign3A_500 = arith.subi %sign3A_496, %sign3A_499 : i32
      %sign3A_501 = arith.constant 0 : i32
      %sign3A_502 = arith.cmpi sgt, %jit3A_492, %sign3A_501 : i32
      %sign3A_503 = arith.extui %sign3A_502 : i1 to i32
      %sign3A_504 = arith.constant 0 : i32
      %sign3A_505 = arith.cmpi slt, %jit3A_492, %sign3A_504 : i32
      %sign3A_506 = arith.extui %sign3A_505 : i1 to i32
      %sign3A_507 = arith.subi %sign3A_503, %sign3A_506 : i32
      %ne3A_508 = arith.cmpi ne, %sign3A_500, %sign3A_507 : i32
      %rem3A_509 = arith.remsi %squeeze3A_491, %jit3A_492 : i32
      %ne3A_510 = arith.constant 0 : i32
      %ne3A_511 = arith.cmpi ne, %rem3A_509, %ne3A_510 : i32
      %and3A_512 = arith.andi %ne3A_508, %ne3A_511 : i1
      %sub3A_513 = arith.constant 1 : i32
      %sub3A_514 = arith.subi %div3A_493, %sub3A_513 : i32
      %select_n3A_515 = arith.select %and3A_512, %sub3A_514, %div3A_493 : i32
      %mul3A_516 = arith.constant 16 : i32
      %mul3A_517 = arith.muli %select_n3A_515, %mul3A_516 : i32
      %jit3A_518 = arith.constant 16 : i32
      %eq3A_519 = arith.constant 0 : i32
      %eq3A_520 = arith.cmpi eq, %jit3A_518, %eq3A_519 : i32
      %jit3A_521 = arith.constant 1 : i32
      %select_n3A_522 = arith.select %eq3A_520, %jit3A_521, %jit3A_518 : i32
      %rem3A_523 = arith.remsi %squeeze3A_491, %select_n3A_522 : i32
      %ne3A_524 = arith.constant 0 : i32
      %ne3A_525 = arith.cmpi ne, %rem3A_523, %ne3A_524 : i32
      %lt3A_526 = arith.constant 0 : i32
      %lt3A_527 = arith.cmpi slt, %rem3A_523, %lt3A_526 : i32
      %lt3A_528 = arith.constant 0 : i32
      %lt3A_529 = arith.cmpi slt, %select_n3A_522, %lt3A_528 : i32
      %ne3A_530 = arith.xori %lt3A_527, %lt3A_529 : i1
      %and3A_531 = arith.andi %ne3A_530, %ne3A_525 : i1
      %add3A_532 = arith.addi %rem3A_523, %select_n3A_522 : i32
      %select_n3A_533 = arith.select %and3A_531, %add3A_532, %rem3A_523 : i32
      %eq3A_534 = vector.broadcast %select_n3A_533 : i32 to vector<16xi32>
      %eq3A_535 = arith.cmpi eq, %iota3A, %eq3A_534 : vector<16xi32>
      %get3A_536 = arith.index_cast %mul3A_517 : i32 to index
      %get3A_537 = tpu.vector_load %arg8[%get3A_536] {strides = array<i32>} : memref<2048xf32, #tpu.memory_space<vmem>>, vector<16xf32>,
      %broadcast_in_dim3A_538 = vector.broadcast %squeeze3A : f32 to vector<16xf32>
      %select_n3A_539 = arith.select %eq3A_535, %broadcast_in_dim3A_538, %get3A_537 : vector<16xi1>, vector<16xf32>
      %swap3A_540 = arith.index_cast %mul3A_517 : i32 to index
      %swap3A_541 = tpu.vector_load %arg8[%swap3A_540] {strides = array<i32>} : memref<2048xf32, #tpu.memory_space<vmem>>, vector<16xf32>,
      tpu.vector_store %arg8[%swap3A_540], %select_n3A_539 {strides = array<i32>} : memref<2048xf32, #tpu.memory_space<vmem>>, vector<16xf32>,
      %jit3A_542 = arith.constant 64 : i32
      %div3A_543 = arith.divsi %squeeze3A_491, %jit3A_542 : i32
      %sign3A_544 = arith.constant 0 : i32
      %sign3A_545 = arith.cmpi sgt, %squeeze3A_491, %sign3A_544 : i32
      %sign3A_546 = arith.extui %sign3A_545 : i1 to i32
      %sign3A_547 = arith.constant 0 : i32
      %sign3A_548 = arith.cmpi slt, %squeeze3A_491, %sign3A_547 : i32
      %sign3A_549 = arith.extui %sign3A_548 : i1 to i32
      %sign3A_550 = arith.subi %sign3A_546, %sign3A_549 : i32
      %sign3A_551 = arith.constant 0 : i32
      %sign3A_552 = arith.cmpi sgt, %jit3A_542, %sign3A_551 : i32
      %sign3A_553 = arith.extui %sign3A_552 : i1 to i32
      %sign3A_554 = arith.constant 0 : i32
      %sign3A_555 = arith.cmpi slt, %jit3A_542, %sign3A_554 : i32
      %sign3A_556 = arith.extui %sign3A_555 : i1 to i32
      %sign3A_557 = arith.subi %sign3A_553, %sign3A_556 : i32
      %ne3A_558 = arith.cmpi ne, %sign3A_550, %sign3A_557 : i32
      %rem3A_559 = arith.remsi %squeeze3A_491, %jit3A_542 : i32
      %ne3A_560 = arith.constant 0 : i32
      %ne3A_561 = arith.cmpi ne, %rem3A_559, %ne3A_560 : i32
      %and3A_562 = arith.andi %ne3A_558, %ne3A_561 : i1
      %sub3A_563 = arith.constant 1 : i32
      %sub3A_564 = arith.subi %div3A_543, %sub3A_563 : i32
      %select_n3A_565 = arith.select %and3A_562, %sub3A_564, %div3A_543 : i32
      %mul3A_566 = arith.constant 4 : i32
      %mul3A_567 = arith.muli %select_n3A_565, %mul3A_566 : i32
      %mul3A_568 = arith.constant 16 : i32
      %mul3A_569 = arith.muli %mul3A_567, %mul3A_568 : i32
      %get3A_570 = arith.index_cast %mul3A_569 : i32 to index
      %get3A_571 = tpu.vector_load %arg8[%get3A_570] {strides = array<i32>} : memref<2048xf32, #tpu.memory_space<vmem>>, vector<16xf32>,
      %add3A_572 = vector.broadcast %mul3A_569 : i32 to vector<16xi32>
      %add3A_573 = arith.addi %add3A_572, %iota3A : vector<16xi32>
      %add3A_574 = arith.constant 16 : i32
      %add3A_575 = arith.addi %mul3A_569, %add3A_574 : i32
      %get3A_576 = arith.index_cast %add3A_575 : i32 to index
      %get3A_577 = tpu.vector_load %arg8[%get3A_576] {strides = array<i32>} : memref<2048xf32, #tpu.memory_space<vmem>>, vector<16xf32>,
      %gt3A_578 = arith.cmpf ogt, %get3A_577, %get3A_571 : vector<16xf32>
      %add3A_579 = arith.constant 16 : i32
      %add3A_580 = arith.addi %mul3A_569, %add3A_579 : i32
      %add3A_581 = vector.broadcast %add3A_580 : i32 to vector<16xi32>
      %add3A_582 = arith.addi %add3A_581, %iota3A : vector<16xi32>
      %select_n3A_583 = arith.select %gt3A_578, %add3A_582, %add3A_573 : vector<16xi1>, vector<16xi32>
      %select_n3A_584 = arith.select %gt3A_578, %get3A_577, %get3A_571 : vector<16xi1>, vector<16xf32>
      %add3A_585 = arith.constant 32 : i32
      %add3A_586 = arith.addi %mul3A_569, %add3A_585 : i32
      %get3A_587 = arith.index_cast %add3A_586 : i32 to index
      %get3A_588 = tpu.vector_load %arg8[%get3A_587] {strides = array<i32>} : memref<2048xf32, #tpu.memory_space<vmem>>, vector<16xf32>,
      %gt3A_589 = arith.cmpf ogt, %get3A_588, %select_n3A_584 : vector<16xf32>
      %add3A_590 = arith.constant 32 : i32
      %add3A_591 = arith.addi %mul3A_569, %add3A_590 : i32
      %add3A_592 = vector.broadcast %add3A_591 : i32 to vector<16xi32>
      %add3A_593 = arith.addi %add3A_592, %iota3A : vector<16xi32>
      %select_n3A_594 = arith.select %gt3A_589, %add3A_593, %select_n3A_583 : vector<16xi1>, vector<16xi32>
      %select_n3A_595 = arith.select %gt3A_589, %get3A_588, %select_n3A_584 : vector<16xi1>, vector<16xf32>
      %add3A_596 = arith.constant 48 : i32
      %add3A_597 = arith.addi %mul3A_569, %add3A_596 : i32
      %get3A_598 = arith.index_cast %add3A_597 : i32 to index
      %get3A_599 = tpu.vector_load %arg8[%get3A_598] {strides = array<i32>} : memref<2048xf32, #tpu.memory_space<vmem>>, vector<16xf32>,
      %gt3A_600 = arith.cmpf ogt, %get3A_599, %select_n3A_595 : vector<16xf32>
      %add3A_601 = arith.constant 48 : i32
      %add3A_602 = arith.addi %mul3A_569, %add3A_601 : i32
      %add3A_603 = vector.broadcast %add3A_602 : i32 to vector<16xi32>
      %add3A_604 = arith.addi %add3A_603, %iota3A : vector<16xi32>
      %select_n3A_605 = arith.select %gt3A_600, %add3A_604, %select_n3A_594 : vector<16xi1>, vector<16xi32>
      %select_n3A_606 = arith.select %gt3A_600, %get3A_599, %select_n3A_595 : vector<16xi1>, vector<16xf32>
      %mul3A_607 = arith.constant 16 : i32
      %mul3A_608 = arith.muli %select_n3A_565, %mul3A_607 : i32
      %swap3A_609 = arith.index_cast %mul3A_608 : i32 to index
      %swap3A_610 = tpu.vector_load %arg9[%swap3A_609] {strides = array<i32>} : memref<512xf32, #tpu.memory_space<vmem>>, vector<16xf32>,
      tpu.vector_store %arg9[%swap3A_609], %select_n3A_606 {strides = array<i32>} : memref<512xf32, #tpu.memory_space<vmem>>, vector<16xf32>,
      %mul3A_611 = arith.constant 16 : i32
      %mul3A_612 = arith.muli %select_n3A_565, %mul3A_611 : i32
      %swap3A_613 = arith.index_cast %mul3A_612 : i32 to index
      %swap3A_614 = tpu.vector_load %arg10[%swap3A_613] {strides = array<i32>} : memref<512xi32, #tpu.memory_space<vmem>>, vector<16xi32>,
      tpu.vector_store %arg10[%swap3A_613], %select_n3A_605 {strides = array<i32>} : memref<512xi32, #tpu.memory_space<vmem>>, vector<16xi32>,
      %broadcast_in_dim3A_615 = vector.broadcast %squeeze3A : f32 to vector<16xf32>
      %broadcast_in_dim3A_616 = arith.constant 0 : i32
      %broadcast_in_dim3A_617 = vector.broadcast %broadcast_in_dim3A_616 : i32 to vector<16xi32>
      %scan3A_618 = arith.constant 0 : i32
      %scan3A_619 = arith.constant 32 : i32
      %scan3A_620 = arith.addi %scan3A_618, %scan3A_619 : i32
      %scan3A_621 = arith.constant 1 : i32
      %scan3A_622:2 = scf.for %scan3A_1417 = %scan3A_618 to %scan3A_620 step %scan3A_621 iter_args(%scan3A_1418 = %broadcast_in_dim3A_615, %scan3A_1419 = %broadcast_in_dim3A_617) -> (vector<16xf32>, vector<16xi32>)  : i32 {
        %mul3A_1420 = arith.constant 16 : i32
        %mul3A_1421 = arith.muli %scan3A_1417, %mul3A_1420 : i32
        %get3A_1422 = arith.index_cast %mul3A_1421 : i32 to index
        %get3A_1423 = tpu.vector_load %arg9[%get3A_1422] {strides = array<i32>} : memref<512xf32, #tpu.memory_space<vmem>>, vector<16xf32>,
        %mul3A_1424 = arith.constant 16 : i32
        %mul3A_1425 = arith.muli %scan3A_1417, %mul3A_1424 : i32
        %get3A_1426 = arith.index_cast %mul3A_1425 : i32 to index
        %get3A_1427 = tpu.vector_load %arg10[%get3A_1426] {strides = array<i32>} : memref<512xi32, #tpu.memory_space<vmem>>, vector<16xi32>,
        %gt3A_1428 = arith.cmpf ogt, %get3A_1423, %scan3A_1418 : vector<16xf32>
        %select_n3A_1429 = arith.select %gt3A_1428, %get3A_1423, %scan3A_1418 : vector<16xi1>, vector<16xf32>
        %select_n3A_1430 = arith.select %gt3A_1428, %get3A_1427, %scan3A_1419 : vector<16xi1>, vector<16xi32>
        scf.yield %select_n3A_1429, %select_n3A_1430 : vector<16xf32>, vector<16xi32>
      }
      %scan3A_623 = arith.constant 32 : i32
      %masked_sort3A_624 = arith.constant dense<true> : vector<16xi1>
      %masked_sort3A_625, %masked_sort3A_626, %masked_sort3A_627 = tpu.sort %scan3A_622#0, %scan3A_622#1 masked %masked_sort3A_624 {descending = true} : (vector<16xf32>, vector<16xi32>, vector<16xi1>) -> (vector<16xi1>, vector<16xf32>, vector<16xi32>)
      %slice3A_628 = vector.extract_strided_slice %masked_sort3A_626 {offsets = [0], sizes = [1], strides = [1]} : vector<16xf32> to vector<1xf32>
      %squeeze3A_629 = vector.extract %slice3A_628[0] : f32 from vector<1xf32>
      %eq3A_630 = vector.broadcast %squeeze3A_629 : f32 to vector<16xf32>
      %eq3A_631 = arith.cmpf oeq, %scan3A_622#0, %eq3A_630 : vector<16xf32>
      %jit3A_632 = arith.constant 2147483647 : i32
      %broadcast_in_dim3A_633 = vector.broadcast %jit3A_632 : i32 to vector<16xi32>
      %select_n3A_634 = arith.select %eq3A_631, %scan3A_622#1, %broadcast_in_dim3A_633 : vector<16xi1>, vector<16xi32>
      %masked_sort3A_635 = arith.constant dense<true> : vector<16xi1>
      %masked_sort3A_636 = arith.constant -2147483648 : i32
      %masked_sort3A_637 = vector.broadcast %masked_sort3A_636 : i32 to vector<16xi32>
      %masked_sort3A_638 = arith.xori %select_n3A_634, %masked_sort3A_637 : vector<16xi32>
      %masked_sort3A_639, %masked_sort3A_640, %masked_sort3A_641 = tpu.sort %masked_sort3A_638, %scan3A_622#1 masked %masked_sort3A_635 : (vector<16xi32>, vector<16xi32>, vector<16xi1>) -> (vector<16xi1>, vector<16xi32>, vector<16xi32>)
      %masked_sort3A_642 = arith.xori %masked_sort3A_640, %masked_sort3A_637 : vector<16xi32>
      %slice3A_643 = vector.extract_strided_slice %masked_sort3A_642 {offsets = [0], sizes = [1], strides = [1]} : vector<16xi32> to vector<1xi32>
      %squeeze3A_644 = vector.extract %slice3A_643[0] : i32 from vector<1xi32>
      %jit3A_645 = arith.constant 16 : i32
      %div3A_646 = arith.divsi %squeeze3A_644, %jit3A_645 : i32
      %sign3A_647 = arith.constant 0 : i32
      %sign3A_648 = arith.cmpi sgt, %squeeze3A_644, %sign3A_647 : i32
      %sign3A_649 = arith.extui %sign3A_648 : i1 to i32
      %sign3A_650 = arith.constant 0 : i32
      %sign3A_651 = arith.cmpi slt, %squeeze3A_644, %sign3A_650 : i32
      %sign3A_652 = arith.extui %sign3A_651 : i1 to i32
      %sign3A_653 = arith.subi %sign3A_649, %sign3A_652 : i32
      %sign3A_654 = arith.constant 0 : i32
      %sign3A_655 = arith.cmpi sgt, %jit3A_645, %sign3A_654 : i32
      %sign3A_656 = arith.extui %sign3A_655 : i1 to i32
      %sign3A_657 = arith.constant 0 : i32
      %sign3A_658 = arith.cmpi slt, %jit3A_645, %sign3A_657 : i32
      %sign3A_659 = arith.extui %sign3A_658 : i1 to i32
      %sign3A_660 = arith.subi %sign3A_656, %sign3A_659 : i32
      %ne3A_661 = arith.cmpi ne, %sign3A_653, %sign3A_660 : i32
      %rem3A_662 = arith.remsi %squeeze3A_644, %jit3A_645 : i32
      %ne3A_663 = arith.constant 0 : i32
      %ne3A_664 = arith.cmpi ne, %rem3A_662, %ne3A_663 : i32
      %and3A_665 = arith.andi %ne3A_661, %ne3A_664 : i1
      %sub3A_666 = arith.constant 1 : i32
      %sub3A_667 = arith.subi %div3A_646, %sub3A_666 : i32
      %select_n3A_668 = arith.select %and3A_665, %sub3A_667, %div3A_646 : i32
      %mul3A_669 = arith.constant 16 : i32
      %mul3A_670 = arith.muli %select_n3A_668, %mul3A_669 : i32
      %jit3A_671 = arith.constant 16 : i32
      %eq3A_672 = arith.constant 0 : i32
      %eq3A_673 = arith.cmpi eq, %jit3A_671, %eq3A_672 : i32
      %jit3A_674 = arith.constant 1 : i32
      %select_n3A_675 = arith.select %eq3A_673, %jit3A_674, %jit3A_671 : i32
      %rem3A_676 = arith.remsi %squeeze3A_644, %select_n3A_675 : i32
      %ne3A_677 = arith.constant 0 : i32
      %ne3A_678 = arith.cmpi ne, %rem3A_676, %ne3A_677 : i32
      %lt3A_679 = arith.constant 0 : i32
      %lt3A_680 = arith.cmpi slt, %rem3A_676, %lt3A_679 : i32
      %lt3A_681 = arith.constant 0 : i32
      %lt3A_682 = arith.cmpi slt, %select_n3A_675, %lt3A_681 : i32
      %ne3A_683 = arith.xori %lt3A_680, %lt3A_682 : i1
      %and3A_684 = arith.andi %ne3A_683, %ne3A_678 : i1
      %add3A_685 = arith.addi %rem3A_676, %select_n3A_675 : i32
      %select_n3A_686 = arith.select %and3A_684, %add3A_685, %rem3A_676 : i32
      %eq3A_687 = vector.broadcast %select_n3A_686 : i32 to vector<16xi32>
      %eq3A_688 = arith.cmpi eq, %iota3A, %eq3A_687 : vector<16xi32>
      %get3A_689 = arith.index_cast %mul3A_670 : i32 to index
      %get3A_690 = tpu.vector_load %arg8[%get3A_689] {strides = array<i32>} : memref<2048xf32, #tpu.memory_space<vmem>>, vector<16xf32>,
      %broadcast_in_dim3A_691 = vector.broadcast %squeeze3A : f32 to vector<16xf32>
      %select_n3A_692 = arith.select %eq3A_688, %broadcast_in_dim3A_691, %get3A_690 : vector<16xi1>, vector<16xf32>
      %swap3A_693 = arith.index_cast %mul3A_670 : i32 to index
      %swap3A_694 = tpu.vector_load %arg8[%swap3A_693] {strides = array<i32>} : memref<2048xf32, #tpu.memory_space<vmem>>, vector<16xf32>,
      tpu.vector_store %arg8[%swap3A_693], %select_n3A_692 {strides = array<i32>} : memref<2048xf32, #tpu.memory_space<vmem>>, vector<16xf32>,
      %jit3A_695 = arith.constant 64 : i32
      %div3A_696 = arith.divsi %squeeze3A_644, %jit3A_695 : i32
      %sign3A_697 = arith.constant 0 : i32
      %sign3A_698 = arith.cmpi sgt, %squeeze3A_644, %sign3A_697 : i32
      %sign3A_699 = arith.extui %sign3A_698 : i1 to i32
      %sign3A_700 = arith.constant 0 : i32
      %sign3A_701 = arith.cmpi slt, %squeeze3A_644, %sign3A_700 : i32
      %sign3A_702 = arith.extui %sign3A_701 : i1 to i32
      %sign3A_703 = arith.subi %sign3A_699, %sign3A_702 : i32
      %sign3A_704 = arith.constant 0 : i32
      %sign3A_705 = arith.cmpi sgt, %jit3A_695, %sign3A_704 : i32
      %sign3A_706 = arith.extui %sign3A_705 : i1 to i32
      %sign3A_707 = arith.constant 0 : i32
      %sign3A_708 = arith.cmpi slt, %jit3A_695, %sign3A_707 : i32
      %sign3A_709 = arith.extui %sign3A_708 : i1 to i32
      %sign3A_710 = arith.subi %sign3A_706, %sign3A_709 : i32
      %ne3A_711 = arith.cmpi ne, %sign3A_703, %sign3A_710 : i32
      %rem3A_712 = arith.remsi %squeeze3A_644, %jit3A_695 : i32
      %ne3A_713 = arith.constant 0 : i32
      %ne3A_714 = arith.cmpi ne, %rem3A_712, %ne3A_713 : i32
      %and3A_715 = arith.andi %ne3A_711, %ne3A_714 : i1
      %sub3A_716 = arith.constant 1 : i32
      %sub3A_717 = arith.subi %div3A_696, %sub3A_716 : i32
      %select_n3A_718 = arith.select %and3A_715, %sub3A_717, %div3A_696 : i32
      %mul3A_719 = arith.constant 4 : i32
      %mul3A_720 = arith.muli %select_n3A_718, %mul3A_719 : i32
      %mul3A_721 = arith.constant 16 : i32
      %mul3A_722 = arith.muli %mul3A_720, %mul3A_721 : i32
      %get3A_723 = arith.index_cast %mul3A_722 : i32 to index
      %get3A_724 = tpu.vector_load %arg8[%get3A_723] {strides = array<i32>} : memref<2048xf32, #tpu.memory_space<vmem>>, vector<16xf32>,
      %add3A_725 = vector.broadcast %mul3A_722 : i32 to vector<16xi32>
      %add3A_726 = arith.addi %add3A_725, %iota3A : vector<16xi32>
      %add3A_727 = arith.constant 16 : i32
      %add3A_728 = arith.addi %mul3A_722, %add3A_727 : i32
      %get3A_729 = arith.index_cast %add3A_728 : i32 to index
      %get3A_730 = tpu.vector_load %arg8[%get3A_729] {strides = array<i32>} : memref<2048xf32, #tpu.memory_space<vmem>>, vector<16xf32>,
      %gt3A_731 = arith.cmpf ogt, %get3A_730, %get3A_724 : vector<16xf32>
      %add3A_732 = arith.constant 16 : i32
      %add3A_733 = arith.addi %mul3A_722, %add3A_732 : i32
      %add3A_734 = vector.broadcast %add3A_733 : i32 to vector<16xi32>
      %add3A_735 = arith.addi %add3A_734, %iota3A : vector<16xi32>
      %select_n3A_736 = arith.select %gt3A_731, %add3A_735, %add3A_726 : vector<16xi1>, vector<16xi32>
      %select_n3A_737 = arith.select %gt3A_731, %get3A_730, %get3A_724 : vector<16xi1>, vector<16xf32>
      %add3A_738 = arith.constant 32 : i32
      %add3A_739 = arith.addi %mul3A_722, %add3A_738 : i32
      %get3A_740 = arith.index_cast %add3A_739 : i32 to index
      %get3A_741 = tpu.vector_load %arg8[%get3A_740] {strides = array<i32>} : memref<2048xf32, #tpu.memory_space<vmem>>, vector<16xf32>,
      %gt3A_742 = arith.cmpf ogt, %get3A_741, %select_n3A_737 : vector<16xf32>
      %add3A_743 = arith.constant 32 : i32
      %add3A_744 = arith.addi %mul3A_722, %add3A_743 : i32
      %add3A_745 = vector.broadcast %add3A_744 : i32 to vector<16xi32>
      %add3A_746 = arith.addi %add3A_745, %iota3A : vector<16xi32>
      %select_n3A_747 = arith.select %gt3A_742, %add3A_746, %select_n3A_736 : vector<16xi1>, vector<16xi32>
      %select_n3A_748 = arith.select %gt3A_742, %get3A_741, %select_n3A_737 : vector<16xi1>, vector<16xf32>
      %add3A_749 = arith.constant 48 : i32
      %add3A_750 = arith.addi %mul3A_722, %add3A_749 : i32
      %get3A_751 = arith.index_cast %add3A_750 : i32 to index
      %get3A_752 = tpu.vector_load %arg8[%get3A_751] {strides = array<i32>} : memref<2048xf32, #tpu.memory_space<vmem>>, vector<16xf32>,
      %gt3A_753 = arith.cmpf ogt, %get3A_752, %select_n3A_748 : vector<16xf32>
      %add3A_754 = arith.constant 48 : i32
      %add3A_755 = arith.addi %mul3A_722, %add3A_754 : i32
      %add3A_756 = vector.broadcast %add3A_755 : i32 to vector<16xi32>
      %add3A_757 = arith.addi %add3A_756, %iota3A : vector<16xi32>
      %select_n3A_758 = arith.select %gt3A_753, %add3A_757, %select_n3A_747 : vector<16xi1>, vector<16xi32>
      %select_n3A_759 = arith.select %gt3A_753, %get3A_752, %select_n3A_748 : vector<16xi1>, vector<16xf32>
      %mul3A_760 = arith.constant 16 : i32
      %mul3A_761 = arith.muli %select_n3A_718, %mul3A_760 : i32
      %swap3A_762 = arith.index_cast %mul3A_761 : i32 to index
      %swap3A_763 = tpu.vector_load %arg9[%swap3A_762] {strides = array<i32>} : memref<512xf32, #tpu.memory_space<vmem>>, vector<16xf32>,
      tpu.vector_store %arg9[%swap3A_762], %select_n3A_759 {strides = array<i32>} : memref<512xf32, #tpu.memory_space<vmem>>, vector<16xf32>,
      %mul3A_764 = arith.constant 16 : i32
      %mul3A_765 = arith.muli %select_n3A_718, %mul3A_764 : i32
      %swap3A_766 = arith.index_cast %mul3A_765 : i32 to index
      %swap3A_767 = tpu.vector_load %arg10[%swap3A_766] {strides = array<i32>} : memref<512xi32, #tpu.memory_space<vmem>>, vector<16xi32>,
      tpu.vector_store %arg10[%swap3A_766], %select_n3A_758 {strides = array<i32>} : memref<512xi32, #tpu.memory_space<vmem>>, vector<16xi32>,
      %broadcast_in_dim3A_768 = vector.broadcast %squeeze3A : f32 to vector<16xf32>
      %broadcast_in_dim3A_769 = arith.constant 0 : i32
      %broadcast_in_dim3A_770 = vector.broadcast %broadcast_in_dim3A_769 : i32 to vector<16xi32>
      %scan3A_771 = arith.constant 0 : i32
      %scan3A_772 = arith.constant 32 : i32
      %scan3A_773 = arith.addi %scan3A_771, %scan3A_772 : i32
      %scan3A_774 = arith.constant 1 : i32
      %scan3A_775:2 = scf.for %scan3A_1417 = %scan3A_771 to %scan3A_773 step %scan3A_774 iter_args(%scan3A_1418 = %broadcast_in_dim3A_768, %scan3A_1419 = %broadcast_in_dim3A_770) -> (vector<16xf32>, vector<16xi32>)  : i32 {
        %mul3A_1420 = arith.constant 16 : i32
        %mul3A_1421 = arith.muli %scan3A_1417, %mul3A_1420 : i32
        %get3A_1422 = arith.index_cast %mul3A_1421 : i32 to index
        %get3A_1423 = tpu.vector_load %arg9[%get3A_1422] {strides = array<i32>} : memref<512xf32, #tpu.memory_space<vmem>>, vector<16xf32>,
        %mul3A_1424 = arith.constant 16 : i32
        %mul3A_1425 = arith.muli %scan3A_1417, %mul3A_1424 : i32
        %get3A_1426 = arith.index_cast %mul3A_1425 : i32 to index
        %get3A_1427 = tpu.vector_load %arg10[%get3A_1426] {strides = array<i32>} : memref<512xi32, #tpu.memory_space<vmem>>, vector<16xi32>,
        %gt3A_1428 = arith.cmpf ogt, %get3A_1423, %scan3A_1418 : vector<16xf32>
        %select_n3A_1429 = arith.select %gt3A_1428, %get3A_1423, %scan3A_1418 : vector<16xi1>, vector<16xf32>
        %select_n3A_1430 = arith.select %gt3A_1428, %get3A_1427, %scan3A_1419 : vector<16xi1>, vector<16xi32>
        scf.yield %select_n3A_1429, %select_n3A_1430 : vector<16xf32>, vector<16xi32>
      }
      %scan3A_776 = arith.constant 32 : i32
      %masked_sort3A_777 = arith.constant dense<true> : vector<16xi1>
      %masked_sort3A_778, %masked_sort3A_779, %masked_sort3A_780 = tpu.sort %scan3A_775#0, %scan3A_775#1 masked %masked_sort3A_777 {descending = true} : (vector<16xf32>, vector<16xi32>, vector<16xi1>) -> (vector<16xi1>, vector<16xf32>, vector<16xi32>)
      %slice3A_781 = vector.extract_strided_slice %masked_sort3A_779 {offsets = [0], sizes = [1], strides = [1]} : vector<16xf32> to vector<1xf32>
      %squeeze3A_782 = vector.extract %slice3A_781[0] : f32 from vector<1xf32>
      %eq3A_783 = vector.broadcast %squeeze3A_782 : f32 to vector<16xf32>
      %eq3A_784 = arith.cmpf oeq, %scan3A_775#0, %eq3A_783 : vector<16xf32>
      %jit3A_785 = arith.constant 2147483647 : i32
      %broadcast_in_dim3A_786 = vector.broadcast %jit3A_785 : i32 to vector<16xi32>
      %select_n3A_787 = arith.select %eq3A_784, %scan3A_775#1, %broadcast_in_dim3A_786 : vector<16xi1>, vector<16xi32>
      %masked_sort3A_788 = arith.constant dense<true> : vector<16xi1>
      %masked_sort3A_789 = arith.constant -2147483648 : i32
      %masked_sort3A_790 = vector.broadcast %masked_sort3A_789 : i32 to vector<16xi32>
      %masked_sort3A_791 = arith.xori %select_n3A_787, %masked_sort3A_790 : vector<16xi32>
      %masked_sort3A_792, %masked_sort3A_793, %masked_sort3A_794 = tpu.sort %masked_sort3A_791, %scan3A_775#1 masked %masked_sort3A_788 : (vector<16xi32>, vector<16xi32>, vector<16xi1>) -> (vector<16xi1>, vector<16xi32>, vector<16xi32>)
      %masked_sort3A_795 = arith.xori %masked_sort3A_793, %masked_sort3A_790 : vector<16xi32>
      %slice3A_796 = vector.extract_strided_slice %masked_sort3A_795 {offsets = [0], sizes = [1], strides = [1]} : vector<16xi32> to vector<1xi32>
      %squeeze3A_797 = vector.extract %slice3A_796[0] : i32 from vector<1xi32>
      %jit3A_798 = arith.constant 16 : i32
      %div3A_799 = arith.divsi %squeeze3A_797, %jit3A_798 : i32
      %sign3A_800 = arith.constant 0 : i32
      %sign3A_801 = arith.cmpi sgt, %squeeze3A_797, %sign3A_800 : i32
      %sign3A_802 = arith.extui %sign3A_801 : i1 to i32
      %sign3A_803 = arith.constant 0 : i32
      %sign3A_804 = arith.cmpi slt, %squeeze3A_797, %sign3A_803 : i32
      %sign3A_805 = arith.extui %sign3A_804 : i1 to i32
      %sign3A_806 = arith.subi %sign3A_802, %sign3A_805 : i32
      %sign3A_807 = arith.constant 0 : i32
      %sign3A_808 = arith.cmpi sgt, %jit3A_798, %sign3A_807 : i32
      %sign3A_809 = arith.extui %sign3A_808 : i1 to i32
      %sign3A_810 = arith.constant 0 : i32
      %sign3A_811 = arith.cmpi slt, %jit3A_798, %sign3A_810 : i32
      %sign3A_812 = arith.extui %sign3A_811 : i1 to i32
      %sign3A_813 = arith.subi %sign3A_809, %sign3A_812 : i32
      %ne3A_814 = arith.cmpi ne, %sign3A_806, %sign3A_813 : i32
      %rem3A_815 = arith.remsi %squeeze3A_797, %jit3A_798 : i32
      %ne3A_816 = arith.constant 0 : i32
      %ne3A_817 = arith.cmpi ne, %rem3A_815, %ne3A_816 : i32
      %and3A_818 = arith.andi %ne3A_814, %ne3A_817 : i1
      %sub3A_819 = arith.constant 1 : i32
      %sub3A_820 = arith.subi %div3A_799, %sub3A_819 : i32
      %select_n3A_821 = arith.select %and3A_818, %sub3A_820, %div3A_799 : i32
      %mul3A_822 = arith.constant 16 : i32
      %mul3A_823 = arith.muli %select_n3A_821, %mul3A_822 : i32
      %jit3A_824 = arith.constant 16 : i32
      %eq3A_825 = arith.constant 0 : i32
      %eq3A_826 = arith.cmpi eq, %jit3A_824, %eq3A_825 : i32
      %jit3A_827 = arith.constant 1 : i32
      %select_n3A_828 = arith.select %eq3A_826, %jit3A_827, %jit3A_824 : i32
      %rem3A_829 = arith.remsi %squeeze3A_797, %select_n3A_828 : i32
      %ne3A_830 = arith.constant 0 : i32
      %ne3A_831 = arith.cmpi ne, %rem3A_829, %ne3A_830 : i32
      %lt3A_832 = arith.constant 0 : i32
      %lt3A_833 = arith.cmpi slt, %rem3A_829, %lt3A_832 : i32
      %lt3A_834 = arith.constant 0 : i32
      %lt3A_835 = arith.cmpi slt, %select_n3A_828, %lt3A_834 : i32
      %ne3A_836 = arith.xori %lt3A_833, %lt3A_835 : i1
      %and3A_837 = arith.andi %ne3A_836, %ne3A_831 : i1
      %add3A_838 = arith.addi %rem3A_829, %select_n3A_828 : i32
      %select_n3A_839 = arith.select %and3A_837, %add3A_838, %rem3A_829 : i32
      %eq3A_840 = vector.broadcast %select_n3A_839 : i32 to vector<16xi32>
      %eq3A_841 = arith.cmpi eq, %iota3A, %eq3A_840 : vector<16xi32>
      %get3A_842 = arith.index_cast %mul3A_823 : i32 to index
      %get3A_843 = tpu.vector_load %arg8[%get3A_842] {strides = array<i32>} : memref<2048xf32, #tpu.memory_space<vmem>>, vector<16xf32>,
      %broadcast_in_dim3A_844 = vector.broadcast %squeeze3A : f32 to vector<16xf32>
      %select_n3A_845 = arith.select %eq3A_841, %broadcast_in_dim3A_844, %get3A_843 : vector<16xi1>, vector<16xf32>
      %swap3A_846 = arith.index_cast %mul3A_823 : i32 to index
      %swap3A_847 = tpu.vector_load %arg8[%swap3A_846] {strides = array<i32>} : memref<2048xf32, #tpu.memory_space<vmem>>, vector<16xf32>,
      tpu.vector_store %arg8[%swap3A_846], %select_n3A_845 {strides = array<i32>} : memref<2048xf32, #tpu.memory_space<vmem>>, vector<16xf32>,
      %jit3A_848 = arith.constant 64 : i32
      %div3A_849 = arith.divsi %squeeze3A_797, %jit3A_848 : i32
      %sign3A_850 = arith.constant 0 : i32
      %sign3A_851 = arith.cmpi sgt, %squeeze3A_797, %sign3A_850 : i32
      %sign3A_852 = arith.extui %sign3A_851 : i1 to i32
      %sign3A_853 = arith.constant 0 : i32
      %sign3A_854 = arith.cmpi slt, %squeeze3A_797, %sign3A_853 : i32
      %sign3A_855 = arith.extui %sign3A_854 : i1 to i32
      %sign3A_856 = arith.subi %sign3A_852, %sign3A_855 : i32
      %sign3A_857 = arith.constant 0 : i32
      %sign3A_858 = arith.cmpi sgt, %jit3A_848, %sign3A_857 : i32
      %sign3A_859 = arith.extui %sign3A_858 : i1 to i32
      %sign3A_860 = arith.constant 0 : i32
      %sign3A_861 = arith.cmpi slt, %jit3A_848, %sign3A_860 : i32
      %sign3A_862 = arith.extui %sign3A_861 : i1 to i32
      %sign3A_863 = arith.subi %sign3A_859, %sign3A_862 : i32
      %ne3A_864 = arith.cmpi ne, %sign3A_856, %sign3A_863 : i32
      %rem3A_865 = arith.remsi %squeeze3A_797, %jit3A_848 : i32
      %ne3A_866 = arith.constant 0 : i32
      %ne3A_867 = arith.cmpi ne, %rem3A_865, %ne3A_866 : i32
      %and3A_868 = arith.andi %ne3A_864, %ne3A_867 : i1
      %sub3A_869 = arith.constant 1 : i32
      %sub3A_870 = arith.subi %div3A_849, %sub3A_869 : i32
      %select_n3A_871 = arith.select %and3A_868, %sub3A_870, %div3A_849 : i32
      %mul3A_872 = arith.constant 4 : i32
      %mul3A_873 = arith.muli %select_n3A_871, %mul3A_872 : i32
      %mul3A_874 = arith.constant 16 : i32
      %mul3A_875 = arith.muli %mul3A_873, %mul3A_874 : i32
      %get3A_876 = arith.index_cast %mul3A_875 : i32 to index
      %get3A_877 = tpu.vector_load %arg8[%get3A_876] {strides = array<i32>} : memref<2048xf32, #tpu.memory_space<vmem>>, vector<16xf32>,
      %add3A_878 = vector.broadcast %mul3A_875 : i32 to vector<16xi32>
      %add3A_879 = arith.addi %add3A_878, %iota3A : vector<16xi32>
      %add3A_880 = arith.constant 16 : i32
      %add3A_881 = arith.addi %mul3A_875, %add3A_880 : i32
      %get3A_882 = arith.index_cast %add3A_881 : i32 to index
      %get3A_883 = tpu.vector_load %arg8[%get3A_882] {strides = array<i32>} : memref<2048xf32, #tpu.memory_space<vmem>>, vector<16xf32>,
      %gt3A_884 = arith.cmpf ogt, %get3A_883, %get3A_877 : vector<16xf32>
      %add3A_885 = arith.constant 16 : i32
      %add3A_886 = arith.addi %mul3A_875, %add3A_885 : i32
      %add3A_887 = vector.broadcast %add3A_886 : i32 to vector<16xi32>
      %add3A_888 = arith.addi %add3A_887, %iota3A : vector<16xi32>
      %select_n3A_889 = arith.select %gt3A_884, %add3A_888, %add3A_879 : vector<16xi1>, vector<16xi32>
      %select_n3A_890 = arith.select %gt3A_884, %get3A_883, %get3A_877 : vector<16xi1>, vector<16xf32>
      %add3A_891 = arith.constant 32 : i32
      %add3A_892 = arith.addi %mul3A_875, %add3A_891 : i32
      %get3A_893 = arith.index_cast %add3A_892 : i32 to index
      %get3A_894 = tpu.vector_load %arg8[%get3A_893] {strides = array<i32>} : memref<2048xf32, #tpu.memory_space<vmem>>, vector<16xf32>,
      %gt3A_895 = arith.cmpf ogt, %get3A_894, %select_n3A_890 : vector<16xf32>
      %add3A_896 = arith.constant 32 : i32
      %add3A_897 = arith.addi %mul3A_875, %add3A_896 : i32
      %add3A_898 = vector.broadcast %add3A_897 : i32 to vector<16xi32>
      %add3A_899 = arith.addi %add3A_898, %iota3A : vector<16xi32>
      %select_n3A_900 = arith.select %gt3A_895, %add3A_899, %select_n3A_889 : vector<16xi1>, vector<16xi32>
      %select_n3A_901 = arith.select %gt3A_895, %get3A_894, %select_n3A_890 : vector<16xi1>, vector<16xf32>
      %add3A_902 = arith.constant 48 : i32
      %add3A_903 = arith.addi %mul3A_875, %add3A_902 : i32
      %get3A_904 = arith.index_cast %add3A_903 : i32 to index
      %get3A_905 = tpu.vector_load %arg8[%get3A_904] {strides = array<i32>} : memref<2048xf32, #tpu.memory_space<vmem>>, vector<16xf32>,
      %gt3A_906 = arith.cmpf ogt, %get3A_905, %select_n3A_901 : vector<16xf32>
      %add3A_907 = arith.constant 48 : i32
      %add3A_908 = arith.addi %mul3A_875, %add3A_907 : i32
      %add3A_909 = vector.broadcast %add3A_908 : i32 to vector<16xi32>
      %add3A_910 = arith.addi %add3A_909, %iota3A : vector<16xi32>
      %select_n3A_911 = arith.select %gt3A_906, %add3A_910, %select_n3A_900 : vector<16xi1>, vector<16xi32>
      %select_n3A_912 = arith.select %gt3A_906, %get3A_905, %select_n3A_901 : vector<16xi1>, vector<16xf32>
      %mul3A_913 = arith.constant 16 : i32
      %mul3A_914 = arith.muli %select_n3A_871, %mul3A_913 : i32
      %swap3A_915 = arith.index_cast %mul3A_914 : i32 to index
      %swap3A_916 = tpu.vector_load %arg9[%swap3A_915] {strides = array<i32>} : memref<512xf32, #tpu.memory_space<vmem>>, vector<16xf32>,
      tpu.vector_store %arg9[%swap3A_915], %select_n3A_912 {strides = array<i32>} : memref<512xf32, #tpu.memory_space<vmem>>, vector<16xf32>,
      %mul3A_917 = arith.constant 16 : i32
      %mul3A_918 = arith.muli %select_n3A_871, %mul3A_917 : i32
      %swap3A_919 = arith.index_cast %mul3A_918 : i32 to index
      %swap3A_920 = tpu.vector_load %arg10[%swap3A_919] {strides = array<i32>} : memref<512xi32, #tpu.memory_space<vmem>>, vector<16xi32>,
      tpu.vector_store %arg10[%swap3A_919], %select_n3A_911 {strides = array<i32>} : memref<512xi32, #tpu.memory_space<vmem>>, vector<16xi32>,
      %broadcast_in_dim3A_921 = vector.broadcast %squeeze3A : f32 to vector<16xf32>
      %broadcast_in_dim3A_922 = arith.constant 0 : i32
      %broadcast_in_dim3A_923 = vector.broadcast %broadcast_in_dim3A_922 : i32 to vector<16xi32>
      %scan3A_924 = arith.constant 0 : i32
      %scan3A_925 = arith.constant 32 : i32
      %scan3A_926 = arith.addi %scan3A_924, %scan3A_925 : i32
      %scan3A_927 = arith.constant 1 : i32
      %scan3A_928:2 = scf.for %scan3A_1417 = %scan3A_924 to %scan3A_926 step %scan3A_927 iter_args(%scan3A_1418 = %broadcast_in_dim3A_921, %scan3A_1419 = %broadcast_in_dim3A_923) -> (vector<16xf32>, vector<16xi32>)  : i32 {
        %mul3A_1420 = arith.constant 16 : i32
        %mul3A_1421 = arith.muli %scan3A_1417, %mul3A_1420 : i32
        %get3A_1422 = arith.index_cast %mul3A_1421 : i32 to index
        %get3A_1423 = tpu.vector_load %arg9[%get3A_1422] {strides = array<i32>} : memref<512xf32, #tpu.memory_space<vmem>>, vector<16xf32>,
        %mul3A_1424 = arith.constant 16 : i32
        %mul3A_1425 = arith.muli %scan3A_1417, %mul3A_1424 : i32
        %get3A_1426 = arith.index_cast %mul3A_1425 : i32 to index
        %get3A_1427 = tpu.vector_load %arg10[%get3A_1426] {strides = array<i32>} : memref<512xi32, #tpu.memory_space<vmem>>, vector<16xi32>,
        %gt3A_1428 = arith.cmpf ogt, %get3A_1423, %scan3A_1418 : vector<16xf32>
        %select_n3A_1429 = arith.select %gt3A_1428, %get3A_1423, %scan3A_1418 : vector<16xi1>, vector<16xf32>
        %select_n3A_1430 = arith.select %gt3A_1428, %get3A_1427, %scan3A_1419 : vector<16xi1>, vector<16xi32>
        scf.yield %select_n3A_1429, %select_n3A_1430 : vector<16xf32>, vector<16xi32>
      }
      %scan3A_929 = arith.constant 32 : i32
      %masked_sort3A_930 = arith.constant dense<true> : vector<16xi1>
      %masked_sort3A_931, %masked_sort3A_932, %masked_sort3A_933 = tpu.sort %scan3A_928#0, %scan3A_928#1 masked %masked_sort3A_930 {descending = true} : (vector<16xf32>, vector<16xi32>, vector<16xi1>) -> (vector<16xi1>, vector<16xf32>, vector<16xi32>)
      %slice3A_934 = vector.extract_strided_slice %masked_sort3A_932 {offsets = [0], sizes = [1], strides = [1]} : vector<16xf32> to vector<1xf32>
      %squeeze3A_935 = vector.extract %slice3A_934[0] : f32 from vector<1xf32>
      %eq3A_936 = vector.broadcast %squeeze3A_935 : f32 to vector<16xf32>
      %eq3A_937 = arith.cmpf oeq, %scan3A_928#0, %eq3A_936 : vector<16xf32>
      %jit3A_938 = arith.constant 2147483647 : i32
      %broadcast_in_dim3A_939 = vector.broadcast %jit3A_938 : i32 to vector<16xi32>
      %select_n3A_940 = arith.select %eq3A_937, %scan3A_928#1, %broadcast_in_dim3A_939 : vector<16xi1>, vector<16xi32>
      %masked_sort3A_941 = arith.constant dense<true> : vector<16xi1>
      %masked_sort3A_942 = arith.constant -2147483648 : i32
      %masked_sort3A_943 = vector.broadcast %masked_sort3A_942 : i32 to vector<16xi32>
      %masked_sort3A_944 = arith.xori %select_n3A_940, %masked_sort3A_943 : vector<16xi32>
      %masked_sort3A_945, %masked_sort3A_946, %masked_sort3A_947 = tpu.sort %masked_sort3A_944, %scan3A_928#1 masked %masked_sort3A_941 : (vector<16xi32>, vector<16xi32>, vector<16xi1>) -> (vector<16xi1>, vector<16xi32>, vector<16xi32>)
      %masked_sort3A_948 = arith.xori %masked_sort3A_946, %masked_sort3A_943 : vector<16xi32>
      %slice3A_949 = vector.extract_strided_slice %masked_sort3A_948 {offsets = [0], sizes = [1], strides = [1]} : vector<16xi32> to vector<1xi32>
      %squeeze3A_950 = vector.extract %slice3A_949[0] : i32 from vector<1xi32>
      %jit3A_951 = arith.constant 16 : i32
      %div3A_952 = arith.divsi %squeeze3A_950, %jit3A_951 : i32
      %sign3A_953 = arith.constant 0 : i32
      %sign3A_954 = arith.cmpi sgt, %squeeze3A_950, %sign3A_953 : i32
      %sign3A_955 = arith.extui %sign3A_954 : i1 to i32
      %sign3A_956 = arith.constant 0 : i32
      %sign3A_957 = arith.cmpi slt, %squeeze3A_950, %sign3A_956 : i32
      %sign3A_958 = arith.extui %sign3A_957 : i1 to i32
      %sign3A_959 = arith.subi %sign3A_955, %sign3A_958 : i32
      %sign3A_960 = arith.constant 0 : i32
      %sign3A_961 = arith.cmpi sgt, %jit3A_951, %sign3A_960 : i32
      %sign3A_962 = arith.extui %sign3A_961 : i1 to i32
      %sign3A_963 = arith.constant 0 : i32
      %sign3A_964 = arith.cmpi slt, %jit3A_951, %sign3A_963 : i32
      %sign3A_965 = arith.extui %sign3A_964 : i1 to i32
      %sign3A_966 = arith.subi %sign3A_962, %sign3A_965 : i32
      %ne3A_967 = arith.cmpi ne, %sign3A_959, %sign3A_966 : i32
      %rem3A_968 = arith.remsi %squeeze3A_950, %jit3A_951 : i32
      %ne3A_969 = arith.constant 0 : i32
      %ne3A_970 = arith.cmpi ne, %rem3A_968, %ne3A_969 : i32
      %and3A_971 = arith.andi %ne3A_967, %ne3A_970 : i1
      %sub3A_972 = arith.constant 1 : i32
      %sub3A_973 = arith.subi %div3A_952, %sub3A_972 : i32
      %select_n3A_974 = arith.select %and3A_971, %sub3A_973, %div3A_952 : i32
      %mul3A_975 = arith.constant 16 : i32
      %mul3A_976 = arith.muli %select_n3A_974, %mul3A_975 : i32
      %jit3A_977 = arith.constant 16 : i32
      %eq3A_978 = arith.constant 0 : i32
      %eq3A_979 = arith.cmpi eq, %jit3A_977, %eq3A_978 : i32
      %jit3A_980 = arith.constant 1 : i32
      %select_n3A_981 = arith.select %eq3A_979, %jit3A_980, %jit3A_977 : i32
      %rem3A_982 = arith.remsi %squeeze3A_950, %select_n3A_981 : i32
      %ne3A_983 = arith.constant 0 : i32
      %ne3A_984 = arith.cmpi ne, %rem3A_982, %ne3A_983 : i32
      %lt3A_985 = arith.constant 0 : i32
      %lt3A_986 = arith.cmpi slt, %rem3A_982, %lt3A_985 : i32
      %lt3A_987 = arith.constant 0 : i32
      %lt3A_988 = arith.cmpi slt, %select_n3A_981, %lt3A_987 : i32
      %ne3A_989 = arith.xori %lt3A_986, %lt3A_988 : i1
      %and3A_990 = arith.andi %ne3A_989, %ne3A_984 : i1
      %add3A_991 = arith.addi %rem3A_982, %select_n3A_981 : i32
      %select_n3A_992 = arith.select %and3A_990, %add3A_991, %rem3A_982 : i32
      %eq3A_993 = vector.broadcast %select_n3A_992 : i32 to vector<16xi32>
      %eq3A_994 = arith.cmpi eq, %iota3A, %eq3A_993 : vector<16xi32>
      %get3A_995 = arith.index_cast %mul3A_976 : i32 to index
      %get3A_996 = tpu.vector_load %arg8[%get3A_995] {strides = array<i32>} : memref<2048xf32, #tpu.memory_space<vmem>>, vector<16xf32>,
      %broadcast_in_dim3A_997 = vector.broadcast %squeeze3A : f32 to vector<16xf32>
      %select_n3A_998 = arith.select %eq3A_994, %broadcast_in_dim3A_997, %get3A_996 : vector<16xi1>, vector<16xf32>
      %swap3A_999 = arith.index_cast %mul3A_976 : i32 to index
      %swap3A_1000 = tpu.vector_load %arg8[%swap3A_999] {strides = array<i32>} : memref<2048xf32, #tpu.memory_space<vmem>>, vector<16xf32>,
      tpu.vector_store %arg8[%swap3A_999], %select_n3A_998 {strides = array<i32>} : memref<2048xf32, #tpu.memory_space<vmem>>, vector<16xf32>,
      %jit3A_1001 = arith.constant 64 : i32
      %div3A_1002 = arith.divsi %squeeze3A_950, %jit3A_1001 : i32
      %sign3A_1003 = arith.constant 0 : i32
      %sign3A_1004 = arith.cmpi sgt, %squeeze3A_950, %sign3A_1003 : i32
      %sign3A_1005 = arith.extui %sign3A_1004 : i1 to i32
      %sign3A_1006 = arith.constant 0 : i32
      %sign3A_1007 = arith.cmpi slt, %squeeze3A_950, %sign3A_1006 : i32
      %sign3A_1008 = arith.extui %sign3A_1007 : i1 to i32
      %sign3A_1009 = arith.subi %sign3A_1005, %sign3A_1008 : i32
      %sign3A_1010 = arith.constant 0 : i32
      %sign3A_1011 = arith.cmpi sgt, %jit3A_1001, %sign3A_1010 : i32
      %sign3A_1012 = arith.extui %sign3A_1011 : i1 to i32
      %sign3A_1013 = arith.constant 0 : i32
      %sign3A_1014 = arith.cmpi slt, %jit3A_1001, %sign3A_1013 : i32
      %sign3A_1015 = arith.extui %sign3A_1014 : i1 to i32
      %sign3A_1016 = arith.subi %sign3A_1012, %sign3A_1015 : i32
      %ne3A_1017 = arith.cmpi ne, %sign3A_1009, %sign3A_1016 : i32
      %rem3A_1018 = arith.remsi %squeeze3A_950, %jit3A_1001 : i32
      %ne3A_1019 = arith.constant 0 : i32
      %ne3A_1020 = arith.cmpi ne, %rem3A_1018, %ne3A_1019 : i32
      %and3A_1021 = arith.andi %ne3A_1017, %ne3A_1020 : i1
      %sub3A_1022 = arith.constant 1 : i32
      %sub3A_1023 = arith.subi %div3A_1002, %sub3A_1022 : i32
      %select_n3A_1024 = arith.select %and3A_1021, %sub3A_1023, %div3A_1002 : i32
      %mul3A_1025 = arith.constant 4 : i32
      %mul3A_1026 = arith.muli %select_n3A_1024, %mul3A_1025 : i32
      %mul3A_1027 = arith.constant 16 : i32
      %mul3A_1028 = arith.muli %mul3A_1026, %mul3A_1027 : i32
      %get3A_1029 = arith.index_cast %mul3A_1028 : i32 to index
      %get3A_1030 = tpu.vector_load %arg8[%get3A_1029] {strides = array<i32>} : memref<2048xf32, #tpu.memory_space<vmem>>, vector<16xf32>,
      %add3A_1031 = vector.broadcast %mul3A_1028 : i32 to vector<16xi32>
      %add3A_1032 = arith.addi %add3A_1031, %iota3A : vector<16xi32>
      %add3A_1033 = arith.constant 16 : i32
      %add3A_1034 = arith.addi %mul3A_1028, %add3A_1033 : i32
      %get3A_1035 = arith.index_cast %add3A_1034 : i32 to index
      %get3A_1036 = tpu.vector_load %arg8[%get3A_1035] {strides = array<i32>} : memref<2048xf32, #tpu.memory_space<vmem>>, vector<16xf32>,
      %gt3A_1037 = arith.cmpf ogt, %get3A_1036, %get3A_1030 : vector<16xf32>
      %add3A_1038 = arith.constant 16 : i32
      %add3A_1039 = arith.addi %mul3A_1028, %add3A_1038 : i32
      %add3A_1040 = vector.broadcast %add3A_1039 : i32 to vector<16xi32>
      %add3A_1041 = arith.addi %add3A_1040, %iota3A : vector<16xi32>
      %select_n3A_1042 = arith.select %gt3A_1037, %add3A_1041, %add3A_1032 : vector<16xi1>, vector<16xi32>
      %select_n3A_1043 = arith.select %gt3A_1037, %get3A_1036, %get3A_1030 : vector<16xi1>, vector<16xf32>
      %add3A_1044 = arith.constant 32 : i32
      %add3A_1045 = arith.addi %mul3A_1028, %add3A_1044 : i32
      %get3A_1046 = arith.index_cast %add3A_1045 : i32 to index
      %get3A_1047 = tpu.vector_load %arg8[%get3A_1046] {strides = array<i32>} : memref<2048xf32, #tpu.memory_space<vmem>>, vector<16xf32>,
      %gt3A_1048 = arith.cmpf ogt, %get3A_1047, %select_n3A_1043 : vector<16xf32>
      %add3A_1049 = arith.constant 32 : i32
      %add3A_1050 = arith.addi %mul3A_1028, %add3A_1049 : i32
      %add3A_1051 = vector.broadcast %add3A_1050 : i32 to vector<16xi32>
      %add3A_1052 = arith.addi %add3A_1051, %iota3A : vector<16xi32>
      %select_n3A_1053 = arith.select %gt3A_1048, %add3A_1052, %select_n3A_1042 : vector<16xi1>, vector<16xi32>
      %select_n3A_1054 = arith.select %gt3A_1048, %get3A_1047, %select_n3A_1043 : vector<16xi1>, vector<16xf32>
      %add3A_1055 = arith.constant 48 : i32
      %add3A_1056 = arith.addi %mul3A_1028, %add3A_1055 : i32
      %get3A_1057 = arith.index_cast %add3A_1056 : i32 to index
      %get3A_1058 = tpu.vector_load %arg8[%get3A_1057] {strides = array<i32>} : memref<2048xf32, #tpu.memory_space<vmem>>, vector<16xf32>,
      %gt3A_1059 = arith.cmpf ogt, %get3A_1058, %select_n3A_1054 : vector<16xf32>
      %add3A_1060 = arith.constant 48 : i32
      %add3A_1061 = arith.addi %mul3A_1028, %add3A_1060 : i32
      %add3A_1062 = vector.broadcast %add3A_1061 : i32 to vector<16xi32>
      %add3A_1063 = arith.addi %add3A_1062, %iota3A : vector<16xi32>
      %select_n3A_1064 = arith.select %gt3A_1059, %add3A_1063, %select_n3A_1053 : vector<16xi1>, vector<16xi32>
      %select_n3A_1065 = arith.select %gt3A_1059, %get3A_1058, %select_n3A_1054 : vector<16xi1>, vector<16xf32>
      %mul3A_1066 = arith.constant 16 : i32
      %mul3A_1067 = arith.muli %select_n3A_1024, %mul3A_1066 : i32
      %swap3A_1068 = arith.index_cast %mul3A_1067 : i32 to index
      %swap3A_1069 = tpu.vector_load %arg9[%swap3A_1068] {strides = array<i32>} : memref<512xf32, #tpu.memory_space<vmem>>, vector<16xf32>,
      tpu.vector_store %arg9[%swap3A_1068], %select_n3A_1065 {strides = array<i32>} : memref<512xf32, #tpu.memory_space<vmem>>, vector<16xf32>,
      %mul3A_1070 = arith.constant 16 : i32
      %mul3A_1071 = arith.muli %select_n3A_1024, %mul3A_1070 : i32
      %swap3A_1072 = arith.index_cast %mul3A_1071 : i32 to index
      %swap3A_1073 = tpu.vector_load %arg10[%swap3A_1072] {strides = array<i32>} : memref<512xi32, #tpu.memory_space<vmem>>, vector<16xi32>,
      tpu.vector_store %arg10[%swap3A_1072], %select_n3A_1064 {strides = array<i32>} : memref<512xi32, #tpu.memory_space<vmem>>, vector<16xi32>,
      %broadcast_in_dim3A_1074 = arith.constant 0 : i32
      %broadcast_in_dim3A_1075 = vector.broadcast %broadcast_in_dim3A_1074 : i32 to vector<16xi32>
      %eq3A_1076 = arith.constant 0 : i32
      %eq3A_1077 = vector.broadcast %eq3A_1076 : i32 to vector<16xi32>
      %eq3A_1078 = arith.cmpi eq, %iota3A, %eq3A_1077 : vector<16xi32>
      %broadcast_in_dim3A_1079 = vector.broadcast %squeeze3A_42 : i32 to vector<16xi32>
      %select_n3A_1080 = arith.select %eq3A_1078, %broadcast_in_dim3A_1079, %broadcast_in_dim3A_1075 : vector<16xi1>, vector<16xi32>
      %eq3A_1081 = arith.constant 1 : i32
      %eq3A_1082 = vector.broadcast %eq3A_1081 : i32 to vector<16xi32>
      %eq3A_1083 = arith.cmpi eq, %iota3A, %eq3A_1082 : vector<16xi32>
      %broadcast_in_dim3A_1084 = vector.broadcast %squeeze3A_185 : i32 to vector<16xi32>
      %select_n3A_1085 = arith.select %eq3A_1083, %broadcast_in_dim3A_1084, %select_n3A_1080 : vector<16xi1>, vector<16xi32>
      %eq3A_1086 = arith.constant 2 : i32
      %eq3A_1087 = vector.broadcast %eq3A_1086 : i32 to vector<16xi32>
      %eq3A_1088 = arith.cmpi eq, %iota3A, %eq3A_1087 : vector<16xi32>
      %broadcast_in_dim3A_1089 = vector.broadcast %squeeze3A_338 : i32 to vector<16xi32>
      %select_n3A_1090 = arith.select %eq3A_1088, %broadcast_in_dim3A_1089, %select_n3A_1085 : vector<16xi1>, vector<16xi32>
      %eq3A_1091 = arith.constant 3 : i32
      %eq3A_1092 = vector.broadcast %eq3A_1091 : i32 to vector<16xi32>
      %eq3A_1093 = arith.cmpi eq, %iota3A, %eq3A_1092 : vector<16xi32>
      %broadcast_in_dim3A_1094 = vector.broadcast %squeeze3A_491 : i32 to vector<16xi32>
      %select_n3A_1095 = arith.select %eq3A_1093, %broadcast_in_dim3A_1094, %select_n3A_1090 : vector<16xi1>, vector<16xi32>
      %eq3A_1096 = arith.constant 4 : i32
      %eq3A_1097 = vector.broadcast %eq3A_1096 : i32 to vector<16xi32>
      %eq3A_1098 = arith.cmpi eq, %iota3A, %eq3A_1097 : vector<16xi32>
      %broadcast_in_dim3A_1099 = vector.broadcast %squeeze3A_644 : i32 to vector<16xi32>
      %select_n3A_1100 = arith.select %eq3A_1098, %broadcast_in_dim3A_1099, %select_n3A_1095 : vector<16xi1>, vector<16xi32>
      %eq3A_1101 = arith.constant 5 : i32
      %eq3A_1102 = vector.broadcast %eq3A_1101 : i32 to vector<16xi32>
      %eq3A_1103 = arith.cmpi eq, %iota3A, %eq3A_1102 : vector<16xi32>
      %broadcast_in_dim3A_1104 = vector.broadcast %squeeze3A_797 : i32 to vector<16xi32>
      %select_n3A_1105 = arith.select %eq3A_1103, %broadcast_in_dim3A_1104, %select_n3A_1100 : vector<16xi1>, vector<16xi32>
      %eq3A_1106 = arith.constant 6 : i32
      %eq3A_1107 = vector.broadcast %eq3A_1106 : i32 to vector<16xi32>
      %eq3A_1108 = arith.cmpi eq, %iota3A, %eq3A_1107 : vector<16xi32>
      %broadcast_in_dim3A_1109 = vector.broadcast %squeeze3A_950 : i32 to vector<16xi32>
      %select_n3A_1110 = arith.select %eq3A_1108, %broadcast_in_dim3A_1109, %select_n3A_1105 : vector<16xi1>, vector<16xi32>
      %swap3A_1111 = arith.constant 0 : index
      %swap3A_1112 = tpu.vector_load %arg11[%swap3A_1111] {strides = array<i32>} : memref<16xi32, #tpu.memory_space<vmem>>, vector<16xi32>,
      tpu.vector_store %arg11[%swap3A_1111], %select_n3A_1110 {strides = array<i32>} : memref<16xi32, #tpu.memory_space<vmem>>, vector<16xi32>,
      %lt3A_1113 = arith.constant 7 : i32
      %lt3A_1114 = vector.broadcast %lt3A_1113 : i32 to vector<16xi32>
      %lt3A_1115 = arith.cmpi slt, %iota3A, %lt3A_1114 : vector<16xi32>
      %jit3A_1116 = arith.constant 0 : i32
      %broadcast_in_dim3A_1117 = vector.broadcast %jit3A_1116 : i32 to vector<16xi32>
      %select_n3A_1118 = arith.select %lt3A_1115, %select_n3A_1110, %broadcast_in_dim3A_1117 : vector<16xi1>, vector<16xi32>
      %broadcast_in_dim3A_1119 = arith.constant 0 : i32
      %broadcast_in_dim3A_1120 = vector.broadcast %broadcast_in_dim3A_1119 : i32 to vector<16xi32>
      %gather3A = tpu.vector_load_idx %arg7[%broadcast_in_dim3A_1120, %select_n3A_1118] : memref<4x2048xf32, #tpu.memory_space<vmem>>[vector<16xi32>, vector<16xi32>], vector<16xf32>,
      %broadcast_in_dim3A_1121 = vector.broadcast %squeeze3A : f32 to vector<16xf32>
      %select_n3A_1122 = arith.select %lt3A_1115, %gather3A, %broadcast_in_dim3A_1121 : vector<16xi1>, vector<16xf32>
      %masked_sort3A_1123 = arith.constant dense<true> : vector<16xi1>
      %masked_sort3A_1124, %masked_sort3A_1125, %masked_sort3A_1126 = tpu.sort %select_n3A_1122, %select_n3A_1118 masked %masked_sort3A_1123 {descending = true} : (vector<16xf32>, vector<16xi32>, vector<16xi1>) -> (vector<16xi1>, vector<16xf32>, vector<16xi32>)
      %slice3A_1127 = vector.extract_strided_slice %masked_sort3A_1125 {offsets = [0], sizes = [1], strides = [1]} : vector<16xf32> to vector<1xf32>
      %squeeze3A_1128 = vector.extract %slice3A_1127[0] : f32 from vector<1xf32>
      %sub3A_1129 = vector.broadcast %squeeze3A_1128 : f32 to vector<16xf32>
      %sub3A_1130 = arith.subf %select_n3A_1122, %sub3A_1129 : vector<16xf32>
      %exp3A = math.exp %sub3A_1130 : vector<16xf32>
      %jit3A_1131 = arith.constant 0.000000e+00 : f32
      %broadcast_in_dim3A_1132 = vector.broadcast %jit3A_1131 : f32 to vector<16xf32>
      %select_n3A_1133 = arith.select %lt3A_1115, %exp3A, %broadcast_in_dim3A_1132 : vector<16xi1>, vector<16xf32>
      %slice3A_1134 = vector.extract_strided_slice %select_n3A_1133 {offsets = [0], sizes = [1], strides = [1]} : vector<16xf32> to vector<1xf32>
      %squeeze3A_1135 = vector.extract %slice3A_1134[0] : f32 from vector<1xf32>
      %add3A_1136 = arith.constant 0.000000e+00 : f32
      %add3A_1137 = arith.addf %add3A_1136, %squeeze3A_1135 : f32
      %slice3A_1138 = vector.extract_strided_slice %select_n3A_1133 {offsets = [1], sizes = [1], strides = [1]} : vector<16xf32> to vector<1xf32>
      %squeeze3A_1139 = vector.extract %slice3A_1138[0] : f32 from vector<1xf32>
      %add3A_1140 = arith.addf %add3A_1137, %squeeze3A_1139 : f32
      %slice3A_1141 = vector.extract_strided_slice %select_n3A_1133 {offsets = [2], sizes = [1], strides = [1]} : vector<16xf32> to vector<1xf32>
      %squeeze3A_1142 = vector.extract %slice3A_1141[0] : f32 from vector<1xf32>
      %add3A_1143 = arith.addf %add3A_1140, %squeeze3A_1142 : f32
      %slice3A_1144 = vector.extract_strided_slice %select_n3A_1133 {offsets = [3], sizes = [1], strides = [1]} : vector<16xf32> to vector<1xf32>
      %squeeze3A_1145 = vector.extract %slice3A_1144[0] : f32 from vector<1xf32>
      %add3A_1146 = arith.addf %add3A_1143, %squeeze3A_1145 : f32
      %slice3A_1147 = vector.extract_strided_slice %select_n3A_1133 {offsets = [4], sizes = [1], strides = [1]} : vector<16xf32> to vector<1xf32>
      %squeeze3A_1148 = vector.extract %slice3A_1147[0] : f32 from vector<1xf32>
      %add3A_1149 = arith.addf %add3A_1146, %squeeze3A_1148 : f32
      %slice3A_1150 = vector.extract_strided_slice %select_n3A_1133 {offsets = [5], sizes = [1], strides = [1]} : vector<16xf32> to vector<1xf32>
      %squeeze3A_1151 = vector.extract %slice3A_1150[0] : f32 from vector<1xf32>
      %add3A_1152 = arith.addf %add3A_1149, %squeeze3A_1151 : f32
      %slice3A_1153 = vector.extract_strided_slice %select_n3A_1133 {offsets = [6], sizes = [1], strides = [1]} : vector<16xf32> to vector<1xf32>
      %squeeze3A_1154 = vector.extract %slice3A_1153[0] : f32 from vector<1xf32>
      %add3A_1155 = arith.addf %add3A_1152, %squeeze3A_1154 : f32
      %slice3A_1156 = vector.extract_strided_slice %select_n3A_1133 {offsets = [7], sizes = [1], strides = [1]} : vector<16xf32> to vector<1xf32>
      %squeeze3A_1157 = vector.extract %slice3A_1156[0] : f32 from vector<1xf32>
      %add3A_1158 = arith.addf %add3A_1155, %squeeze3A_1157 : f32
      %slice3A_1159 = vector.extract_strided_slice %select_n3A_1133 {offsets = [8], sizes = [1], strides = [1]} : vector<16xf32> to vector<1xf32>
      %squeeze3A_1160 = vector.extract %slice3A_1159[0] : f32 from vector<1xf32>
      %add3A_1161 = arith.addf %add3A_1158, %squeeze3A_1160 : f32
      %slice3A_1162 = vector.extract_strided_slice %select_n3A_1133 {offsets = [9], sizes = [1], strides = [1]} : vector<16xf32> to vector<1xf32>
      %squeeze3A_1163 = vector.extract %slice3A_1162[0] : f32 from vector<1xf32>
      %add3A_1164 = arith.addf %add3A_1161, %squeeze3A_1163 : f32
      %slice3A_1165 = vector.extract_strided_slice %select_n3A_1133 {offsets = [10], sizes = [1], strides = [1]} : vector<16xf32> to vector<1xf32>
      %squeeze3A_1166 = vector.extract %slice3A_1165[0] : f32 from vector<1xf32>
      %add3A_1167 = arith.addf %add3A_1164, %squeeze3A_1166 : f32
      %slice3A_1168 = vector.extract_strided_slice %select_n3A_1133 {offsets = [11], sizes = [1], strides = [1]} : vector<16xf32> to vector<1xf32>
      %squeeze3A_1169 = vector.extract %slice3A_1168[0] : f32 from vector<1xf32>
      %add3A_1170 = arith.addf %add3A_1167, %squeeze3A_1169 : f32
      %slice3A_1171 = vector.extract_strided_slice %select_n3A_1133 {offsets = [12], sizes = [1], strides = [1]} : vector<16xf32> to vector<1xf32>
      %squeeze3A_1172 = vector.extract %slice3A_1171[0] : f32 from vector<1xf32>
      %add3A_1173 = arith.addf %add3A_1170, %squeeze3A_1172 : f32
      %slice3A_1174 = vector.extract_strided_slice %select_n3A_1133 {offsets = [13], sizes = [1], strides = [1]} : vector<16xf32> to vector<1xf32>
      %squeeze3A_1175 = vector.extract %slice3A_1174[0] : f32 from vector<1xf32>
      %add3A_1176 = arith.addf %add3A_1173, %squeeze3A_1175 : f32
      %slice3A_1177 = vector.extract_strided_slice %select_n3A_1133 {offsets = [14], sizes = [1], strides = [1]} : vector<16xf32> to vector<1xf32>
      %squeeze3A_1178 = vector.extract %slice3A_1177[0] : f32 from vector<1xf32>
      %add3A_1179 = arith.addf %add3A_1176, %squeeze3A_1178 : f32
      %slice3A_1180 = vector.extract_strided_slice %select_n3A_1133 {offsets = [15], sizes = [1], strides = [1]} : vector<16xf32> to vector<1xf32>
      %squeeze3A_1181 = vector.extract %slice3A_1180[0] : f32 from vector<1xf32>
      %add3A_1182 = arith.addf %add3A_1179, %squeeze3A_1181 : f32
      %eq3A_1183 = arith.constant 7 : i32
      %eq3A_1184 = vector.broadcast %eq3A_1183 : i32 to vector<16xi32>
      %eq3A_1185 = arith.cmpi eq, %iota3A, %eq3A_1184 : vector<16xi32>
      %broadcast_in_dim3A_1186 = vector.broadcast %add3A_1182 : f32 to vector<16xf32>
      %select_n3A_1187 = arith.select %eq3A_1185, %broadcast_in_dim3A_1186, %select_n3A_1133 : vector<16xi1>, vector<16xf32>
      %swap3A_1188 = arith.constant 0 : i32
      %swap3A_1189 = arith.index_cast %swap3A_1188 : i32 to index
      %swap3A_1190 = arith.constant 0 : index
      %swap3A_1191 = tpu.vector_load %arg12[%swap3A_1189, %swap3A_1190] {strides = array<i32>} : memref<4x16xf32, #tpu.memory_space<vmem>>, vector<16xf32>,
      tpu.vector_store %arg12[%swap3A_1189, %swap3A_1190], %select_n3A_1187 {strides = array<i32>} : memref<4x16xf32, #tpu.memory_space<vmem>>, vector<16xf32>,
      %broadcast_in_dim3A_1192 = arith.constant 1 : i32
      %broadcast_in_dim3A_1193 = vector.broadcast %broadcast_in_dim3A_1192 : i32 to vector<16xi32>
      %gather3A_1194 = tpu.vector_load_idx %arg7[%broadcast_in_dim3A_1193, %select_n3A_1118] : memref<4x2048xf32, #tpu.memory_space<vmem>>[vector<16xi32>, vector<16xi32>], vector<16xf32>,
      %broadcast_in_dim3A_1195 = vector.broadcast %squeeze3A : f32 to vector<16xf32>
      %select_n3A_1196 = arith.select %lt3A_1115, %gather3A_1194, %broadcast_in_dim3A_1195 : vector<16xi1>, vector<16xf32>
      %masked_sort3A_1197 = arith.constant dense<true> : vector<16xi1>
      %masked_sort3A_1198, %masked_sort3A_1199, %masked_sort3A_1200 = tpu.sort %select_n3A_1196, %select_n3A_1118 masked %masked_sort3A_1197 {descending = true} : (vector<16xf32>, vector<16xi32>, vector<16xi1>) -> (vector<16xi1>, vector<16xf32>, vector<16xi32>)
      %slice3A_1201 = vector.extract_strided_slice %masked_sort3A_1199 {offsets = [0], sizes = [1], strides = [1]} : vector<16xf32> to vector<1xf32>
      %squeeze3A_1202 = vector.extract %slice3A_1201[0] : f32 from vector<1xf32>
      %sub3A_1203 = vector.broadcast %squeeze3A_1202 : f32 to vector<16xf32>
      %sub3A_1204 = arith.subf %select_n3A_1196, %sub3A_1203 : vector<16xf32>
      %exp3A_1205 = math.exp %sub3A_1204 : vector<16xf32>
      %jit3A_1206 = arith.constant 0.000000e+00 : f32
      %broadcast_in_dim3A_1207 = vector.broadcast %jit3A_1206 : f32 to vector<16xf32>
      %select_n3A_1208 = arith.select %lt3A_1115, %exp3A_1205, %broadcast_in_dim3A_1207 : vector<16xi1>, vector<16xf32>
      %slice3A_1209 = vector.extract_strided_slice %select_n3A_1208 {offsets = [0], sizes = [1], strides = [1]} : vector<16xf32> to vector<1xf32>
      %squeeze3A_1210 = vector.extract %slice3A_1209[0] : f32 from vector<1xf32>
      %add3A_1211 = arith.constant 0.000000e+00 : f32
      %add3A_1212 = arith.addf %add3A_1211, %squeeze3A_1210 : f32
      %slice3A_1213 = vector.extract_strided_slice %select_n3A_1208 {offsets = [1], sizes = [1], strides = [1]} : vector<16xf32> to vector<1xf32>
      %squeeze3A_1214 = vector.extract %slice3A_1213[0] : f32 from vector<1xf32>
      %add3A_1215 = arith.addf %add3A_1212, %squeeze3A_1214 : f32
      %slice3A_1216 = vector.extract_strided_slice %select_n3A_1208 {offsets = [2], sizes = [1], strides = [1]} : vector<16xf32> to vector<1xf32>
      %squeeze3A_1217 = vector.extract %slice3A_1216[0] : f32 from vector<1xf32>
      %add3A_1218 = arith.addf %add3A_1215, %squeeze3A_1217 : f32
      %slice3A_1219 = vector.extract_strided_slice %select_n3A_1208 {offsets = [3], sizes = [1], strides = [1]} : vector<16xf32> to vector<1xf32>
      %squeeze3A_1220 = vector.extract %slice3A_1219[0] : f32 from vector<1xf32>
      %add3A_1221 = arith.addf %add3A_1218, %squeeze3A_1220 : f32
      %slice3A_1222 = vector.extract_strided_slice %select_n3A_1208 {offsets = [4], sizes = [1], strides = [1]} : vector<16xf32> to vector<1xf32>
      %squeeze3A_1223 = vector.extract %slice3A_1222[0] : f32 from vector<1xf32>
      %add3A_1224 = arith.addf %add3A_1221, %squeeze3A_1223 : f32
      %slice3A_1225 = vector.extract_strided_slice %select_n3A_1208 {offsets = [5], sizes = [1], strides = [1]} : vector<16xf32> to vector<1xf32>
      %squeeze3A_1226 = vector.extract %slice3A_1225[0] : f32 from vector<1xf32>
      %add3A_1227 = arith.addf %add3A_1224, %squeeze3A_1226 : f32
      %slice3A_1228 = vector.extract_strided_slice %select_n3A_1208 {offsets = [6], sizes = [1], strides = [1]} : vector<16xf32> to vector<1xf32>
      %squeeze3A_1229 = vector.extract %slice3A_1228[0] : f32 from vector<1xf32>
      %add3A_1230 = arith.addf %add3A_1227, %squeeze3A_1229 : f32
      %slice3A_1231 = vector.extract_strided_slice %select_n3A_1208 {offsets = [7], sizes = [1], strides = [1]} : vector<16xf32> to vector<1xf32>
      %squeeze3A_1232 = vector.extract %slice3A_1231[0] : f32 from vector<1xf32>
      %add3A_1233 = arith.addf %add3A_1230, %squeeze3A_1232 : f32
      %slice3A_1234 = vector.extract_strided_slice %select_n3A_1208 {offsets = [8], sizes = [1], strides = [1]} : vector<16xf32> to vector<1xf32>
      %squeeze3A_1235 = vector.extract %slice3A_1234[0] : f32 from vector<1xf32>
      %add3A_1236 = arith.addf %add3A_1233, %squeeze3A_1235 : f32
      %slice3A_1237 = vector.extract_strided_slice %select_n3A_1208 {offsets = [9], sizes = [1], strides = [1]} : vector<16xf32> to vector<1xf32>
      %squeeze3A_1238 = vector.extract %slice3A_1237[0] : f32 from vector<1xf32>
      %add3A_1239 = arith.addf %add3A_1236, %squeeze3A_1238 : f32
      %slice3A_1240 = vector.extract_strided_slice %select_n3A_1208 {offsets = [10], sizes = [1], strides = [1]} : vector<16xf32> to vector<1xf32>
      %squeeze3A_1241 = vector.extract %slice3A_1240[0] : f32 from vector<1xf32>
      %add3A_1242 = arith.addf %add3A_1239, %squeeze3A_1241 : f32
      %slice3A_1243 = vector.extract_strided_slice %select_n3A_1208 {offsets = [11], sizes = [1], strides = [1]} : vector<16xf32> to vector<1xf32>
      %squeeze3A_1244 = vector.extract %slice3A_1243[0] : f32 from vector<1xf32>
      %add3A_1245 = arith.addf %add3A_1242, %squeeze3A_1244 : f32
      %slice3A_1246 = vector.extract_strided_slice %select_n3A_1208 {offsets = [12], sizes = [1], strides = [1]} : vector<16xf32> to vector<1xf32>
      %squeeze3A_1247 = vector.extract %slice3A_1246[0] : f32 from vector<1xf32>
      %add3A_1248 = arith.addf %add3A_1245, %squeeze3A_1247 : f32
      %slice3A_1249 = vector.extract_strided_slice %select_n3A_1208 {offsets = [13], sizes = [1], strides = [1]} : vector<16xf32> to vector<1xf32>
      %squeeze3A_1250 = vector.extract %slice3A_1249[0] : f32 from vector<1xf32>
      %add3A_1251 = arith.addf %add3A_1248, %squeeze3A_1250 : f32
      %slice3A_1252 = vector.extract_strided_slice %select_n3A_1208 {offsets = [14], sizes = [1], strides = [1]} : vector<16xf32> to vector<1xf32>
      %squeeze3A_1253 = vector.extract %slice3A_1252[0] : f32 from vector<1xf32>
      %add3A_1254 = arith.addf %add3A_1251, %squeeze3A_1253 : f32
      %slice3A_1255 = vector.extract_strided_slice %select_n3A_1208 {offsets = [15], sizes = [1], strides = [1]} : vector<16xf32> to vector<1xf32>
      %squeeze3A_1256 = vector.extract %slice3A_1255[0] : f32 from vector<1xf32>
      %add3A_1257 = arith.addf %add3A_1254, %squeeze3A_1256 : f32
      %eq3A_1258 = arith.constant 7 : i32
      %eq3A_1259 = vector.broadcast %eq3A_1258 : i32 to vector<16xi32>
      %eq3A_1260 = arith.cmpi eq, %iota3A, %eq3A_1259 : vector<16xi32>
      %broadcast_in_dim3A_1261 = vector.broadcast %add3A_1257 : f32 to vector<16xf32>
      %select_n3A_1262 = arith.select %eq3A_1260, %broadcast_in_dim3A_1261, %select_n3A_1208 : vector<16xi1>, vector<16xf32>
      %swap3A_1263 = arith.constant 1 : i32
      %swap3A_1264 = arith.index_cast %swap3A_1263 : i32 to index
      %swap3A_1265 = arith.constant 0 : index
      %swap3A_1266 = tpu.vector_load %arg12[%swap3A_1264, %swap3A_1265] {strides = array<i32>} : memref<4x16xf32, #tpu.memory_space<vmem>>, vector<16xf32>,
      tpu.vector_store %arg12[%swap3A_1264, %swap3A_1265], %select_n3A_1262 {strides = array<i32>} : memref<4x16xf32, #tpu.memory_space<vmem>>, vector<16xf32>,
      %broadcast_in_dim3A_1267 = arith.constant 2 : i32
      %broadcast_in_dim3A_1268 = vector.broadcast %broadcast_in_dim3A_1267 : i32 to vector<16xi32>
      %gather3A_1269 = tpu.vector_load_idx %arg7[%broadcast_in_dim3A_1268, %select_n3A_1118] : memref<4x2048xf32, #tpu.memory_space<vmem>>[vector<16xi32>, vector<16xi32>], vector<16xf32>,
      %broadcast_in_dim3A_1270 = vector.broadcast %squeeze3A : f32 to vector<16xf32>
      %select_n3A_1271 = arith.select %lt3A_1115, %gather3A_1269, %broadcast_in_dim3A_1270 : vector<16xi1>, vector<16xf32>
      %masked_sort3A_1272 = arith.constant dense<true> : vector<16xi1>
      %masked_sort3A_1273, %masked_sort3A_1274, %masked_sort3A_1275 = tpu.sort %select_n3A_1271, %select_n3A_1118 masked %masked_sort3A_1272 {descending = true} : (vector<16xf32>, vector<16xi32>, vector<16xi1>) -> (vector<16xi1>, vector<16xf32>, vector<16xi32>)
      %slice3A_1276 = vector.extract_strided_slice %masked_sort3A_1274 {offsets = [0], sizes = [1], strides = [1]} : vector<16xf32> to vector<1xf32>
      %squeeze3A_1277 = vector.extract %slice3A_1276[0] : f32 from vector<1xf32>
      %sub3A_1278 = vector.broadcast %squeeze3A_1277 : f32 to vector<16xf32>
      %sub3A_1279 = arith.subf %select_n3A_1271, %sub3A_1278 : vector<16xf32>
      %exp3A_1280 = math.exp %sub3A_1279 : vector<16xf32>
      %jit3A_1281 = arith.constant 0.000000e+00 : f32
      %broadcast_in_dim3A_1282 = vector.broadcast %jit3A_1281 : f32 to vector<16xf32>
      %select_n3A_1283 = arith.select %lt3A_1115, %exp3A_1280, %broadcast_in_dim3A_1282 : vector<16xi1>, vector<16xf32>
      %slice3A_1284 = vector.extract_strided_slice %select_n3A_1283 {offsets = [0], sizes = [1], strides = [1]} : vector<16xf32> to vector<1xf32>
      %squeeze3A_1285 = vector.extract %slice3A_1284[0] : f32 from vector<1xf32>
      %add3A_1286 = arith.constant 0.000000e+00 : f32
      %add3A_1287 = arith.addf %add3A_1286, %squeeze3A_1285 : f32
      %slice3A_1288 = vector.extract_strided_slice %select_n3A_1283 {offsets = [1], sizes = [1], strides = [1]} : vector<16xf32> to vector<1xf32>
      %squeeze3A_1289 = vector.extract %slice3A_1288[0] : f32 from vector<1xf32>
      %add3A_1290 = arith.addf %add3A_1287, %squeeze3A_1289 : f32
      %slice3A_1291 = vector.extract_strided_slice %select_n3A_1283 {offsets = [2], sizes = [1], strides = [1]} : vector<16xf32> to vector<1xf32>
      %squeeze3A_1292 = vector.extract %slice3A_1291[0] : f32 from vector<1xf32>
      %add3A_1293 = arith.addf %add3A_1290, %squeeze3A_1292 : f32
      %slice3A_1294 = vector.extract_strided_slice %select_n3A_1283 {offsets = [3], sizes = [1], strides = [1]} : vector<16xf32> to vector<1xf32>
      %squeeze3A_1295 = vector.extract %slice3A_1294[0] : f32 from vector<1xf32>
      %add3A_1296 = arith.addf %add3A_1293, %squeeze3A_1295 : f32
      %slice3A_1297 = vector.extract_strided_slice %select_n3A_1283 {offsets = [4], sizes = [1], strides = [1]} : vector<16xf32> to vector<1xf32>
      %squeeze3A_1298 = vector.extract %slice3A_1297[0] : f32 from vector<1xf32>
      %add3A_1299 = arith.addf %add3A_1296, %squeeze3A_1298 : f32
      %slice3A_1300 = vector.extract_strided_slice %select_n3A_1283 {offsets = [5], sizes = [1], strides = [1]} : vector<16xf32> to vector<1xf32>
      %squeeze3A_1301 = vector.extract %slice3A_1300[0] : f32 from vector<1xf32>
      %add3A_1302 = arith.addf %add3A_1299, %squeeze3A_1301 : f32
      %slice3A_1303 = vector.extract_strided_slice %select_n3A_1283 {offsets = [6], sizes = [1], strides = [1]} : vector<16xf32> to vector<1xf32>
      %squeeze3A_1304 = vector.extract %slice3A_1303[0] : f32 from vector<1xf32>
      %add3A_1305 = arith.addf %add3A_1302, %squeeze3A_1304 : f32
      %slice3A_1306 = vector.extract_strided_slice %select_n3A_1283 {offsets = [7], sizes = [1], strides = [1]} : vector<16xf32> to vector<1xf32>
      %squeeze3A_1307 = vector.extract %slice3A_1306[0] : f32 from vector<1xf32>
      %add3A_1308 = arith.addf %add3A_1305, %squeeze3A_1307 : f32
      %slice3A_1309 = vector.extract_strided_slice %select_n3A_1283 {offsets = [8], sizes = [1], strides = [1]} : vector<16xf32> to vector<1xf32>
      %squeeze3A_1310 = vector.extract %slice3A_1309[0] : f32 from vector<1xf32>
      %add3A_1311 = arith.addf %add3A_1308, %squeeze3A_1310 : f32
      %slice3A_1312 = vector.extract_strided_slice %select_n3A_1283 {offsets = [9], sizes = [1], strides = [1]} : vector<16xf32> to vector<1xf32>
      %squeeze3A_1313 = vector.extract %slice3A_1312[0] : f32 from vector<1xf32>
      %add3A_1314 = arith.addf %add3A_1311, %squeeze3A_1313 : f32
      %slice3A_1315 = vector.extract_strided_slice %select_n3A_1283 {offsets = [10], sizes = [1], strides = [1]} : vector<16xf32> to vector<1xf32>
      %squeeze3A_1316 = vector.extract %slice3A_1315[0] : f32 from vector<1xf32>
      %add3A_1317 = arith.addf %add3A_1314, %squeeze3A_1316 : f32
      %slice3A_1318 = vector.extract_strided_slice %select_n3A_1283 {offsets = [11], sizes = [1], strides = [1]} : vector<16xf32> to vector<1xf32>
      %squeeze3A_1319 = vector.extract %slice3A_1318[0] : f32 from vector<1xf32>
      %add3A_1320 = arith.addf %add3A_1317, %squeeze3A_1319 : f32
      %slice3A_1321 = vector.extract_strided_slice %select_n3A_1283 {offsets = [12], sizes = [1], strides = [1]} : vector<16xf32> to vector<1xf32>
      %squeeze3A_1322 = vector.extract %slice3A_1321[0] : f32 from vector<1xf32>
      %add3A_1323 = arith.addf %add3A_1320, %squeeze3A_1322 : f32
      %slice3A_1324 = vector.extract_strided_slice %select_n3A_1283 {offsets = [13], sizes = [1], strides = [1]} : vector<16xf32> to vector<1xf32>
      %squeeze3A_1325 = vector.extract %slice3A_1324[0] : f32 from vector<1xf32>
      %add3A_1326 = arith.addf %add3A_1323, %squeeze3A_1325 : f32
      %slice3A_1327 = vector.extract_strided_slice %select_n3A_1283 {offsets = [14], sizes = [1], strides = [1]} : vector<16xf32> to vector<1xf32>
      %squeeze3A_1328 = vector.extract %slice3A_1327[0] : f32 from vector<1xf32>
      %add3A_1329 = arith.addf %add3A_1326, %squeeze3A_1328 : f32
      %slice3A_1330 = vector.extract_strided_slice %select_n3A_1283 {offsets = [15], sizes = [1], strides = [1]} : vector<16xf32> to vector<1xf32>
      %squeeze3A_1331 = vector.extract %slice3A_1330[0] : f32 from vector<1xf32>
      %add3A_1332 = arith.addf %add3A_1329, %squeeze3A_1331 : f32
      %eq3A_1333 = arith.constant 7 : i32
      %eq3A_1334 = vector.broadcast %eq3A_1333 : i32 to vector<16xi32>
      %eq3A_1335 = arith.cmpi eq, %iota3A, %eq3A_1334 : vector<16xi32>
      %broadcast_in_dim3A_1336 = vector.broadcast %add3A_1332 : f32 to vector<16xf32>
      %select_n3A_1337 = arith.select %eq3A_1335, %broadcast_in_dim3A_1336, %select_n3A_1283 : vector<16xi1>, vector<16xf32>
      %swap3A_1338 = arith.constant 2 : i32
      %swap3A_1339 = arith.index_cast %swap3A_1338 : i32 to index
      %swap3A_1340 = arith.constant 0 : index
      %swap3A_1341 = tpu.vector_load %arg12[%swap3A_1339, %swap3A_1340] {strides = array<i32>} : memref<4x16xf32, #tpu.memory_space<vmem>>, vector<16xf32>,
      tpu.vector_store %arg12[%swap3A_1339, %swap3A_1340], %select_n3A_1337 {strides = array<i32>} : memref<4x16xf32, #tpu.memory_space<vmem>>, vector<16xf32>,
      %broadcast_in_dim3A_1342 = arith.constant 3 : i32
      %broadcast_in_dim3A_1343 = vector.broadcast %broadcast_in_dim3A_1342 : i32 to vector<16xi32>
      %gather3A_1344 = tpu.vector_load_idx %arg7[%broadcast_in_dim3A_1343, %select_n3A_1118] : memref<4x2048xf32, #tpu.memory_space<vmem>>[vector<16xi32>, vector<16xi32>], vector<16xf32>,
      %broadcast_in_dim3A_1345 = vector.broadcast %squeeze3A : f32 to vector<16xf32>
      %select_n3A_1346 = arith.select %lt3A_1115, %gather3A_1344, %broadcast_in_dim3A_1345 : vector<16xi1>, vector<16xf32>
      %masked_sort3A_1347 = arith.constant dense<true> : vector<16xi1>
      %masked_sort3A_1348, %masked_sort3A_1349, %masked_sort3A_1350 = tpu.sort %select_n3A_1346, %select_n3A_1118 masked %masked_sort3A_1347 {descending = true} : (vector<16xf32>, vector<16xi32>, vector<16xi1>) -> (vector<16xi1>, vector<16xf32>, vector<16xi32>)
      %slice3A_1351 = vector.extract_strided_slice %masked_sort3A_1349 {offsets = [0], sizes = [1], strides = [1]} : vector<16xf32> to vector<1xf32>
      %squeeze3A_1352 = vector.extract %slice3A_1351[0] : f32 from vector<1xf32>
      %sub3A_1353 = vector.broadcast %squeeze3A_1352 : f32 to vector<16xf32>
      %sub3A_1354 = arith.subf %select_n3A_1346, %sub3A_1353 : vector<16xf32>
      %exp3A_1355 = math.exp %sub3A_1354 : vector<16xf32>
      %jit3A_1356 = arith.constant 0.000000e+00 : f32
      %broadcast_in_dim3A_1357 = vector.broadcast %jit3A_1356 : f32 to vector<16xf32>
      %select_n3A_1358 = arith.select %lt3A_1115, %exp3A_1355, %broadcast_in_dim3A_1357 : vector<16xi1>, vector<16xf32>
      %slice3A_1359 = vector.extract_strided_slice %select_n3A_1358 {offsets = [0], sizes = [1], strides = [1]} : vector<16xf32> to vector<1xf32>
      %squeeze3A_1360 = vector.extract %slice3A_1359[0] : f32 from vector<1xf32>
      %add3A_1361 = arith.constant 0.000000e+00 : f32
      %add3A_1362 = arith.addf %add3A_1361, %squeeze3A_1360 : f32
      %slice3A_1363 = vector.extract_strided_slice %select_n3A_1358 {offsets = [1], sizes = [1], strides = [1]} : vector<16xf32> to vector<1xf32>
      %squeeze3A_1364 = vector.extract %slice3A_1363[0] : f32 from vector<1xf32>
      %add3A_1365 = arith.addf %add3A_1362, %squeeze3A_1364 : f32
      %slice3A_1366 = vector.extract_strided_slice %select_n3A_1358 {offsets = [2], sizes = [1], strides = [1]} : vector<16xf32> to vector<1xf32>
      %squeeze3A_1367 = vector.extract %slice3A_1366[0] : f32 from vector<1xf32>
      %add3A_1368 = arith.addf %add3A_1365, %squeeze3A_1367 : f32
      %slice3A_1369 = vector.extract_strided_slice %select_n3A_1358 {offsets = [3], sizes = [1], strides = [1]} : vector<16xf32> to vector<1xf32>
      %squeeze3A_1370 = vector.extract %slice3A_1369[0] : f32 from vector<1xf32>
      %add3A_1371 = arith.addf %add3A_1368, %squeeze3A_1370 : f32
      %slice3A_1372 = vector.extract_strided_slice %select_n3A_1358 {offsets = [4], sizes = [1], strides = [1]} : vector<16xf32> to vector<1xf32>
      %squeeze3A_1373 = vector.extract %slice3A_1372[0] : f32 from vector<1xf32>
      %add3A_1374 = arith.addf %add3A_1371, %squeeze3A_1373 : f32
      %slice3A_1375 = vector.extract_strided_slice %select_n3A_1358 {offsets = [5], sizes = [1], strides = [1]} : vector<16xf32> to vector<1xf32>
      %squeeze3A_1376 = vector.extract %slice3A_1375[0] : f32 from vector<1xf32>
      %add3A_1377 = arith.addf %add3A_1374, %squeeze3A_1376 : f32
      %slice3A_1378 = vector.extract_strided_slice %select_n3A_1358 {offsets = [6], sizes = [1], strides = [1]} : vector<16xf32> to vector<1xf32>
      %squeeze3A_1379 = vector.extract %slice3A_1378[0] : f32 from vector<1xf32>
      %add3A_1380 = arith.addf %add3A_1377, %squeeze3A_1379 : f32
      %slice3A_1381 = vector.extract_strided_slice %select_n3A_1358 {offsets = [7], sizes = [1], strides = [1]} : vector<16xf32> to vector<1xf32>
      %squeeze3A_1382 = vector.extract %slice3A_1381[0] : f32 from vector<1xf32>
      %add3A_1383 = arith.addf %add3A_1380, %squeeze3A_1382 : f32
      %slice3A_1384 = vector.extract_strided_slice %select_n3A_1358 {offsets = [8], sizes = [1], strides = [1]} : vector<16xf32> to vector<1xf32>
      %squeeze3A_1385 = vector.extract %slice3A_1384[0] : f32 from vector<1xf32>
      %add3A_1386 = arith.addf %add3A_1383, %squeeze3A_1385 : f32
      %slice3A_1387 = vector.extract_strided_slice %select_n3A_1358 {offsets = [9], sizes = [1], strides = [1]} : vector<16xf32> to vector<1xf32>
      %squeeze3A_1388 = vector.extract %slice3A_1387[0] : f32 from vector<1xf32>
      %add3A_1389 = arith.addf %add3A_1386, %squeeze3A_1388 : f32
      %slice3A_1390 = vector.extract_strided_slice %select_n3A_1358 {offsets = [10], sizes = [1], strides = [1]} : vector<16xf32> to vector<1xf32>
      %squeeze3A_1391 = vector.extract %slice3A_1390[0] : f32 from vector<1xf32>
      %add3A_1392 = arith.addf %add3A_1389, %squeeze3A_1391 : f32
      %slice3A_1393 = vector.extract_strided_slice %select_n3A_1358 {offsets = [11], sizes = [1], strides = [1]} : vector<16xf32> to vector<1xf32>
      %squeeze3A_1394 = vector.extract %slice3A_1393[0] : f32 from vector<1xf32>
      %add3A_1395 = arith.addf %add3A_1392, %squeeze3A_1394 : f32
      %slice3A_1396 = vector.extract_strided_slice %select_n3A_1358 {offsets = [12], sizes = [1], strides = [1]} : vector<16xf32> to vector<1xf32>
      %squeeze3A_1397 = vector.extract %slice3A_1396[0] : f32 from vector<1xf32>
      %add3A_1398 = arith.addf %add3A_1395, %squeeze3A_1397 : f32
      %slice3A_1399 = vector.extract_strided_slice %select_n3A_1358 {offsets = [13], sizes = [1], strides = [1]} : vector<16xf32> to vector<1xf32>
      %squeeze3A_1400 = vector.extract %slice3A_1399[0] : f32 from vector<1xf32>
      %add3A_1401 = arith.addf %add3A_1398, %squeeze3A_1400 : f32
      %slice3A_1402 = vector.extract_strided_slice %select_n3A_1358 {offsets = [14], sizes = [1], strides = [1]} : vector<16xf32> to vector<1xf32>
      %squeeze3A_1403 = vector.extract %slice3A_1402[0] : f32 from vector<1xf32>
      %add3A_1404 = arith.addf %add3A_1401, %squeeze3A_1403 : f32
      %slice3A_1405 = vector.extract_strided_slice %select_n3A_1358 {offsets = [15], sizes = [1], strides = [1]} : vector<16xf32> to vector<1xf32>
      %squeeze3A_1406 = vector.extract %slice3A_1405[0] : f32 from vector<1xf32>
      %add3A_1407 = arith.addf %add3A_1404, %squeeze3A_1406 : f32
      %eq3A_1408 = arith.constant 7 : i32
      %eq3A_1409 = vector.broadcast %eq3A_1408 : i32 to vector<16xi32>
      %eq3A_1410 = arith.cmpi eq, %iota3A, %eq3A_1409 : vector<16xi32>
      %broadcast_in_dim3A_1411 = vector.broadcast %add3A_1407 : f32 to vector<16xf32>
      %select_n3A_1412 = arith.select %eq3A_1410, %broadcast_in_dim3A_1411, %select_n3A_1358 : vector<16xi1>, vector<16xf32>
      %swap3A_1413 = arith.constant 3 : i32
      %swap3A_1414 = arith.index_cast %swap3A_1413 : i32 to index
      %swap3A_1415 = arith.constant 0 : index
      %swap3A_1416 = tpu.vector_load %arg12[%swap3A_1414, %swap3A_1415] {strides = array<i32>} : memref<4x16xf32, #tpu.memory_space<vmem>>, vector<16xf32>,
      tpu.vector_store %arg12[%swap3A_1414, %swap3A_1415], %select_n3A_1412 {strides = array<i32>} : memref<4x16xf32, #tpu.memory_space<vmem>>, vector<16xf32>,
      "tpu.region"() ({
        %run_scoped3A = tpu.sem_alloc : memref<!tpu.dma_semaphore, #tpu.memory_space<semaphore_mem>>
        tpu.enqueue_dma source(%arg11 : memref<16xi32, #tpu.memory_space<vmem>>) target(%arg4 : memref<16xi32, #tpu.memory_space<hbm>>) target_semaphore(%run_scoped3A : memref<!tpu.dma_semaphore, #tpu.memory_space<semaphore_mem>>)
        tpu.wait_dma2 semaphore(%run_scoped3A : memref<!tpu.dma_semaphore, #tpu.memory_space<semaphore_mem>>) src(%arg11 : memref<16xi32, #tpu.memory_space<vmem>>) dst(%arg4 : memref<16xi32, #tpu.memory_space<hbm>>)
        tpu.yield
      }) : () -> ()
      "tpu.region"() ({
        %run_scoped3A = tpu.sem_alloc : memref<!tpu.dma_semaphore, #tpu.memory_space<semaphore_mem>>
        tpu.enqueue_dma source(%arg12 : memref<4x16xf32, #tpu.memory_space<vmem>>) target(%arg5 : memref<4x16xf32, #tpu.memory_space<hbm>>) target_semaphore(%run_scoped3A : memref<!tpu.dma_semaphore, #tpu.memory_space<semaphore_mem>>)
        tpu.wait_dma2 semaphore(%run_scoped3A : memref<!tpu.dma_semaphore, #tpu.memory_space<semaphore_mem>>) src(%arg12 : memref<4x16xf32, #tpu.memory_space<vmem>>) dst(%arg5 : memref<4x16xf32, #tpu.memory_space<hbm>>)
        tpu.yield
      }) : () -> ()
    } else {
    }
    return
  }
}

module attributes {stable_mosaic.version = 14 : i64} {
  func.func @_corr_kernel(%arg0: i32, %arg1: i32, %arg2: memref<1x1024x512xf32, #tpu.memory_space<vmem>>, %arg3: memref<1x1024x2048xf32, #tpu.memory_space<vmem>>, %arg4: memref<1x1x2048xf32, #tpu.memory_space<vmem>>) attributes {dimension_semantics = [#tpu.dimension_semantics<parallel>, #tpu.dimension_semantics<arbitrary>], iteration_bounds = array<i64: 4, 4>, scalar_prefetch = 0 : i64, scratch_operands = 0 : i64, tpu.core_type = #tpu.core_type<tc>, window_params = [{transform_indices = @transform_0, window_bounds = array<i64: 1, 1024, 512>}, {transform_indices = @transform_1, window_bounds = array<i64: 1, 1024, 2048>}, {transform_indices = @transform_2, window_bounds = array<i64: 1, 1, 2048>}]} {
    %iota3A = tpu.iota {dimensions = array<i32: 0>} : vector<512x512xi32>
    %iota3A_0 = tpu.iota {dimensions = array<i32: 1>} : vector<512x512xi32>
    %add3A = arith.addi %iota3A, %iota3A_0 : vector<512x512xi32>
    %eq3A = arith.constant 511 : i32
    %eq3A_1 = vector.broadcast %eq3A : i32 to vector<512x512xi32>
    %eq3A_2 = arith.cmpi eq, %add3A, %eq3A_1 : vector<512x512xi32>
    %jit3A = arith.constant 1.000000e+00 : f32
    %jit3A_3 = arith.constant 0.000000e+00 : f32
    %broadcast_in_dim3A = vector.broadcast %jit3A : f32 to vector<512x512xf32>
    %broadcast_in_dim3A_4 = vector.broadcast %jit3A_3 : f32 to vector<512x512xf32>
    %select_n3A = arith.select %eq3A_2, %broadcast_in_dim3A, %broadcast_in_dim3A_4 : vector<512x512xi1>, vector<512x512xf32>
    %get3A = arith.constant 0 : index
    %get3A_5 = arith.constant 0 : index
    %get3A_6 = arith.constant 0 : index
    %get3A_7 = vector.load %arg2[%get3A, %get3A_5, %get3A_6] : memref<1x1024x512xf32, #tpu.memory_space<vmem>>, vector<1x1024x512xf32>
    %get3A_8 = vector.shape_cast %get3A_7 : vector<1x1024x512xf32> to vector<1024x512xf32>
    %dot_general3A = arith.constant dense<0.000000e+00> : vector<1024x512xf32>
    %dot_general3A_9 = tpu.matmul %get3A_8, %select_n3A, %dot_general3A {dimension_numbers = #tpu.dot_dimension_numbers<[1], [0], [0], [1], [0, 0, 1, 1], [], []>, transpose_lhs_hint = false} : vector<1024x512xf32>, vector<512x512xf32>, vector<1024x512xf32> -> vector<1024x512xf32>
    %get3A_10 = arith.constant 0 : index
    %get3A_11 = arith.constant 0 : index
    %get3A_12 = arith.constant 0 : index
    %get3A_13 = vector.load %arg3[%get3A_10, %get3A_11, %get3A_12] : memref<1x1024x2048xf32, #tpu.memory_space<vmem>>, vector<1x1024x2048xf32>
    %get3A_14 = vector.shape_cast %get3A_13 : vector<1x1024x2048xf32> to vector<1024x2048xf32>
    %dot_general3A_15 = arith.constant dense<0.000000e+00> : vector<512x2048xf32>
    %dot_general3A_16 = tpu.matmul %dot_general3A_9, %get3A_14, %dot_general3A_15 {dimension_numbers = #tpu.dot_dimension_numbers<[0], [0], [1], [1], [0, 1, 1, 1], [], []>, transpose_lhs_hint = false} : vector<1024x512xf32>, vector<1024x2048xf32>, vector<512x2048xf32> -> vector<512x2048xf32>
    %broadcast_in_dim3A_17 = arith.constant 0.000000e+00 : f32
    %broadcast_in_dim3A_18 = vector.broadcast %broadcast_in_dim3A_17 : f32 to vector<1x2048xf32>
    %slice3A = vector.extract_strided_slice %dot_general3A_16 {offsets = [0, 0], sizes = [128, 2048], strides = [1, 1]} : vector<512x2048xf32> to vector<128x2048xf32>
    %roll3A = arith.constant 0 : i32
    %roll3A_19 = tpu.dynamic_rotate %slice3A by %roll3A dim 1 {stride = 1 : si32, stride_dimension = 0 : si32} : vector<128x2048xf32>, i32 -> vector<128x2048xf32>
    %reduce_sum3A = arith.constant dense<0.000000e+00> : vector<2048xf32>
    %reduce_sum3A_20 = vector.multi_reduction <add>, %roll3A_19, %reduce_sum3A [0] : vector<128x2048xf32> to vector<2048xf32>
    %broadcast_in_dim3A_21 = vector.shape_cast %reduce_sum3A_20 : vector<2048xf32> to vector<1x2048xf32>
    %add3A_22 = arith.addf %broadcast_in_dim3A_18, %broadcast_in_dim3A_21 : vector<1x2048xf32>
    %slice3A_23 = vector.extract_strided_slice %dot_general3A_16 {offsets = [128, 0], sizes = [128, 2048], strides = [1, 1]} : vector<512x2048xf32> to vector<128x2048xf32>
    %roll3A_24 = arith.constant 128 : i32
    %roll3A_25 = tpu.dynamic_rotate %slice3A_23 by %roll3A_24 dim 1 : vector<128x2048xf32>, i32 -> vector<128x2048xf32>
    %roll3A_26 = arith.constant 0 : i32
    %roll3A_27 = tpu.dynamic_rotate %roll3A_25 by %roll3A_26 dim 1 {stride = 1 : si32, stride_dimension = 0 : si32} : vector<128x2048xf32>, i32 -> vector<128x2048xf32>
    %reduce_sum3A_28 = arith.constant dense<0.000000e+00> : vector<2048xf32>
    %reduce_sum3A_29 = vector.multi_reduction <add>, %roll3A_27, %reduce_sum3A_28 [0] : vector<128x2048xf32> to vector<2048xf32>
    %broadcast_in_dim3A_30 = vector.shape_cast %reduce_sum3A_29 : vector<2048xf32> to vector<1x2048xf32>
    %add3A_31 = arith.addf %add3A_22, %broadcast_in_dim3A_30 : vector<1x2048xf32>
    %slice3A_32 = vector.extract_strided_slice %dot_general3A_16 {offsets = [256, 0], sizes = [128, 2048], strides = [1, 1]} : vector<512x2048xf32> to vector<128x2048xf32>
    %roll3A_33 = arith.constant 256 : i32
    %roll3A_34 = tpu.dynamic_rotate %slice3A_32 by %roll3A_33 dim 1 : vector<128x2048xf32>, i32 -> vector<128x2048xf32>
    %roll3A_35 = arith.constant 0 : i32
    %roll3A_36 = tpu.dynamic_rotate %roll3A_34 by %roll3A_35 dim 1 {stride = 1 : si32, stride_dimension = 0 : si32} : vector<128x2048xf32>, i32 -> vector<128x2048xf32>
    %reduce_sum3A_37 = arith.constant dense<0.000000e+00> : vector<2048xf32>
    %reduce_sum3A_38 = vector.multi_reduction <add>, %roll3A_36, %reduce_sum3A_37 [0] : vector<128x2048xf32> to vector<2048xf32>
    %broadcast_in_dim3A_39 = vector.shape_cast %reduce_sum3A_38 : vector<2048xf32> to vector<1x2048xf32>
    %add3A_40 = arith.addf %add3A_31, %broadcast_in_dim3A_39 : vector<1x2048xf32>
    %slice3A_41 = vector.extract_strided_slice %dot_general3A_16 {offsets = [384, 0], sizes = [128, 2048], strides = [1, 1]} : vector<512x2048xf32> to vector<128x2048xf32>
    %roll3A_42 = arith.constant 384 : i32
    %roll3A_43 = tpu.dynamic_rotate %slice3A_41 by %roll3A_42 dim 1 : vector<128x2048xf32>, i32 -> vector<128x2048xf32>
    %roll3A_44 = arith.constant 0 : i32
    %roll3A_45 = tpu.dynamic_rotate %roll3A_43 by %roll3A_44 dim 1 {stride = 1 : si32, stride_dimension = 0 : si32} : vector<128x2048xf32>, i32 -> vector<128x2048xf32>
    %reduce_sum3A_46 = arith.constant dense<0.000000e+00> : vector<2048xf32>
    %reduce_sum3A_47 = vector.multi_reduction <add>, %roll3A_45, %reduce_sum3A_46 [0] : vector<128x2048xf32> to vector<2048xf32>
    %broadcast_in_dim3A_48 = vector.shape_cast %reduce_sum3A_47 : vector<2048xf32> to vector<1x2048xf32>
    %add3A_49 = arith.addf %add3A_40, %broadcast_in_dim3A_48 : vector<1x2048xf32>
    %mul3A = arith.constant 512 : i32
    %mul3A_50 = arith.muli %arg1, %mul3A : i32
    %sub3A = arith.constant 4096 : i32
    %sub3A_51 = arith.subi %sub3A, %mul3A_50 : i32
    %sub3A_52 = arith.constant 512 : i32
    %sub3A_53 = arith.subi %sub3A_51, %sub3A_52 : i32
    %add3A_54 = arith.constant 1 : i32
    %add3A_55 = arith.addi %sub3A_53, %add3A_54 : i32
    %jit3A_56 = arith.constant 2048 : i32
    %eq3A_57 = arith.constant 0 : i32
    %eq3A_58 = arith.cmpi eq, %jit3A_56, %eq3A_57 : i32
    %jit3A_59 = arith.constant 1 : i32
    %select_n3A_60 = arith.select %eq3A_58, %jit3A_59, %jit3A_56 : i32
    %rem3A = arith.remsi %add3A_55, %select_n3A_60 : i32
    %ne3A = arith.constant 0 : i32
    %ne3A_61 = arith.cmpi ne, %rem3A, %ne3A : i32
    %lt3A = arith.constant 0 : i32
    %lt3A_62 = arith.cmpi slt, %rem3A, %lt3A : i32
    %lt3A_63 = arith.constant 0 : i32
    %lt3A_64 = arith.cmpi slt, %select_n3A_60, %lt3A_63 : i32
    %ne3A_65 = arith.xori %lt3A_62, %lt3A_64 : i1
    %and3A = arith.andi %ne3A_65, %ne3A_61 : i1
    %add3A_66 = arith.addi %rem3A, %select_n3A_60 : i32
    %select_n3A_67 = arith.select %and3A, %add3A_66, %rem3A : i32
    %roll3A_68 = tpu.dynamic_rotate %add3A_49 by %select_n3A_67 dim 1 : vector<1x2048xf32>, i32 -> vector<1x2048xf32>
    %eq3A_69 = arith.constant 0 : i32
    %eq3A_70 = arith.cmpi eq, %arg1, %eq3A_69 : i32
    %convert_element_type3A = arith.extui %eq3A_70 : i1 to i32
    %cond3A = arith.constant 0 : i32
    %cond3A_71 = arith.cmpi ne, %convert_element_type3A, %cond3A : i32
    scf.if %cond3A_71 {
      %broadcast_in_dim3A_83 = arith.constant 0.000000e+00 : f32
      %broadcast_in_dim3A_84 = vector.broadcast %broadcast_in_dim3A_83 : f32 to vector<1x2048xf32>
      %swap3A_85 = arith.constant 0 : index
      %swap3A_86 = arith.constant 0 : index
      %swap3A_87 = arith.constant 0 : index
      %swap3A_88 = vector.load %arg4[%swap3A_85, %swap3A_86, %swap3A_87] : memref<1x1x2048xf32, #tpu.memory_space<vmem>>, vector<1x1x2048xf32>
      %swap3A_89 = vector.shape_cast %swap3A_88 : vector<1x1x2048xf32> to vector<1x2048xf32>
      %swap3A_90 = vector.shape_cast %broadcast_in_dim3A_84 : vector<1x2048xf32> to vector<1x1x2048xf32>
      tpu.vector_store %arg4[%swap3A_85, %swap3A_86, %swap3A_87], %swap3A_90 {strides = array<i32>} : memref<1x1x2048xf32, #tpu.memory_space<vmem>>, vector<1x1x2048xf32>,
    } else {
    }
    %get3A_72 = arith.constant 0 : index
    %get3A_73 = arith.constant 0 : index
    %get3A_74 = arith.constant 0 : index
    %get3A_75 = vector.load %arg4[%get3A_72, %get3A_73, %get3A_74] : memref<1x1x2048xf32, #tpu.memory_space<vmem>>, vector<1x1x2048xf32>
    %get3A_76 = vector.shape_cast %get3A_75 : vector<1x1x2048xf32> to vector<1x2048xf32>
    %add3A_77 = arith.addf %get3A_76, %roll3A_68 : vector<1x2048xf32>
    %swap3A = arith.constant 0 : index
    %swap3A_78 = arith.constant 0 : index
    %swap3A_79 = arith.constant 0 : index
    %swap3A_80 = vector.load %arg4[%swap3A, %swap3A_78, %swap3A_79] : memref<1x1x2048xf32, #tpu.memory_space<vmem>>, vector<1x1x2048xf32>
    %swap3A_81 = vector.shape_cast %swap3A_80 : vector<1x1x2048xf32> to vector<1x2048xf32>
    %swap3A_82 = vector.shape_cast %add3A_77 : vector<1x2048xf32> to vector<1x1x2048xf32>
    tpu.vector_store %arg4[%swap3A, %swap3A_78, %swap3A_79], %swap3A_82 {strides = array<i32>} : memref<1x1x2048xf32, #tpu.memory_space<vmem>>, vector<1x1x2048xf32>,
    return
  }
  func.func @transform_0(%arg0: i32, %arg1: i32) -> (i32, i32, i32) {
    %c0_i32 = arith.constant 0 : i32
    %c0_i32_0 = arith.constant 0 : i32
    return %arg0, %c0_i32, %arg1 : i32, i32, i32
  }
  func.func @transform_1(%arg0: i32, %arg1: i32) -> (i32, i32, i32) {
    %c0_i32 = arith.constant 0 : i32
    %c0_i32_0 = arith.constant 0 : i32
    %c0_i32_1 = arith.constant 0 : i32
    return %arg0, %c0_i32, %c0_i32_0 : i32, i32, i32
  }
  func.func @transform_2(%arg0: i32, %arg1: i32) -> (i32, i32, i32) {
    %c0_i32 = arith.constant 0 : i32
    %c0_i32_0 = arith.constant 0 : i32
    %c0_i32_1 = arith.constant 0 : i32
    return %arg0, %c0_i32, %c0_i32_0 : i32, i32, i32
  }
}

module attributes {stable_mosaic.version = 14 : i64} {
  func.func @_agg_kernel(%arg0: i32, %arg1: i32, %arg2: memref<16xi32, #tpu.memory_space<smem>>, %arg3: memref<64xf32, #tpu.memory_space<smem>>, %arg4: memref<1x1x64x2048xf32, #tpu.memory_space<vmem>>, %arg5: memref<1x1x64x2048xf32, #tpu.memory_space<vmem>>) attributes {dimension_semantics = [#tpu.dimension_semantics<parallel>, #tpu.dimension_semantics<parallel>], iteration_bounds = array<i64: 4, 16>, scalar_prefetch = 2 : i64, scratch_operands = 0 : i64, tpu.core_type = #tpu.core_type<tc>, window_params = [{transform_indices = @transform_0, window_bounds = array<i64: 1, 1, 64, 2048>}, {transform_indices = @transform_1, window_bounds = array<i64: 1, 1, 64, 2048>}]} {
    %get3A = arith.constant 0 : index
    %get3A_0 = arith.constant 0 : index
    %get3A_1 = arith.constant 0 : index
    %get3A_2 = arith.constant 0 : index
    %get3A_3 = vector.load %arg4[%get3A, %get3A_0, %get3A_1, %get3A_2] : memref<1x1x64x2048xf32, #tpu.memory_space<vmem>>, vector<1x1x64x2048xf32>
    %get3A_4 = vector.shape_cast %get3A_3 : vector<1x1x64x2048xf32> to vector<1x64x2048xf32>
    %broadcast_in_dim3A = arith.constant 0.000000e+00 : f32
    %broadcast_in_dim3A_5 = vector.broadcast %broadcast_in_dim3A : f32 to vector<1x64x2048xf32>
    %mul3A = arith.constant 16 : i32
    %mul3A_6 = arith.muli %arg0, %mul3A : i32
    %add3A = arith.constant 7 : i32
    %add3A_7 = arith.addi %mul3A_6, %add3A : i32
    %get3A_8 = arith.index_cast %add3A_7 : i32 to index
    %get3A_9 = memref.load %arg3[%get3A_8] : memref<64xf32, #tpu.memory_space<smem>>
    %div3A = arith.constant 1.000000e+00 : f32
    %div3A_10 = arith.divf %div3A, %get3A_9 : f32
    %get3A_11 = arith.constant 0 : index
    %get3A_12 = memref.load %arg2[%get3A_11] : memref<16xi32, #tpu.memory_space<smem>>
    %sub3A = arith.constant 2048 : i32
    %sub3A_13 = arith.subi %sub3A, %get3A_12 : i32
    %and3A = arith.constant 2047 : i32
    %and3A_14 = arith.andi %sub3A_13, %and3A : i32
    %roll3A = tpu.dynamic_rotate %get3A_4 by %and3A_14 dim 2 : vector<1x64x2048xf32>, i32 -> vector<1x64x2048xf32>
    %mul3A_15 = arith.constant 16 : i32
    %mul3A_16 = arith.muli %arg0, %mul3A_15 : i32
    %add3A_17 = arith.constant 0 : i32
    %add3A_18 = arith.addi %mul3A_16, %add3A_17 : i32
    %get3A_19 = arith.index_cast %add3A_18 : i32 to index
    %get3A_20 = memref.load %arg3[%get3A_19] : memref<64xf32, #tpu.memory_space<smem>>
    %mul3A_21 = arith.mulf %get3A_20, %div3A_10 : f32
    %mul3A_22 = vector.broadcast %mul3A_21 : f32 to vector<1x64x2048xf32>
    %mul3A_23 = arith.mulf %roll3A, %mul3A_22 : vector<1x64x2048xf32>
    %add3A_24 = arith.addf %broadcast_in_dim3A_5, %mul3A_23 : vector<1x64x2048xf32>
    %get3A_25 = arith.constant 1 : index
    %get3A_26 = memref.load %arg2[%get3A_25] : memref<16xi32, #tpu.memory_space<smem>>
    %sub3A_27 = arith.constant 2048 : i32
    %sub3A_28 = arith.subi %sub3A_27, %get3A_26 : i32
    %and3A_29 = arith.constant 2047 : i32
    %and3A_30 = arith.andi %sub3A_28, %and3A_29 : i32
    %roll3A_31 = tpu.dynamic_rotate %get3A_4 by %and3A_30 dim 2 : vector<1x64x2048xf32>, i32 -> vector<1x64x2048xf32>
    %mul3A_32 = arith.constant 16 : i32
    %mul3A_33 = arith.muli %arg0, %mul3A_32 : i32
    %add3A_34 = arith.constant 1 : i32
    %add3A_35 = arith.addi %mul3A_33, %add3A_34 : i32
    %get3A_36 = arith.index_cast %add3A_35 : i32 to index
    %get3A_37 = memref.load %arg3[%get3A_36] : memref<64xf32, #tpu.memory_space<smem>>
    %mul3A_38 = arith.mulf %get3A_37, %div3A_10 : f32
    %mul3A_39 = vector.broadcast %mul3A_38 : f32 to vector<1x64x2048xf32>
    %mul3A_40 = arith.mulf %roll3A_31, %mul3A_39 : vector<1x64x2048xf32>
    %add3A_41 = arith.addf %add3A_24, %mul3A_40 : vector<1x64x2048xf32>
    %get3A_42 = arith.constant 2 : index
    %get3A_43 = memref.load %arg2[%get3A_42] : memref<16xi32, #tpu.memory_space<smem>>
    %sub3A_44 = arith.constant 2048 : i32
    %sub3A_45 = arith.subi %sub3A_44, %get3A_43 : i32
    %and3A_46 = arith.constant 2047 : i32
    %and3A_47 = arith.andi %sub3A_45, %and3A_46 : i32
    %roll3A_48 = tpu.dynamic_rotate %get3A_4 by %and3A_47 dim 2 : vector<1x64x2048xf32>, i32 -> vector<1x64x2048xf32>
    %mul3A_49 = arith.constant 16 : i32
    %mul3A_50 = arith.muli %arg0, %mul3A_49 : i32
    %add3A_51 = arith.constant 2 : i32
    %add3A_52 = arith.addi %mul3A_50, %add3A_51 : i32
    %get3A_53 = arith.index_cast %add3A_52 : i32 to index
    %get3A_54 = memref.load %arg3[%get3A_53] : memref<64xf32, #tpu.memory_space<smem>>
    %mul3A_55 = arith.mulf %get3A_54, %div3A_10 : f32
    %mul3A_56 = vector.broadcast %mul3A_55 : f32 to vector<1x64x2048xf32>
    %mul3A_57 = arith.mulf %roll3A_48, %mul3A_56 : vector<1x64x2048xf32>
    %add3A_58 = arith.addf %add3A_41, %mul3A_57 : vector<1x64x2048xf32>
    %get3A_59 = arith.constant 3 : index
    %get3A_60 = memref.load %arg2[%get3A_59] : memref<16xi32, #tpu.memory_space<smem>>
    %sub3A_61 = arith.constant 2048 : i32
    %sub3A_62 = arith.subi %sub3A_61, %get3A_60 : i32
    %and3A_63 = arith.constant 2047 : i32
    %and3A_64 = arith.andi %sub3A_62, %and3A_63 : i32
    %roll3A_65 = tpu.dynamic_rotate %get3A_4 by %and3A_64 dim 2 : vector<1x64x2048xf32>, i32 -> vector<1x64x2048xf32>
    %mul3A_66 = arith.constant 16 : i32
    %mul3A_67 = arith.muli %arg0, %mul3A_66 : i32
    %add3A_68 = arith.constant 3 : i32
    %add3A_69 = arith.addi %mul3A_67, %add3A_68 : i32
    %get3A_70 = arith.index_cast %add3A_69 : i32 to index
    %get3A_71 = memref.load %arg3[%get3A_70] : memref<64xf32, #tpu.memory_space<smem>>
    %mul3A_72 = arith.mulf %get3A_71, %div3A_10 : f32
    %mul3A_73 = vector.broadcast %mul3A_72 : f32 to vector<1x64x2048xf32>
    %mul3A_74 = arith.mulf %roll3A_65, %mul3A_73 : vector<1x64x2048xf32>
    %add3A_75 = arith.addf %add3A_58, %mul3A_74 : vector<1x64x2048xf32>
    %get3A_76 = arith.constant 4 : index
    %get3A_77 = memref.load %arg2[%get3A_76] : memref<16xi32, #tpu.memory_space<smem>>
    %sub3A_78 = arith.constant 2048 : i32
    %sub3A_79 = arith.subi %sub3A_78, %get3A_77 : i32
    %and3A_80 = arith.constant 2047 : i32
    %and3A_81 = arith.andi %sub3A_79, %and3A_80 : i32
    %roll3A_82 = tpu.dynamic_rotate %get3A_4 by %and3A_81 dim 2 : vector<1x64x2048xf32>, i32 -> vector<1x64x2048xf32>
    %mul3A_83 = arith.constant 16 : i32
    %mul3A_84 = arith.muli %arg0, %mul3A_83 : i32
    %add3A_85 = arith.constant 4 : i32
    %add3A_86 = arith.addi %mul3A_84, %add3A_85 : i32
    %get3A_87 = arith.index_cast %add3A_86 : i32 to index
    %get3A_88 = memref.load %arg3[%get3A_87] : memref<64xf32, #tpu.memory_space<smem>>
    %mul3A_89 = arith.mulf %get3A_88, %div3A_10 : f32
    %mul3A_90 = vector.broadcast %mul3A_89 : f32 to vector<1x64x2048xf32>
    %mul3A_91 = arith.mulf %roll3A_82, %mul3A_90 : vector<1x64x2048xf32>
    %add3A_92 = arith.addf %add3A_75, %mul3A_91 : vector<1x64x2048xf32>
    %get3A_93 = arith.constant 5 : index
    %get3A_94 = memref.load %arg2[%get3A_93] : memref<16xi32, #tpu.memory_space<smem>>
    %sub3A_95 = arith.constant 2048 : i32
    %sub3A_96 = arith.subi %sub3A_95, %get3A_94 : i32
    %and3A_97 = arith.constant 2047 : i32
    %and3A_98 = arith.andi %sub3A_96, %and3A_97 : i32
    %roll3A_99 = tpu.dynamic_rotate %get3A_4 by %and3A_98 dim 2 : vector<1x64x2048xf32>, i32 -> vector<1x64x2048xf32>
    %mul3A_100 = arith.constant 16 : i32
    %mul3A_101 = arith.muli %arg0, %mul3A_100 : i32
    %add3A_102 = arith.constant 5 : i32
    %add3A_103 = arith.addi %mul3A_101, %add3A_102 : i32
    %get3A_104 = arith.index_cast %add3A_103 : i32 to index
    %get3A_105 = memref.load %arg3[%get3A_104] : memref<64xf32, #tpu.memory_space<smem>>
    %mul3A_106 = arith.mulf %get3A_105, %div3A_10 : f32
    %mul3A_107 = vector.broadcast %mul3A_106 : f32 to vector<1x64x2048xf32>
    %mul3A_108 = arith.mulf %roll3A_99, %mul3A_107 : vector<1x64x2048xf32>
    %add3A_109 = arith.addf %add3A_92, %mul3A_108 : vector<1x64x2048xf32>
    %get3A_110 = arith.constant 6 : index
    %get3A_111 = memref.load %arg2[%get3A_110] : memref<16xi32, #tpu.memory_space<smem>>
    %sub3A_112 = arith.constant 2048 : i32
    %sub3A_113 = arith.subi %sub3A_112, %get3A_111 : i32
    %and3A_114 = arith.constant 2047 : i32
    %and3A_115 = arith.andi %sub3A_113, %and3A_114 : i32
    %roll3A_116 = tpu.dynamic_rotate %get3A_4 by %and3A_115 dim 2 : vector<1x64x2048xf32>, i32 -> vector<1x64x2048xf32>
    %mul3A_117 = arith.constant 16 : i32
    %mul3A_118 = arith.muli %arg0, %mul3A_117 : i32
    %add3A_119 = arith.constant 6 : i32
    %add3A_120 = arith.addi %mul3A_118, %add3A_119 : i32
    %get3A_121 = arith.index_cast %add3A_120 : i32 to index
    %get3A_122 = memref.load %arg3[%get3A_121] : memref<64xf32, #tpu.memory_space<smem>>
    %mul3A_123 = arith.mulf %get3A_122, %div3A_10 : f32
    %mul3A_124 = vector.broadcast %mul3A_123 : f32 to vector<1x64x2048xf32>
    %mul3A_125 = arith.mulf %roll3A_116, %mul3A_124 : vector<1x64x2048xf32>
    %add3A_126 = arith.addf %add3A_109, %mul3A_125 : vector<1x64x2048xf32>
    %swap3A = arith.constant 0 : index
    %swap3A_127 = arith.constant 0 : index
    %swap3A_128 = arith.constant 0 : index
    %swap3A_129 = arith.constant 0 : index
    %swap3A_130 = vector.load %arg5[%swap3A, %swap3A_127, %swap3A_128, %swap3A_129] : memref<1x1x64x2048xf32, #tpu.memory_space<vmem>>, vector<1x1x64x2048xf32>
    %swap3A_131 = vector.shape_cast %swap3A_130 : vector<1x1x64x2048xf32> to vector<1x64x2048xf32>
    %swap3A_132 = vector.shape_cast %add3A_126 : vector<1x64x2048xf32> to vector<1x1x64x2048xf32>
    tpu.vector_store %arg5[%swap3A, %swap3A_127, %swap3A_128, %swap3A_129], %swap3A_132 {strides = array<i32>} : memref<1x1x64x2048xf32, #tpu.memory_space<vmem>>, vector<1x1x64x2048xf32>,
    return
  }
  func.func @transform_0(%arg0: i32, %arg1: i32, %arg2: memref<16xi32, #tpu.memory_space<smem>>, %arg3: memref<64xf32, #tpu.memory_space<smem>>) -> (i32, i32, i32, i32) {
    %c0_i32 = arith.constant 0 : i32
    %c0_i32_0 = arith.constant 0 : i32
    %c0_i32_1 = arith.constant 0 : i32
    return %arg0, %arg1, %c0_i32, %c0_i32_0 : i32, i32, i32, i32
  }
  func.func @transform_1(%arg0: i32, %arg1: i32, %arg2: memref<16xi32, #tpu.memory_space<smem>>, %arg3: memref<64xf32, #tpu.memory_space<smem>>) -> (i32, i32, i32, i32) {
    %c0_i32 = arith.constant 0 : i32
    %c0_i32_0 = arith.constant 0 : i32
    %c0_i32_1 = arith.constant 0 : i32
    return %arg0, %arg1, %c0_i32, %c0_i32_0 : i32, i32, i32, i32
  }
}

</mosaic_0001>

<sc_bundles>
// kernel: kernel.5.cloned.1.call-start
scs
__scs_entry_jumppad:
0x0: {  	(pc) =	sbr.rel $0x88, $3  }
0x1: {  	(tag) =	ssettag $0x0;
	lr =	simm.s32 $0x1  }
0x2: {  	[smem:$0x3F9E] =	sst lr;
	_ =	strace $0xD0000000  }
0x3: {  	_ = 	snop  }
0x4: {  	_ = 	snop  }
0x5: {  	_ = 	snop  }
0x6: {  	_ = 	snop  }
0x7: {  	_ = 	snop  }
__scs_overlays_trampoline_lowered:
0x8: {  	[smem:$0x3FAD] =	sst s0  }
0x9: {  	[smem:$0x3FAE] =	sst s1  }
0xa: {  	[smem:$0x3FAF] =	sst s2  }
0xb: {  	[smem:$0x3FB0] =	sst s3  }
0xc: {  	[smem:$0x3FB1] =	sst s4  }
0xd: {  	[smem:$0x3FB2] =	sst s5  }
0xe: {  	[smem:$0x3FB3] =	sst s6  }
0xf: {  	[smem:$0x3FB4] =	sst s7  }
0x10: {  	[smem:$0x3FB5] =	sst s8  }
0x11: {  	[smem:$0x3FB6] =	sst s9;
	s0 =	simm.s32 @!p0 $0x0  }
0x12: {  	s1 =	sld [smem:$0x3F9C];
	s0 =	simm.s32 @p0 $0x1  }
0x13: {  	[smem:$0x3FB7] =	sst s0;
	s0 =	simm.s32 @!p1 $0x0  }
0x14: {  	s2 =	sld [smem:$0x3F9B];
	s0 =	simm.s32 @p1 $0x1  }
0x15: {  	[smem:$0x3FB8] =	sst s0;
	s0 =	simm.s32 @!p2 $0x0  }
0x16: {  	s3 =	sld [smem:$0x3FDB];
	s0 =	simm.s32 @p2 $0x1  }
0x17: {  	s4 =	simm.s32 $0x1BF5;
	[smem:$0x3FBA] =	sst s0  }
0x18: {  	s0 =	sld [smem:$0x3F9D];
	_ =	swait.ge [sflag:s4], $0x0  }
0x19: {  	s7 =	sld [smem:$0x3F9E]  }
0x1a: {  	s8 =	sadd.s32 $0xFFFFE003, lr  }
0x1b: {  	s9 =	sadd.s32 $0xFFFFFEF7, lr;
	s5 =	simm.s32 $0xFFFFFFFF;
	p2 =	slt.u32 s8, $0xFFFFF086  }
0x1c: {  	p1 =	slt.u32 s9, $0xF7A;
	s5 =	simm.s32 @!p2 $0x0  }
0x1d: {  	s5 =	simm.s32 @p1 $0x1;
	p0 =	seq.s32 s7, s2  }
0x1e: {  	s7 =	smul.u32 @!p0 $0xF7A, s2;
	p2 =	seq.s32 @!p0 s5, $0x0  }
0x1f: {  	s9 =	smul.u32 $0xF7A, s1;
	s8 =	simm.s32 @!p0 $0x1BF5;
	p2 =	por !p2, p0  }
0x20: {  	[sflag:s8] =	ssyncset.s32 @!p0 $0xFFFFF086;
	s6 =	sadd.s32 @!p0 s3, s7;
	s7 =	simm.s32 @!p0 $0x108  }
0x21: {  	s3 =	sadd.s32 s3, s9;
	s6 =	sadd.s32 @!p0 $0x88, s6;
	s7 =	simm.s32 @p2 $0x1082  }
0x22: {  	[simem:s7], [sflag:s8] =	dma.local @!p0 [hbm:s6], $0xF7A  }
0x23: {  	s9 =	sor.u32 $0xD0000000, s2;
	s6 =	simm.s32 $0x108;
	_ =	swait.ge @!p0 [sflag:s8], $0x0  }
0x24: {  	s3 =	sadd.s32 $0x88, s3;
	s6 =	simm.s32 @!p1 $0x1082;
	[sflag:s4] =	ssyncset.s32 $0xFFFFF086  }
0x25: {  	[simem:s6], [sflag:s4] =	dma.local [hbm:s3], $0xF7A  }
0x26: {  	[smem:$0x3F9E] =	sst s1;
	(tag) =	ssettag s2;
	_ =	strace s9  }
0x27: {  	s1 =	sld [smem:$0x3FAE]  }
0x28: {  	s2 =	sld [smem:$0x3FAF]  }
0x29: {  	s4 =	sld [smem:$0x3FB1]  }
0x2a: {  	p0 =	seq.s32 s5, $0x0;
	s5 =	sld [smem:$0x3FB2]  }
0x2b: {  	s6 =	sld [smem:$0x3FB3]  }
0x2c: {  	s7 =	sld [smem:$0x3FB4]  }
0x2d: {  	s3 =	simm.s32 $0x108;
	s8 =	sld [smem:$0x3FB5]  }
0x2e: {  	s3 =	simm.s32 @!p0 $0x1082;
	s9 =	sld [smem:$0x3FB6]  }
0x2f: {  	lr =	sadd.s32 s0, s3;
	s0 =	sld [smem:$0x3FAD]  }
0x30: {  	s3 =	sld [smem:$0x3FB0]  }
0x31: {  	[smem:$0x3FB9] =	sst s10  }
0x32: {  	s10 =	sld [smem:$0x3FB7];
	_ =	sdelay $0x3  }
0x33: {  	p0 =	seq.s32 s10, $0x1;
	s10 =	sld [smem:$0x3FB9];
	_ =	sdelay $0x3  }
0x34: {  	[smem:$0x3FB9] =	sst s10  }
0x35: {  	s10 =	sld [smem:$0x3FB8];
	_ =	sdelay $0x3  }
0x36: {  	p1 =	seq.s32 s10, $0x1;
	s10 =	sld [smem:$0x3FB9];
	_ =	sdelay $0x3  }
0x37: {  	[smem:$0x3FB9] =	sst s10  }
0x38: {  	s10 =	sld [smem:$0x3FBA]  }
0x39: {  	_ = 	snop;
	(pc) =	sbr.ind lr, $3  }
0x3a: {  	_ = 	snop  }
0x3b: {  	_ = 	snop  }
0x3c: {  	p2 =	seq.s32 s10, $0x1;
	s10 =	sld [smem:$0x3FB9]  }
0x3d: {  	_ =	shalt  }
0x3e: {  	_ =	shalt  }
0x3f: {  	_ =	shalt  }
0x40: {  	_ =	shalt  }
0x41: {  	_ =	shalt  }
0x42: {  	_ =	shalt  }
0x43: {  	_ =	shalt  }
0x44: {  	_ =	shalt  }
0x45: {  	_ =	shalt  }
0x46: {  	_ =	shalt  }
0x47: {  	_ =	shalt  }
0x48: {  	_ =	shalt  }
0x49: {  	_ =	shalt  }
0x4a: {  	_ =	shalt  }
0x4b: {  	_ =	shalt  }
0x4c: {  	_ =	shalt  }
0x4d: {  	_ =	shalt  }
0x4e: {  	_ =	shalt  }
0x4f: {  	_ =	shalt  }
0x50: {  	_ =	shalt  }
0x51: {  	_ =	shalt  }
0x52: {  	_ =	shalt  }
0x53: {  	_ =	shalt  }
0x54: {  	_ =	shalt  }
0x55: {  	_ =	shalt  }
0x56: {  	_ =	shalt  }
0x57: {  	_ =	shalt  }
0x58: {  	_ =	shalt  }
0x59: {  	_ =	shalt  }
0x5a: {  	_ =	shalt  }
0x5b: {  	_ =	shalt  }
0x5c: {  	_ =	shalt  }
0x5d: {  	_ =	shalt  }
0x5e: {  	_ =	shalt  }
0x5f: {  	_ =	shalt  }
0x60: {  	_ =	shalt  }
0x61: {  	_ =	shalt  }
0x62: {  	_ =	shalt  }
0x63: {  	_ =	shalt  }
0x64: {  	_ =	shalt  }
0x65: {  	_ =	shalt  }
0x66: {  	_ =	shalt  }
0x67: {  	_ =	shalt  }
0x68: {  	_ =	shalt  }
0x69: {  	_ =	shalt  }
0x6a: {  	_ =	shalt  }
0x6b: {  	_ =	shalt  }
0x6c: {  	_ =	shalt  }
0x6d: {  	_ =	shalt  }
0x6e: {  	_ =	shalt  }
0x6f: {  	_ =	shalt  }
0x70: {  	_ =	shalt  }
0x71: {  	_ =	shalt  }
0x72: {  	_ =	shalt  }
0x73: {  	_ =	shalt  }
0x74: {  	_ =	shalt  }
0x75: {  	_ =	shalt  }
0x76: {  	_ =	shalt  }
0x77: {  	_ =	shalt  }
0x78: {  	_ =	shalt  }
0x79: {  	_ =	shalt  }
0x7a: {  	_ =	shalt  }
0x7b: {  	_ =	shalt  }
0x7c: {  	_ =	shalt  }
0x7d: {  	_ =	shalt  }
0x7e: {  	_ =	shalt  }
0x7f: {  	_ =	shalt  }
0x80: {  	_ =	shalt  }
0x81: {  	_ =	shalt  }
0x82: {  	_ =	shalt  }
0x83: {  	_ =	shalt  }
0x84: {  	_ =	shalt  }
0x85: {  	_ =	shalt  }
0x86: {  	_ =	shalt  }
0x87: {  	_ =	shalt  }
.Lfunc_end0:
.L_simem_size_0:
called_computation_lowered:
.L_overlay_start_0:
0x88: {  	s2 =	sld [smem:$0x3FD9]  }
0x89: {  	s3 =	sld [smem:$0x3FFE];
	_ =	sdelay $0x1  }
0x8a: {  	s1 =	srdreg.scid  }
0x8b: {  	s0 =	sand.u32 $0x1, s1  }
0x8c: {  	s17 =	sshll.u32 s0, $0xA;
	s2 =	sadd.s32 s3, s2  }
0x8d: {  	s2 =	sadd.s32 s2, s17  }
0x8e: {  	[smem:$0x3FC5] =	sst s2  }
0x8f: {  	_ = 	snop  }
0x90: {  	s2 =	sld [smem:$0x3FD0];
	(tm) =	ssettm $0x1  }
0x91: {  	s18 =	sld [smem:$0x3FFB];
	_ =	sdelay $0x3  }
0x92: {  	_ =	strace s18  }
0x93: {  	s3 =	sld [smem:$0x3FFC];
	_ =	sdelay $0x3  }
0x94: {  	_ =	strace s3  }
0x95: {  	s3 =	sld [smem:$0x3FFD];
	_ =	sdelay $0x3  }
0x96: {  	_ =	strace s3  }
0x97: {  	_ =	strace $0x8FFFFFFF  }
0x98: {  	s19 =	sld [smem:$0x3FDB];
	_ =	sdelay $0x1  }
0x99: {  	s4 =	simm.s32 $_scs_section_size  }
0x9a: {  	s5 =	simm.s32 $_size__tile_overlayer_lowered;
	s6 =	simm.s32 $_tile_overlayer_lowered  }
0x9b: {  	s22 =	simm.s32 $0x1BFF;
	s21 =	sshll.u32 s6, $0x1;
	s3 =	sadd.s32 s4, s19  }
0x9c: {  	s7 =	simm.s32 $0x0;
	s20 =	sshll.u32 s5, $0x1;
	s5 =	sadd.s32 s21, s3  }
0x9d: {  	[timem:s7], [sflag:s22] =	dma.local [hbm:s5], s20  }
0x9e: {  	_ =	swait.ge [sflag:s22], s20  }
0x9f: {  	s4 =	ssub.s32 $0x0, s20;
	[sflag:s22] =	ssyncset.done $0x0  }
0xa0: {  	[sflag:s22] =	ssyncadd.s32 s4;
	_ =	sdelay $0x1  }
0xa1: {  	s23 =	simm.s32 $0x1B8B  }
0xa2: {  	_ =	swait.ge [sflag:s23], $0x1  }
0xa3: {  	[sflag:s23] =	ssyncset.done $0x0  }
0xa4: {  	s25 =	simm.s32 $0x1B8E;
	s24 =	sld [smem:$0x3FFE];
	[sflag:s23] =	ssyncadd.s32 $0xFFFFFFFF  }
0xa5: {  	s26 =	simm.s32 $execute0_lowered;
	[smem:$0x3FD2] =	sst s25  }
0xa6: {  	s5 =	sshll.u32 s26, $0x1;
	_ =	strace $0x80000046;
	[dreg:$0x1] =	wrdreg $0xFFFFFFFF  }
0xa7: {  	s28 =	simm.s32 $_size_execute0_lowered;
	s3 =	sadd.s32 s3, s5;
	[dreg:$0x0] =	wrdreg $0x0  }
0xa8: {  	s5 =	sshll.u32 s28, $0x1;
	[dreg:$0x2] =	wrdreg s3  }
0xa9: {  	[dreg:$0x3] =	wrdreg s5  }
0xaa: {  	[dreg:$0x4] =	wrdreg $0xC0  }
0xab: {  	_ =	task [dreg:s7], $0x5FFFF  }
0xac: {  	[dreg:$0x1] =	wrdreg $0xFFFFFFFF  }
0xad: {  	[dreg:$0x0] =	wrdreg $0x60  }
0xae: {  	[dreg:$0x2] =	wrdreg s2  }
0xaf: {  	[dreg:$0x3] =	wrdreg s24  }
0xb0: {  	[dreg:$0x4] =	wrdreg $0x9  }
0xb1: {  	_ =	task.clear_ibuf [dreg:s7], $0x5FFFF;
	_ =	strace $0x90000046  }
0xb2: {  	s29 =	simm.s32 $0x9;
	_ =	strace $0x80000048  }
0xb3: {  	_ =	swait.ge [sflag:s29], $0x1  }
0xb4: {  	[sflag:s29] =	ssyncadd.s32 $0xFFFFFFFF  }
0xb5: {  	_ =	strace $0x90000048  }
0xb6: {  	_ =	sfence  }
0xb7: {  	s30 =	sld [smem:$0x0];
	_ =	sdelay $0x2  }
0xb8: {  	s31 =	sshll.u32 s1, $0xD;
	s1 =	sshrl.u32 s1, $0x2  }
0xb9: {  	s3 =	sand.u32 $0x4000, s31;
	s1 =	sadd.s32 s1, s30  }
0xba: {  	s0 =	sor.u32 s3, s0;
	s1 =	sshll.u32 s1, $0x11  }
0xbb: {  	s0 =	sor.u32 s1, s0  }
0xbc: {  	s0 =	sadd.s32 $0x8F2B, s0  }
0xbd: {  	[sflag:s0] =	ssyncadd.remote.s32 $0x1  }
0xbe: {  	_ =	sfence.sel $0xFFFF  }
0xbf: {  	[dreg:$0x0] =	wrdreg $0xFFFFFFFF;
	(pc) =	sbr.abs _section_cstart, $3  }
0xc0: {  	[dreg:$0x1] =	wrdreg $0xFFFFFFFF  }
0xc1: {  	_ =	task.clear_ibuf [dreg:s7], $0x2FFFF;
	_ =	strace $0x9FFFFFFF  }
0xc2: {  	(tm) =	ssettm $0x7FFFFFFF  }
0xc3: {  	_ =	shalt  }
tec
execute0_lowered:
.L_overlay_start_1:
0x0: {  	(tag) =	ssettag $0x1  }
0x1: {  	s1 =	rddreg [dreg:$0x0]  }
0x2: {  	s5 =	rddreg [dreg:$0x1];
	s2 =	srdreg.scid  }
0x3: {  	s0 =	rddreg [dreg:$0x2];
	_ =	strace $0x80000047;
	s9 =	simm.s32 $0x1  }
0x4: {  	s10 =	simm.s32 $0x2000;
	s11 =	simm.s32 $0x4C00;
	s12 =	simm.s32 $0x4C80  }
.Ltmp0:
0x5: {  	s13 =	simm.s32 $0x0;
	s6 =	sand.u32 $0x1, s2;
	(pc) =	sbr.rel .LBB2_1-.Ltmp0, $4  }
0x6: {  	v0 =	vlaneseq.u32;
	s3 =	sadd.s32 $0xA00, s5;
	s2 =	stileid.u32;
	s7 =	ssub.s32 $0x2, s6  }
0x7: {  	s4 =	sadd.s32 $0xE00, s5;
	v1 =	vmul.u32 $0xFFFFFFFF, v0;
	s31 =	sor.u32 s2, s6;
	s8 =	sshrl.u32 s7, $0x1  }
0x8: {  	s5 =	sadd.s32 $0xC00, s5;
	p0 =	sne.s32 s31, $0x0;
	s7 =	ssub.s32 s7, s8  }
0x9: {  	v2 =	vadd.s32 $0xFFFFF800, v1;
	s8 =	simm.s32 $0x4E80;
	s6 =	smax.u32 s7, $0x1;
	s7 =	simm.s32 $0x0  }
.LBB2_21:
0xa: {  	s13 =	sadd.s32 $0x1, s13  }
0xb: {  	p1 =	sne.s32 s13, s6  }
.Ltmp1:
0xc: {  	_ = 	snop;
	(pc) =	sbr.rel @!p1 .LBB2_22-.Ltmp1, $1  }
0xd: {  	_ =	sdelay $0x3  }
.LBB2_1:
.Ltmp2:
0xe: {  	(pc) =	sbr.rel @p0 .LBB2_21-.Ltmp2, $4  }
0xf: {  	[tilespmem:s8], [sflag:$0x1] =	stream.linear.gather [hbm4b:s3+s7], $0x1, $0x38;
	[tilespmem:$0x4F00] =	vst v63  }
0x10: {  	_ =	swait.ge [sflag:s9], $0x1  }
0x11: {  	[sflag:s9] =	ssyncset.done $0x0  }
0x12: {  	[sflag:s9] =	ssyncadd.s32 $0xFFFFFFFF  }
0x13: {  	s14 =	simm.s32 $0x800  }
0x14: {  	v3 =	vadd.s32 s14, v1  }
0x15: {  	v4 =	vadd.s32 s14, v2;
	vm0 =	vgt.s32 v3, $0x7FF  }
0x16: {  	v3 =	vsel vm0, v4, v3  }
0x17: {  	v4 =	vshll.u32 v3, $0x2  }
0x18: {  	v5 =	vand.u32 $0x7F, v3;
	v4 =	vand.u32 $0xFFFFFE00, v4  }
0x19: {  	s15 =	simm.s32 $0x0;
	v4 =	vor.u32 v5, v4  }
0x1a: {  	v3 =	vld [tilespmem:$0x4E80];
	[tilespmem:s15], [sflag:$0x1] =	stream.linear.gather [hbm4b:s1+s15], $0x2000, $0x38  }
0x1b: {  	_ =	swait.ge [sflag:s9], $0x2000  }
0x1c: {  	[sflag:s9] =	ssyncset.done $0x0  }
0x1d: {  	[sflag:s9] =	ssyncadd.s32 $0xFFFFE000  }
0x1e: {  	v5 =	vld.idx.msk [tilespmem:v4+s15+$0x0], $0xffff;
	_ =	sdelay $0x2  }
0x1f: {  	v6 =	vor.u32 $0x80, v4;
	_ =	sdelay $0x1  }
0x20: {  	s31 =	sand.u32 $0x70, s15;
	s16 =	sand.u32 $0x1E00, s15;
	v5 =	vmul.f32 $9.765625000e-04, v5  }
0x21: {  	s16 =	sor.u32 s31, s16  }
0x22: {  	[tilespmem:s16+$0x2000] =	vst v5  }
0x23: {  	v6 =	vld.idx.msk [tilespmem:v6+s15+$0x0], $0xffff;
	_ =	sdelay $0x2  }
0x24: {  	v7 =	vor.u32 $0x100, v4;
	_ =	sdelay $0x1  }
0x25: {  	v6 =	vmul.f32 $9.765625000e-04, v6;
	_ =	sdelay $0x1  }
0x26: {  	[tilespmem:s16+$0x2080] =	vst v6  }
0x27: {  	v7 =	vld.idx.msk [tilespmem:v7+s15+$0x0], $0xffff;
	_ =	sdelay $0x2  }
0x28: {  	v4 =	vor.u32 $0x180, v4;
	_ =	sdelay $0x1  }
0x29: {  	v7 =	vmul.f32 $9.765625000e-04, v7;
	_ =	sdelay $0x1  }
0x2a: {  	[tilespmem:s16+$0x2100] =	vst v7  }
0x2b: {  	v4 =	vld.idx.msk [tilespmem:v4+s15+$0x0], $0xffff  }
0x2c: {  	v5 =	vadd.f32 $0.0e+00, v5  }
0x2d: {  	s17 =	simm.s32 $0x7F0  }
0x2e: {  	v8 =	vadd.s32 s17, v1;
	v5 =	vadd.f32 v6, v5  }
0x2f: {  	vm15 =	vgt.s32 v8, $0x7FF;
	v6 =	vadd.s32 s17, v2  }
0x30: {  	v5 =	vadd.f32 v7, v5;
	v7 =	vmul.f32 $9.765625000e-04, v4;
	v4 =	vsel vm15, v6, v8  }
0x31: {  	v6 =	vshll.u32 v4, $0x2  }
0x32: {  	v4 =	vand.u32 $0x7F, v4;
	v6 =	vand.u32 $0xFFFFFE00, v6  }
0x33: {  	v5 =	vadd.f32 v7, v5;
	v4 =	vor.u32 v4, v6  }
0x34: {  	s18 =	simm.s32 $0x80;
	s21 =	simm.s32 $0x0  }
0x35: {  	s19 =	simm.s32 $0x0;
	s14 =	simm.s32 $0x40;
	[tilespmem:s16+$0x2180] =	vst v7;
	s16 =	simm.s32 $0x40;
	v5 =	vmul.f32 $2.500000000e-01, v5  }
.LBB2_3:
0x36: {  	p1 =	sne.s32 s18, $0x1FC0  }
0x37: {  	[tilespmem:s21+$0x4000] =	vst v5;
	s19 =	sadd.s32 $0x10, s19;
	s20 =	smov.u32 s18;
	s18 =	sadd.s32 $0x40, s18  }
0x38: {  	v5 =	vld.idx.msk [tilespmem:v4+s15+$0x0], $0xffff;
	_ =	sdelay $0x3  }
0x39: {  	v6 =	vor.u32 $0x80, v4;
	_ =	sdelay $0x1  }
0x3a: {  	s22 =	sand.u32 $0x1E00, s16;
	s21 =	sand.u32 $0x70, s19;
	v5 =	vmul.f32 $9.765625000e-04, v5  }
0x3b: {  	s21 =	sor.u32 s21, s22  }
0x3c: {  	[tilespmem:s21+$0x2000] =	vst v5  }
0x3d: {  	v6 =	vld.idx.msk [tilespmem:v6+s15+$0x0], $0xffff;
	_ =	sdelay $0x3  }
0x3e: {  	v7 =	vor.u32 $0x100, v4;
	_ =	sdelay $0x1  }
0x3f: {  	v6 =	vmul.f32 $9.765625000e-04, v6;
	_ =	sdelay $0x1  }
0x40: {  	[tilespmem:s21+$0x2080] =	vst v6  }
0x41: {  	v7 =	vld.idx.msk [tilespmem:v7+s15+$0x0], $0xffff;
	_ =	sdelay $0x3  }
0x42: {  	v4 =	vor.u32 $0x180, v4;
	_ =	sdelay $0x1  }
0x43: {  	v7 =	vmul.f32 $9.765625000e-04, v7;
	_ =	sdelay $0x1  }
0x44: {  	[tilespmem:s21+$0x2100] =	vst v7  }
0x45: {  	v4 =	vld.idx.msk [tilespmem:v4+s15+$0x0], $0xffff;
	_ =	sdelay $0x1  }
0x46: {  	s17 =	sadd.s32 $0xFFFFFFF0, s17;
	v5 =	vadd.f32 $0.0e+00, v5  }
0x47: {  	v8 =	vadd.s32 s17, v1  }
0x48: {  	v9 =	vadd.s32 s17, v2;
	vm0 =	vgt.s32 v8, $0x7FF;
	v5 =	vadd.f32 v6, v5  }
0x49: {  	v6 =	vsel vm0, v9, v8  }
0x4a: {  	v8 =	vshll.u32 v6, $0x2;
	v5 =	vadd.f32 v7, v5;
	v7 =	vmul.f32 $9.765625000e-04, v4  }
.Ltmp3:
0x4b: {  	v4 =	vand.u32 $0x7F, v6;
	v6 =	vand.u32 $0xFFFFFE00, v8;
	(pc) =	sbr.rel @p1 .LBB2_3-.Ltmp3, $3  }
0x4c: {  	v4 =	vor.u32 v4, v6;
	v5 =	vadd.f32 v7, v5;
	[tilespmem:s21+$0x2180] =	vst v7;
	_ =	sdelay $0x1  }
0x4d: {  	v5 =	vmul.f32 $2.500000000e-01, v5  }
0x4e: {  	s21 =	sshra.s32 s16, $0x2;
	s16 =	smov.u32 s20  }
0x4f: {  	_ =	sdelay $0x2  }
0x50: {  	[tilespmem:s21+$0x4000] =	vst v5  }
0x51: {  	v5 =	vld.idx.msk [tilespmem:v4+s15+$0x0], $0xffff;
	_ =	sdelay $0x2  }
0x52: {  	v6 =	vor.u32 $0x80, v4  }
0x53: {  	s17 =	sadd.s32 $0x10, s19  }
0x54: {  	s18 =	sand.u32 $0x1E00, s16;
	s17 =	sand.u32 $0x70, s17;
	v5 =	vmul.f32 $9.765625000e-04, v5  }
0x55: {  	s17 =	sor.u32 s17, s18  }
0x56: {  	[tilespmem:s17+$0x2000] =	vst v5  }
0x57: {  	v6 =	vld.idx.msk [tilespmem:v6+s15+$0x0], $0xffff;
	_ =	sdelay $0x2  }
0x58: {  	v7 =	vor.u32 $0x100, v4;
	_ =	sdelay $0x1  }
0x59: {  	v6 =	vmul.f32 $9.765625000e-04, v6;
	_ =	sdelay $0x1  }
0x5a: {  	[tilespmem:s17+$0x2080] =	vst v6  }
0x5b: {  	v7 =	vld.idx.msk [tilespmem:v7+s15+$0x0], $0xffff;
	_ =	sdelay $0x2  }
0x5c: {  	v4 =	vor.u32 $0x180, v4;
	_ =	sdelay $0x1  }
0x5d: {  	v7 =	vmul.f32 $9.765625000e-04, v7;
	_ =	sdelay $0x1  }
0x5e: {  	[tilespmem:s17+$0x2100] =	vst v7  }
0x5f: {  	v4 =	vld.idx.msk [tilespmem:v4+s15+$0x0], $0xffff  }
0x60: {  	v5 =	vadd.f32 $0.0e+00, v5;
	_ =	sdelay $0x1  }
0x61: {  	v5 =	vadd.f32 v6, v5;
	_ =	sdelay $0x1  }
0x62: {  	v5 =	vadd.f32 v7, v5;
	v4 =	vmul.f32 $9.765625000e-04, v4;
	_ =	sdelay $0x1  }
0x63: {  	v5 =	vadd.f32 v4, v5;
	_ =	sdelay $0x1  }
0x64: {  	v5 =	vmul.f32 $2.500000000e-01, v5  }
0x65: {  	s28 =	sshra.s32 s16, $0x2;
	[tilespmem:s17+$0x2180] =	vst v4  }
0x66: {  	s16 =	simm.s32 $0x4020;
	[tilespmem:s28+$0x4000] =	vst v5  }
0x67: {  	v4 =	vld [tilespmem:s16+$0xFFFFFFE0]  }
0x68: {  	v5 =	vld [tilespmem:s16+$0xFFFFFFF0];
	_ =	sdelay $0x1  }
0x69: {  	v6 =	vld [tilespmem:s16+$0x0];
	_ =	sdelay $0x1  }
0x6a: {  	v7 =	vld [tilespmem:s16+$0x10]  }
0x6b: {  	vm0 =	vgt.f32 v5, v4  }
0x6c: {  	v4 =	vsel vm0, v5, v4  }
0x6d: {  	s29 =	simm.s32 $0x10;
	v5 =	vmov s15;
	vm1 =	vgt.f32 v6, v4  }
0x6e: {  	s30 =	simm.s32 $0x20;
	v5 =	vsel vm0, s29, v5;
	v4 =	vsel vm1, v6, v4  }
0x6f: {  	s31 =	simm.s32 $0x30;
	v5 =	vsel vm1, s30, v5;
	vm15 =	vgt.f32 v7, v4  }
0x70: {  	s15 =	simm.s32 $0x0;
	v5 =	vsel vm15, s31, v5;
	v6 =	vsel vm15, v7, v4  }
0x71: {  	v4 =	vor.u32 v0, v5;
	[tilespmem:s15+$0x4800] =	vst v6  }
.LBB2_5:
0x72: {  	p1 =	sne.s32 s14, $0x7C0  }
0x73: {  	[tilespmem:s15+$0x4A00] =	vst v4;
	s16 =	sadd.s32 $0x40, s16;
	s15 =	smov.u32 s14;
	s14 =	sadd.s32 $0x40, s14  }
0x74: {  	v4 =	vld [tilespmem:s16+$0xFFFFFFE0]  }
0x75: {  	v5 =	vld [tilespmem:s16+$0xFFFFFFF0];
	_ =	sdelay $0x1  }
0x76: {  	v6 =	vld [tilespmem:s16+$0x0];
	_ =	sdelay $0x1  }
0x77: {  	v7 =	vld [tilespmem:s16+$0x10]  }
0x78: {  	vm0 =	vgt.f32 v5, v4  }
0x79: {  	v4 =	vsel vm0, v5, v4  }
.Ltmp4:
0x7a: {  	s17 =	sadd.s32 $0x10, s15;
	v5 =	vmov s15;
	vm1 =	vgt.f32 v6, v4;
	(pc) =	sbr.rel @p1 .LBB2_5-.Ltmp4, $4  }
0x7b: {  	v5 =	vsel vm0, s17, v5;
	s17 =	sadd.s32 $0x20, s15;
	v4 =	vsel vm1, v6, v4  }
0x7c: {  	v5 =	vsel vm1, s17, v5;
	s17 =	sadd.s32 $0x30, s15;
	vm0 =	vgt.f32 v7, v4  }
0x7d: {  	s15 =	sshra.s32 s15, $0x2;
	v5 =	vsel vm0, s17, v5;
	v6 =	vsel vm0, v7, v4  }
0x7e: {  	v4 =	vor.u32 v0, v5;
	[tilespmem:s15+$0x4800] =	vst v6  }
0x7f: {  	[tilespmem:s15+$0x4A00] =	vst v4;
	v3 =	vbroadcast v3, $0x0;
	s31 =	simm.s32 $0x0  }
0x80: {  	v5 =	vld [tilespmem:s31+$0x4800]  }
0x81: {  	v4 =	vimm.s32 $0x0;
	s14 =	simm.s32 $0x40;
	v7 =	vld [tilespmem:s31+$0x4A00];
	v6 =	vmov v3  }
.LBB2_7:
0x82: {  	p1 =	sne.s32 s14, $0x7C0  }
.Ltmp5:
0x83: {  	_ = 	snop;
	(pc) =	sbr.rel @p1 .LBB2_7-.Ltmp5, $4  }
0x84: {  	_ = 	snop  }
0x85: {  	s15 =	sshra.s32 s14, $0x2;
	s14 =	sadd.s32 $0x40, s14;
	vm0 =	vgt.f32 v5, v6  }
0x86: {  	v6 =	vsel vm0, v5, v6;
	v5 =	vld [tilespmem:s15+$0x4800];
	v4 =	vsel vm0, v7, v4  }
0x87: {  	v7 =	vld [tilespmem:s15+$0x4A00]  }
0x88: {  	_ =	sdelay $0x2  }
0x89: {  	vm0 =	vgt.f32 v5, v6  }
0x8a: {  	v5 =	vsel vm0, v5, v6;
	v4 =	vsel vm0, v7, v4  }
0x8b: {  	(xrf1) =	vsort.dscd.msk.f32 $0xffff, v5, v4;
	_ =	sdelay $0xd  }
0x8c: {  	v6, _, _ =	vpop (xrf1)  }
0x8d: {  	v6 =	vbroadcast v6, $0x0;
	_ =	sdelay $0x1  }
0x8e: {  	vm12 =	veq.f32 v5, v6;
	v5 =	vxor.u32 $0x80000000, v4  }
0x8f: {  	v5 =	vnsel vm12, $0xFFFFFFFF, v5  }
0x90: {  	(xrf1) =	vsort.ascd.msk.u32 $0xffff, v5, v4;
	_ =	sdelay $0xd  }
0x91: {  	v4, _, _ =	vpop (xrf1)  }
0x92: {  	(v2sf) =	vpush v4, $0x0;
	_ =	sdelay $0xe  }
0x93: {  	s15 =	spop (v2sf)  }
0x94: {  	s14 =	sxor.u32 $0x80000000, s15  }
0x95: {  	s16 =	sshra.s32 s14, $0x1F  }
0x96: {  	s17 =	sshrl.u32 s16, $0x1C  }
0x97: {  	s17 =	sadd.s32 s17, s14  }
0x98: {  	p2 =	sgt.s32 s15, $0xFFFFFFFF;
	p1 =	slt.s32 s14, $0x1;
	s18 =	sand.u32 $0xFFFFFFF0, s17  }
0x99: {  	p1 =	por p2, p1;
	p5 =	sne.s32 s14, s18  }
0x9a: {  	p2 =	por !p1, !p5  }
0x9b: {  	s18 =	simm.s32 $0x1;
	p2 =	por !p2, !p2  }
0x9c: {  	s17 =	sshrl.u32 s17, $0x4;
	s18 =	simm.s32 @!p2 $0x0  }
0x9d: {  	s17 =	ssub.s32 s17, s18  }
0x9e: {  	s17 =	sshll.u32 s17, $0x6  }
0x9f: {  	s17 =	sshra.s32 s17, $0x2  }
0xa0: {  	s26 =	sand.u32 $0x3F, s15;
	v4 =	vld [tilespmem:s17+$0x4000]  }
0xa1: {  	p6 =	sne.s32 s26, $0x0  }
0xa2: {  	s15 =	sand.u32 $0xF, s15;
	s16 =	sshrl.u32 s16, $0x1A;
	p1 =	por !p6, !p1  }
0xa3: {  	v5 =	vmov s15;
	s28 =	sadd.s32 s16, s14;
	s16 =	simm.s32 $0x1;
	p1 =	por !p1, !p1  }
0xa4: {  	vm13 =	veq.s32 v5, v0;
	s15 =	sshra.s32 s28, $0x6;
	s16 =	simm.s32 @!p1 $0x0  }
0xa5: {  	s15 =	ssub.s32 s15, s16;
	v4 =	vsel vm13, v3, v4  }
0xa6: {  	s16 =	sshll.u32 s15, $0x6;
	[tilespmem:s17+$0x4000] =	vst v4  }
0xa7: {  	v4 =	vld [tilespmem:s16+$0x4000]  }
0xa8: {  	v5 =	vld [tilespmem:s16+$0x4010];
	_ =	sdelay $0x1  }
0xa9: {  	v6 =	vld [tilespmem:s16+$0x4020];
	_ =	sdelay $0x1  }
0xaa: {  	v7 =	vld [tilespmem:s16+$0x4030]  }
0xab: {  	vm14 =	vgt.f32 v5, v4  }
0xac: {  	v4 =	vsel vm14, v5, v4  }
0xad: {  	s29 =	sor.u32 $0x10, s16;
	v5 =	vmov s16;
	vm1 =	vgt.f32 v6, v4  }
0xae: {  	s30 =	sor.u32 $0x20, s16;
	v5 =	vsel vm14, s29, v5;
	v4 =	vsel vm1, v6, v4  }
0xaf: {  	s16 =	sor.u32 $0x30, s16;
	v5 =	vsel vm1, s30, v5;
	vm15 =	vgt.f32 v7, v4  }
0xb0: {  	s15 =	sshll.u32 s15, $0x4;
	v5 =	vsel vm15, s16, v5;
	v4 =	vsel vm15, v7, v4  }
0xb1: {  	v5 =	vor.u32 v0, v5;
	[tilespmem:s15+$0x4800] =	vst v4  }
0xb2: {  	s31 =	simm.s32 $0x0;
	[tilespmem:s15+$0x4A00] =	vst v5  }
0xb3: {  	v5 =	vld [tilespmem:s31+$0x4800]  }
0xb4: {  	v6 =	vmov v3;
	v4 =	vimm.s32 $0x0;
	s15 =	simm.s32 $0x40;
	v7 =	vld [tilespmem:s31+$0x4A00]  }
.LBB2_9:
0xb5: {  	p1 =	sne.s32 s15, $0x7C0  }
.Ltmp6:
0xb6: {  	_ = 	snop;
	(pc) =	sbr.rel @p1 .LBB2_9-.Ltmp6, $4  }
0xb7: {  	_ = 	snop  }
0xb8: {  	s16 =	sshra.s32 s15, $0x2;
	s15 =	sadd.s32 $0x40, s15;
	vm0 =	vgt.f32 v5, v6  }
0xb9: {  	v6 =	vsel vm0, v5, v6;
	v5 =	vld [tilespmem:s16+$0x4800];
	v4 =	vsel vm0, v7, v4  }
0xba: {  	v7 =	vld [tilespmem:s16+$0x4A00]  }
0xbb: {  	_ =	sdelay $0x2  }
0xbc: {  	vm0 =	vgt.f32 v5, v6  }
0xbd: {  	v5 =	vsel vm0, v5, v6;
	v4 =	vsel vm0, v7, v4  }
0xbe: {  	(xrf1) =	vsort.dscd.msk.f32 $0xffff, v5, v4;
	_ =	sdelay $0xd  }
0xbf: {  	v6, _, _ =	vpop (xrf1)  }
0xc0: {  	v6 =	vbroadcast v6, $0x0;
	_ =	sdelay $0x1  }
0xc1: {  	vm12 =	veq.f32 v5, v6;
	v5 =	vxor.u32 $0x80000000, v4  }
0xc2: {  	v5 =	vnsel vm12, $0xFFFFFFFF, v5  }
0xc3: {  	(xrf1) =	vsort.ascd.msk.u32 $0xffff, v5, v4;
	_ =	sdelay $0xd  }
0xc4: {  	v4, _, _ =	vpop (xrf1)  }
0xc5: {  	(v2sf) =	vpush v4, $0x0;
	_ =	sdelay $0xe  }
0xc6: {  	s16 =	spop (v2sf)  }
0xc7: {  	s15 =	sxor.u32 $0x80000000, s16  }
0xc8: {  	s17 =	sshra.s32 s15, $0x1F  }
0xc9: {  	s18 =	sshrl.u32 s17, $0x1C  }
0xca: {  	s18 =	sadd.s32 s18, s15  }
0xcb: {  	p2 =	sgt.s32 s16, $0xFFFFFFFF;
	p1 =	slt.s32 s15, $0x1;
	s19 =	sand.u32 $0xFFFFFFF0, s18  }
0xcc: {  	p1 =	por p2, p1;
	p5 =	sne.s32 s15, s19  }
0xcd: {  	p2 =	por !p1, !p5  }
0xce: {  	s19 =	simm.s32 $0x1;
	p2 =	por !p2, !p2  }
0xcf: {  	s18 =	sshrl.u32 s18, $0x4;
	s19 =	simm.s32 @!p2 $0x0  }
0xd0: {  	s18 =	ssub.s32 s18, s19  }
0xd1: {  	s18 =	sshll.u32 s18, $0x6  }
0xd2: {  	s18 =	sshra.s32 s18, $0x2  }
0xd3: {  	s26 =	sand.u32 $0x3F, s16;
	v4 =	vld [tilespmem:s18+$0x4000]  }
0xd4: {  	p6 =	sne.s32 s26, $0x0  }
0xd5: {  	s16 =	sand.u32 $0xF, s16;
	s17 =	sshrl.u32 s17, $0x1A;
	p1 =	por !p6, !p1  }
0xd6: {  	v5 =	vmov s16;
	s28 =	sadd.s32 s17, s15;
	s17 =	simm.s32 $0x1;
	p1 =	por !p1, !p1  }
0xd7: {  	vm13 =	veq.s32 v5, v0;
	s16 =	sshra.s32 s28, $0x6;
	s17 =	simm.s32 @!p1 $0x0  }
0xd8: {  	s16 =	ssub.s32 s16, s17;
	v4 =	vsel vm13, v3, v4  }
0xd9: {  	s17 =	sshll.u32 s16, $0x6;
	[tilespmem:s18+$0x4000] =	vst v4  }
0xda: {  	v4 =	vld [tilespmem:s17+$0x4000]  }
0xdb: {  	v5 =	vld [tilespmem:s17+$0x4010];
	_ =	sdelay $0x1  }
0xdc: {  	v6 =	vld [tilespmem:s17+$0x4020];
	_ =	sdelay $0x1  }
0xdd: {  	v7 =	vld [tilespmem:s17+$0x4030]  }
0xde: {  	vm14 =	vgt.f32 v5, v4  }
0xdf: {  	v4 =	vsel vm14, v5, v4  }
0xe0: {  	s29 =	sor.u32 $0x10, s17;
	v5 =	vmov s17;
	vm1 =	vgt.f32 v6, v4  }
0xe1: {  	s30 =	sor.u32 $0x20, s17;
	v5 =	vsel vm14, s29, v5;
	v4 =	vsel vm1, v6, v4  }
0xe2: {  	s17 =	sor.u32 $0x30, s17;
	v5 =	vsel vm1, s30, v5;
	vm15 =	vgt.f32 v7, v4  }
0xe3: {  	s16 =	sshll.u32 s16, $0x4;
	v5 =	vsel vm15, s17, v5;
	v4 =	vsel vm15, v7, v4  }
0xe4: {  	v5 =	vor.u32 v0, v5;
	[tilespmem:s16+$0x4800] =	vst v4  }
0xe5: {  	s31 =	simm.s32 $0x0;
	[tilespmem:s16+$0x4A00] =	vst v5  }
0xe6: {  	v5 =	vld [tilespmem:s31+$0x4800]  }
0xe7: {  	v6 =	vmov v3;
	v4 =	vimm.s32 $0x0;
	s16 =	simm.s32 $0x40;
	v7 =	vld [tilespmem:s31+$0x4A00]  }
.LBB2_11:
0xe8: {  	p1 =	sne.s32 s16, $0x7C0  }
.Ltmp7:
0xe9: {  	_ = 	snop;
	(pc) =	sbr.rel @p1 .LBB2_11-.Ltmp7, $4  }
0xea: {  	_ = 	snop  }
0xeb: {  	s17 =	sshra.s32 s16, $0x2;
	s16 =	sadd.s32 $0x40, s16;
	vm0 =	vgt.f32 v5, v6  }
0xec: {  	v6 =	vsel vm0, v5, v6;
	v5 =	vld [tilespmem:s17+$0x4800];
	v4 =	vsel vm0, v7, v4  }
0xed: {  	v7 =	vld [tilespmem:s17+$0x4A00]  }
0xee: {  	_ =	sdelay $0x2  }
0xef: {  	vm0 =	vgt.f32 v5, v6  }
0xf0: {  	v5 =	vsel vm0, v5, v6;
	v4 =	vsel vm0, v7, v4  }
0xf1: {  	(xrf1) =	vsort.dscd.msk.f32 $0xffff, v5, v4;
	_ =	sdelay $0xd  }
0xf2: {  	v6, _, _ =	vpop (xrf1)  }
0xf3: {  	v6 =	vbroadcast v6, $0x0;
	_ =	sdelay $0x1  }
0xf4: {  	vm12 =	veq.f32 v5, v6;
	v5 =	vxor.u32 $0x80000000, v4  }
0xf5: {  	v5 =	vnsel vm12, $0xFFFFFFFF, v5  }
0xf6: {  	(xrf1) =	vsort.ascd.msk.u32 $0xffff, v5, v4;
	_ =	sdelay $0xd  }
0xf7: {  	v4, _, _ =	vpop (xrf1)  }
0xf8: {  	(v2sf) =	vpush v4, $0x0;
	_ =	sdelay $0xe  }
0xf9: {  	s17 =	spop (v2sf)  }
0xfa: {  	s16 =	sxor.u32 $0x80000000, s17  }
0xfb: {  	s18 =	sshra.s32 s16, $0x1F  }
0xfc: {  	s19 =	sshrl.u32 s18, $0x1C  }
0xfd: {  	s19 =	sadd.s32 s19, s16  }
0xfe: {  	p2 =	sgt.s32 s17, $0xFFFFFFFF;
	p1 =	slt.s32 s16, $0x1;
	s20 =	sand.u32 $0xFFFFFFF0, s19  }
0xff: {  	p1 =	por p2, p1;
	p5 =	sne.s32 s16, s20  }
0x100: {  	p2 =	por !p1, !p5  }
0x101: {  	s20 =	simm.s32 $0x1;
	p2 =	por !p2, !p2  }
0x102: {  	s19 =	sshrl.u32 s19, $0x4;
	s20 =	simm.s32 @!p2 $0x0  }
0x103: {  	s19 =	ssub.s32 s19, s20  }
0x104: {  	s19 =	sshll.u32 s19, $0x6  }
0x105: {  	s19 =	sshra.s32 s19, $0x2  }
0x106: {  	s26 =	sand.u32 $0x3F, s17;
	v4 =	vld [tilespmem:s19+$0x4000]  }
0x107: {  	p6 =	sne.s32 s26, $0x0  }
0x108: {  	s17 =	sand.u32 $0xF, s17;
	s18 =	sshrl.u32 s18, $0x1A;
	p1 =	por !p6, !p1  }
0x109: {  	v5 =	vmov s17;
	s28 =	sadd.s32 s18, s16;
	s18 =	simm.s32 $0x1;
	p1 =	por !p1, !p1  }
0x10a: {  	vm13 =	veq.s32 v5, v0;
	s17 =	sshra.s32 s28, $0x6;
	s18 =	simm.s32 @!p1 $0x0  }
0x10b: {  	s17 =	ssub.s32 s17, s18;
	v4 =	vsel vm13, v3, v4  }
0x10c: {  	s18 =	sshll.u32 s17, $0x6;
	[tilespmem:s19+$0x4000] =	vst v4  }
0x10d: {  	v4 =	vld [tilespmem:s18+$0x4000]  }
0x10e: {  	v5 =	vld [tilespmem:s18+$0x4010];
	_ =	sdelay $0x1  }
0x10f: {  	v6 =	vld [tilespmem:s18+$0x4020];
	_ =	sdelay $0x1  }
0x110: {  	v7 =	vld [tilespmem:s18+$0x4030]  }
0x111: {  	vm14 =	vgt.f32 v5, v4  }
0x112: {  	v4 =	vsel vm14, v5, v4  }
0x113: {  	s29 =	sor.u32 $0x10, s18;
	v5 =	vmov s18;
	vm1 =	vgt.f32 v6, v4  }
0x114: {  	s30 =	sor.u32 $0x20, s18;
	v5 =	vsel vm14, s29, v5;
	v4 =	vsel vm1, v6, v4  }
0x115: {  	s18 =	sor.u32 $0x30, s18;
	v5 =	vsel vm1, s30, v5;
	vm15 =	vgt.f32 v7, v4  }
0x116: {  	s17 =	sshll.u32 s17, $0x4;
	v5 =	vsel vm15, s18, v5;
	v4 =	vsel vm15, v7, v4  }
0x117: {  	v5 =	vor.u32 v0, v5;
	[tilespmem:s17+$0x4800] =	vst v4  }
0x118: {  	s31 =	simm.s32 $0x0;
	[tilespmem:s17+$0x4A00] =	vst v5  }
0x119: {  	v5 =	vld [tilespmem:s31+$0x4800]  }
0x11a: {  	v6 =	vmov v3;
	v4 =	vimm.s32 $0x0;
	s17 =	simm.s32 $0x40;
	v7 =	vld [tilespmem:s31+$0x4A00]  }
.LBB2_13:
0x11b: {  	p1 =	sne.s32 s17, $0x7C0  }
.Ltmp8:
0x11c: {  	_ = 	snop;
	(pc) =	sbr.rel @p1 .LBB2_13-.Ltmp8, $4  }
0x11d: {  	_ = 	snop  }
0x11e: {  	s18 =	sshra.s32 s17, $0x2;
	s17 =	sadd.s32 $0x40, s17;
	vm0 =	vgt.f32 v5, v6  }
0x11f: {  	v6 =	vsel vm0, v5, v6;
	v5 =	vld [tilespmem:s18+$0x4800];
	v4 =	vsel vm0, v7, v4  }
0x120: {  	v7 =	vld [tilespmem:s18+$0x4A00]  }
0x121: {  	_ =	sdelay $0x2  }
0x122: {  	vm0 =	vgt.f32 v5, v6  }
0x123: {  	v5 =	vsel vm0, v5, v6;
	v4 =	vsel vm0, v7, v4  }
0x124: {  	(xrf1) =	vsort.dscd.msk.f32 $0xffff, v5, v4;
	_ =	sdelay $0xd  }
0x125: {  	v6, _, _ =	vpop (xrf1)  }
0x126: {  	v6 =	vbroadcast v6, $0x0;
	_ =	sdelay $0x1  }
0x127: {  	vm12 =	veq.f32 v5, v6;
	v5 =	vxor.u32 $0x80000000, v4  }
0x128: {  	v5 =	vnsel vm12, $0xFFFFFFFF, v5  }
0x129: {  	(xrf1) =	vsort.ascd.msk.u32 $0xffff, v5, v4;
	_ =	sdelay $0xd  }
0x12a: {  	v4, _, _ =	vpop (xrf1)  }
0x12b: {  	(v2sf) =	vpush v4, $0x0;
	_ =	sdelay $0xe  }
0x12c: {  	s18 =	spop (v2sf)  }
0x12d: {  	s17 =	sxor.u32 $0x80000000, s18  }
0x12e: {  	s19 =	sshra.s32 s17, $0x1F  }
0x12f: {  	s20 =	sshrl.u32 s19, $0x1C  }
0x130: {  	s20 =	sadd.s32 s20, s17  }
0x131: {  	p2 =	sgt.s32 s18, $0xFFFFFFFF;
	p1 =	slt.s32 s17, $0x1;
	s21 =	sand.u32 $0xFFFFFFF0, s20  }
0x132: {  	p1 =	por p2, p1;
	p5 =	sne.s32 s17, s21  }
0x133: {  	p2 =	por !p1, !p5  }
0x134: {  	s21 =	simm.s32 $0x1;
	p2 =	por !p2, !p2  }
0x135: {  	s20 =	sshrl.u32 s20, $0x4;
	s21 =	simm.s32 @!p2 $0x0  }
0x136: {  	s20 =	ssub.s32 s20, s21  }
0x137: {  	s20 =	sshll.u32 s20, $0x6  }
0x138: {  	s20 =	sshra.s32 s20, $0x2  }
0x139: {  	s26 =	sand.u32 $0x3F, s18;
	v4 =	vld [tilespmem:s20+$0x4000]  }
0x13a: {  	p6 =	sne.s32 s26, $0x0  }
0x13b: {  	s18 =	sand.u32 $0xF, s18;
	s19 =	sshrl.u32 s19, $0x1A;
	p1 =	por !p6, !p1  }
0x13c: {  	v5 =	vmov s18;
	s28 =	sadd.s32 s19, s17;
	s19 =	simm.s32 $0x1;
	p1 =	por !p1, !p1  }
0x13d: {  	vm13 =	veq.s32 v5, v0;
	s18 =	sshra.s32 s28, $0x6;
	s19 =	simm.s32 @!p1 $0x0  }
0x13e: {  	s18 =	ssub.s32 s18, s19;
	v4 =	vsel vm13, v3, v4  }
0x13f: {  	s19 =	sshll.u32 s18, $0x6;
	[tilespmem:s20+$0x4000] =	vst v4  }
0x140: {  	v4 =	vld [tilespmem:s19+$0x4000]  }
0x141: {  	v5 =	vld [tilespmem:s19+$0x4010];
	_ =	sdelay $0x1  }
0x142: {  	v6 =	vld [tilespmem:s19+$0x4020];
	_ =	sdelay $0x1  }
0x143: {  	v7 =	vld [tilespmem:s19+$0x4030]  }
0x144: {  	vm14 =	vgt.f32 v5, v4  }
0x145: {  	v4 =	vsel vm14, v5, v4  }
0x146: {  	s29 =	sor.u32 $0x10, s19;
	v5 =	vmov s19;
	vm1 =	vgt.f32 v6, v4  }
0x147: {  	s30 =	sor.u32 $0x20, s19;
	v5 =	vsel vm14, s29, v5;
	v4 =	vsel vm1, v6, v4  }
0x148: {  	s19 =	sor.u32 $0x30, s19;
	v5 =	vsel vm1, s30, v5;
	vm15 =	vgt.f32 v7, v4  }
0x149: {  	s18 =	sshll.u32 s18, $0x4;
	v5 =	vsel vm15, s19, v5;
	v4 =	vsel vm15, v7, v4  }
0x14a: {  	v5 =	vor.u32 v0, v5;
	[tilespmem:s18+$0x4800] =	vst v4  }
0x14b: {  	s31 =	simm.s32 $0x0;
	[tilespmem:s18+$0x4A00] =	vst v5  }
0x14c: {  	v5 =	vld [tilespmem:s31+$0x4800]  }
0x14d: {  	v6 =	vmov v3;
	v4 =	vimm.s32 $0x0;
	s18 =	simm.s32 $0x40;
	v7 =	vld [tilespmem:s31+$0x4A00]  }
.LBB2_15:
0x14e: {  	p1 =	sne.s32 s18, $0x7C0  }
.Ltmp9:
0x14f: {  	_ = 	snop;
	(pc) =	sbr.rel @p1 .LBB2_15-.Ltmp9, $4  }
0x150: {  	_ = 	snop  }
0x151: {  	s19 =	sshra.s32 s18, $0x2;
	s18 =	sadd.s32 $0x40, s18;
	vm0 =	vgt.f32 v5, v6  }
0x152: {  	v6 =	vsel vm0, v5, v6;
	v5 =	vld [tilespmem:s19+$0x4800];
	v4 =	vsel vm0, v7, v4  }
0x153: {  	v7 =	vld [tilespmem:s19+$0x4A00]  }
0x154: {  	_ =	sdelay $0x2  }
0x155: {  	vm0 =	vgt.f32 v5, v6  }
0x156: {  	v5 =	vsel vm0, v5, v6;
	v4 =	vsel vm0, v7, v4  }
0x157: {  	(xrf1) =	vsort.dscd.msk.f32 $0xffff, v5, v4;
	_ =	sdelay $0xd  }
0x158: {  	v6, _, _ =	vpop (xrf1)  }
0x159: {  	v6 =	vbroadcast v6, $0x0;
	_ =	sdelay $0x1  }
0x15a: {  	vm12 =	veq.f32 v5, v6;
	v5 =	vxor.u32 $0x80000000, v4  }
0x15b: {  	v5 =	vnsel vm12, $0xFFFFFFFF, v5  }
0x15c: {  	(xrf1) =	vsort.ascd.msk.u32 $0xffff, v5, v4;
	_ =	sdelay $0xd  }
0x15d: {  	v4, _, _ =	vpop (xrf1)  }
0x15e: {  	(v2sf) =	vpush v4, $0x0;
	_ =	sdelay $0xe  }
0x15f: {  	s19 =	spop (v2sf)  }
0x160: {  	s18 =	sxor.u32 $0x80000000, s19  }
0x161: {  	s20 =	sshra.s32 s18, $0x1F  }
0x162: {  	s21 =	sshrl.u32 s20, $0x1C  }
0x163: {  	s21 =	sadd.s32 s21, s18  }
0x164: {  	p2 =	sgt.s32 s19, $0xFFFFFFFF;
	p1 =	slt.s32 s18, $0x1;
	s22 =	sand.u32 $0xFFFFFFF0, s21  }
0x165: {  	p1 =	por p2, p1;
	p5 =	sne.s32 s18, s22  }
0x166: {  	p2 =	por !p1, !p5  }
0x167: {  	s22 =	simm.s32 $0x1;
	p2 =	por !p2, !p2  }
0x168: {  	s21 =	sshrl.u32 s21, $0x4;
	s22 =	simm.s32 @!p2 $0x0  }
0x169: {  	s21 =	ssub.s32 s21, s22  }
0x16a: {  	s21 =	sshll.u32 s21, $0x6  }
0x16b: {  	s21 =	sshra.s32 s21, $0x2  }
0x16c: {  	s26 =	sand.u32 $0x3F, s19;
	v4 =	vld [tilespmem:s21+$0x4000]  }
0x16d: {  	p6 =	sne.s32 s26, $0x0  }
0x16e: {  	s19 =	sand.u32 $0xF, s19;
	s20 =	sshrl.u32 s20, $0x1A;
	p1 =	por !p6, !p1  }
0x16f: {  	v5 =	vmov s19;
	s28 =	sadd.s32 s20, s18;
	s20 =	simm.s32 $0x1;
	p1 =	por !p1, !p1  }
0x170: {  	vm13 =	veq.s32 v5, v0;
	s19 =	sshra.s32 s28, $0x6;
	s20 =	simm.s32 @!p1 $0x0  }
0x171: {  	s19 =	ssub.s32 s19, s20;
	v4 =	vsel vm13, v3, v4  }
0x172: {  	s20 =	sshll.u32 s19, $0x6;
	[tilespmem:s21+$0x4000] =	vst v4  }
0x173: {  	v4 =	vld [tilespmem:s20+$0x4000]  }
0x174: {  	v5 =	vld [tilespmem:s20+$0x4010];
	_ =	sdelay $0x1  }
0x175: {  	v6 =	vld [tilespmem:s20+$0x4020];
	_ =	sdelay $0x1  }
0x176: {  	v7 =	vld [tilespmem:s20+$0x4030]  }
0x177: {  	vm14 =	vgt.f32 v5, v4  }
0x178: {  	v4 =	vsel vm14, v5, v4  }
0x179: {  	s29 =	sor.u32 $0x10, s20;
	v5 =	vmov s20;
	vm1 =	vgt.f32 v6, v4  }
0x17a: {  	s30 =	sor.u32 $0x20, s20;
	v5 =	vsel vm14, s29, v5;
	v4 =	vsel vm1, v6, v4  }
0x17b: {  	s20 =	sor.u32 $0x30, s20;
	v5 =	vsel vm1, s30, v5;
	vm15 =	vgt.f32 v7, v4  }
0x17c: {  	s19 =	sshll.u32 s19, $0x4;
	v5 =	vsel vm15, s20, v5;
	v4 =	vsel vm15, v7, v4  }
0x17d: {  	v5 =	vor.u32 v0, v5;
	[tilespmem:s19+$0x4800] =	vst v4  }
0x17e: {  	s31 =	simm.s32 $0x0;
	[tilespmem:s19+$0x4A00] =	vst v5  }
0x17f: {  	v5 =	vld [tilespmem:s31+$0x4800]  }
0x180: {  	v6 =	vmov v3;
	v4 =	vimm.s32 $0x0;
	s19 =	simm.s32 $0x40;
	v7 =	vld [tilespmem:s31+$0x4A00]  }
.LBB2_17:
0x181: {  	p1 =	sne.s32 s19, $0x7C0  }
.Ltmp10:
0x182: {  	_ = 	snop;
	(pc) =	sbr.rel @p1 .LBB2_17-.Ltmp10, $4  }
0x183: {  	_ = 	snop  }
0x184: {  	s20 =	sshra.s32 s19, $0x2;
	s19 =	sadd.s32 $0x40, s19;
	vm0 =	vgt.f32 v5, v6  }
0x185: {  	v6 =	vsel vm0, v5, v6;
	v5 =	vld [tilespmem:s20+$0x4800];
	v4 =	vsel vm0, v7, v4  }
0x186: {  	v7 =	vld [tilespmem:s20+$0x4A00]  }
0x187: {  	_ =	sdelay $0x2  }
0x188: {  	vm0 =	vgt.f32 v5, v6  }
0x189: {  	v5 =	vsel vm0, v5, v6;
	v4 =	vsel vm0, v7, v4  }
0x18a: {  	(xrf1) =	vsort.dscd.msk.f32 $0xffff, v5, v4;
	_ =	sdelay $0xd  }
0x18b: {  	v6, _, _ =	vpop (xrf1)  }
0x18c: {  	v6 =	vbroadcast v6, $0x0;
	_ =	sdelay $0x1  }
0x18d: {  	vm12 =	veq.f32 v5, v6;
	v5 =	vxor.u32 $0x80000000, v4  }
0x18e: {  	v5 =	vnsel vm12, $0xFFFFFFFF, v5  }
0x18f: {  	(xrf1) =	vsort.ascd.msk.u32 $0xffff, v5, v4;
	_ =	sdelay $0xd  }
0x190: {  	v4, _, _ =	vpop (xrf1)  }
0x191: {  	(v2sf) =	vpush v4, $0x0;
	_ =	sdelay $0xe  }
0x192: {  	s20 =	spop (v2sf)  }
0x193: {  	s19 =	sxor.u32 $0x80000000, s20  }
0x194: {  	s21 =	sshra.s32 s19, $0x1F  }
0x195: {  	s22 =	sshrl.u32 s21, $0x1C  }
0x196: {  	s22 =	sadd.s32 s22, s19  }
0x197: {  	p2 =	sgt.s32 s20, $0xFFFFFFFF;
	p1 =	slt.s32 s19, $0x1;
	s23 =	sand.u32 $0xFFFFFFF0, s22  }
0x198: {  	p1 =	por p2, p1;
	p5 =	sne.s32 s19, s23  }
0x199: {  	p2 =	por !p1, !p5  }
0x19a: {  	s23 =	simm.s32 $0x1;
	p2 =	por !p2, !p2  }
0x19b: {  	s22 =	sshrl.u32 s22, $0x4;
	s23 =	simm.s32 @!p2 $0x0  }
0x19c: {  	s22 =	ssub.s32 s22, s23  }
0x19d: {  	s22 =	sshll.u32 s22, $0x6  }
0x19e: {  	s22 =	sshra.s32 s22, $0x2  }
0x19f: {  	s26 =	sand.u32 $0x3F, s20;
	v4 =	vld [tilespmem:s22+$0x4000]  }
0x1a0: {  	p6 =	sne.s32 s26, $0x0  }
0x1a1: {  	s20 =	sand.u32 $0xF, s20;
	s21 =	sshrl.u32 s21, $0x1A;
	p1 =	por !p6, !p1  }
0x1a2: {  	v5 =	vmov s20;
	s28 =	sadd.s32 s21, s19;
	s21 =	simm.s32 $0x1;
	p1 =	por !p1, !p1  }
0x1a3: {  	vm13 =	veq.s32 v5, v0;
	s20 =	sshra.s32 s28, $0x6;
	s21 =	simm.s32 @!p1 $0x0  }
0x1a4: {  	s20 =	ssub.s32 s20, s21;
	v4 =	vsel vm13, v3, v4  }
0x1a5: {  	s21 =	sshll.u32 s20, $0x6;
	[tilespmem:s22+$0x4000] =	vst v4  }
0x1a6: {  	v4 =	vld [tilespmem:s21+$0x4000]  }
0x1a7: {  	v5 =	vld [tilespmem:s21+$0x4010];
	_ =	sdelay $0x1  }
0x1a8: {  	v6 =	vld [tilespmem:s21+$0x4020];
	_ =	sdelay $0x1  }
0x1a9: {  	v7 =	vld [tilespmem:s21+$0x4030]  }
0x1aa: {  	vm14 =	vgt.f32 v5, v4  }
0x1ab: {  	v4 =	vsel vm14, v5, v4  }
0x1ac: {  	s29 =	sor.u32 $0x10, s21;
	v5 =	vmov s21;
	vm1 =	vgt.f32 v6, v4  }
0x1ad: {  	s30 =	sor.u32 $0x20, s21;
	v5 =	vsel vm14, s29, v5;
	v4 =	vsel vm1, v6, v4  }
0x1ae: {  	s21 =	sor.u32 $0x30, s21;
	v5 =	vsel vm1, s30, v5;
	vm15 =	vgt.f32 v7, v4  }
0x1af: {  	s20 =	sshll.u32 s20, $0x4;
	v5 =	vsel vm15, s21, v5;
	v4 =	vsel vm15, v7, v4  }
0x1b0: {  	v5 =	vor.u32 v0, v5;
	[tilespmem:s20+$0x4800] =	vst v4  }
0x1b1: {  	s31 =	simm.s32 $0x0;
	[tilespmem:s20+$0x4A00] =	vst v5  }
0x1b2: {  	v5 =	vld [tilespmem:s31+$0x4800]  }
0x1b3: {  	v6 =	vmov v3;
	v4 =	vimm.s32 $0x0;
	s20 =	simm.s32 $0x40;
	v7 =	vld [tilespmem:s31+$0x4A00]  }
.LBB2_19:
0x1b4: {  	p1 =	sne.s32 s20, $0x7C0  }
.Ltmp11:
0x1b5: {  	_ = 	snop;
	(pc) =	sbr.rel @p1 .LBB2_19-.Ltmp11, $4  }
0x1b6: {  	_ = 	snop  }
0x1b7: {  	s21 =	sshra.s32 s20, $0x2;
	s20 =	sadd.s32 $0x40, s20;
	vm0 =	vgt.f32 v5, v6  }
0x1b8: {  	v6 =	vsel vm0, v5, v6;
	v5 =	vld [tilespmem:s21+$0x4800];
	v4 =	vsel vm0, v7, v4  }
0x1b9: {  	v7 =	vld [tilespmem:s21+$0x4A00]  }
0x1ba: {  	_ =	sdelay $0x2  }
0x1bb: {  	vm0 =	vgt.f32 v5, v6  }
0x1bc: {  	v5 =	vsel vm0, v5, v6;
	v4 =	vsel vm0, v7, v4  }
0x1bd: {  	(xrf1) =	vsort.dscd.msk.f32 $0xffff, v5, v4;
	_ =	sdelay $0xd  }
0x1be: {  	v45, _, _ =	vpop (xrf1)  }
0x1bf: {  	v6 =	vbroadcast v45, $0x0;
	_ =	sdelay $0x1  }
0x1c0: {  	v46 =	vxor.u32 $0x80000000, v4;
	vm15 =	veq.f32 v5, v6  }
0x1c1: {  	v5 =	vnsel vm15, $0xFFFFFFFF, v46  }
0x1c2: {  	(xrf1) =	vsort.ascd.msk.u32 $0xffff, v5, v4;
	_ =	sdelay $0xd  }
0x1c3: {  	v4, _, _ =	vpop (xrf1)  }
0x1c4: {  	(v2sf) =	vpush v4, $0x0;
	_ =	sdelay $0xe  }
0x1c5: {  	s20 =	spop (v2sf)  }
0x1c6: {  	s21 =	sxor.u32 $0x80000000, s20  }
0x1c7: {  	s22 =	sshra.s32 s21, $0x1F  }
0x1c8: {  	s23 =	sshrl.u32 s22, $0x1C  }
0x1c9: {  	s23 =	sadd.s32 s23, s21  }
0x1ca: {  	p2 =	sgt.s32 s20, $0xFFFFFFFF;
	p1 =	slt.s32 s21, $0x1;
	s24 =	sand.u32 $0xFFFFFFF0, s23  }
0x1cb: {  	p1 =	por p2, p1;
	p5 =	sne.s32 s21, s24  }
0x1cc: {  	p2 =	por !p1, !p5  }
0x1cd: {  	s24 =	simm.s32 $0x1;
	p2 =	por !p2, !p2  }
0x1ce: {  	s23 =	sshrl.u32 s23, $0x4;
	s24 =	simm.s32 @!p2 $0x0  }
0x1cf: {  	s23 =	ssub.s32 s23, s24  }
0x1d0: {  	s23 =	sshll.u32 s23, $0x6  }
0x1d1: {  	s23 =	sshra.s32 s23, $0x2  }
0x1d2: {  	s29 =	sand.u32 $0x3F, s20;
	v47 =	vld [tilespmem:s23+$0x4000]  }
0x1d3: {  	p6 =	sne.s32 s29, $0x0  }
0x1d4: {  	s20 =	sand.u32 $0xF, s20;
	s22 =	sshrl.u32 s22, $0x1A;
	p1 =	por !p6, !p1  }
0x1d5: {  	v48 =	vmov s20;
	s30 =	sadd.s32 s22, s21;
	s22 =	simm.s32 $0x1;
	p1 =	por !p1, !p1  }
0x1d6: {  	vm4 =	veq.s32 v48, v0;
	s20 =	sshra.s32 s30, $0x6;
	s22 =	simm.s32 @!p1 $0x0  }
0x1d7: {  	s20 =	ssub.s32 s20, s22;
	v4 =	vsel vm4, v3, v47  }
0x1d8: {  	v49 =	vmov s14;
	vm5 =	veq.s32 v0, $0x0;
	s22 =	sshll.u32 s20, $0x6;
	[tilespmem:s23+$0x4000] =	vst v4  }
0x1d9: {  	vm6 =	veq.s32 v0, $0x1;
	v4 =	vnsel vm5, $0x0, v49;
	v50 =	vld [tilespmem:s22+$0x4000]  }
0x1da: {  	vm7 =	veq.s32 v0, $0x2;
	v51 =	vld [tilespmem:s22+$0x4010];
	v4 =	vsel vm6, s15, v4  }
0x1db: {  	vm8 =	veq.s32 v0, $0x3;
	v4 =	vsel vm7, s16, v4  }
0x1dc: {  	vm9 =	veq.s32 v0, $0x4;
	v52 =	vld [tilespmem:s22+$0x4020];
	v4 =	vsel vm8, s17, v4  }
0x1dd: {  	vm10 =	veq.s32 v0, $0x5;
	v4 =	vsel vm9, s18, v4  }
0x1de: {  	vm11 =	veq.s32 v0, $0x6;
	v8 =	vld [tilespmem:s22+$0x4030];
	v4 =	vsel vm10, s19, v4  }
0x1df: {  	vm12 =	vmmov $0x7f;
	vm1 =	vgt.f32 v51, v50;
	v4 =	vsel vm11, s21, v4  }
0x1e0: {  	v9 =	vmov s22;
	s31 =	sor.u32 $0x10, s22;
	v5 =	vsel vm1, v51, v50;
	v53 =	vnsel vm12, $0x0, v4  }
0x1e1: {  	v9 =	vsel vm1, s31, v9;
	vm13 =	vgt.f32 v52, v5;
	v10 =	vshll.u32 v53, $0x2  }
0x1e2: {  	s15 =	sor.u32 $0x20, s22;
	v54 =	vand.u32 $0x7F, v53;
	v5 =	vsel vm13, v52, v5;
	v10 =	vand.u32 $0xFFFFFE00, v10  }
0x1e3: {  	s16 =	sor.u32 $0x30, s22;
	v9 =	vsel vm13, s15, v9;
	v7 =	vor.u32 v54, v10;
	vm14 =	vgt.f32 v8, v5  }
0x1e4: {  	s17 =	sshll.u32 s20, $0x4;
	v5 =	vsel vm14, v8, v5;
	v55 =	vsel vm14, s16, v9  }
0x1e5: {  	[tilespmem:s17+$0x4800] =	vst v5;
	v56 =	vor.u32 v0, v55  }
0x1e6: {  	[tilespmem:s17+$0x4A00] =	vst v56  }
0x1e7: {  	[tilespmem:$0x4C00] =	vst v4  }
0x1e8: {  	v4 =	vld.idx.msk [tilespmem:v7+s10+$0x0], $0xffff;
	_ =	sdelay $0x4  }
0x1e9: {  	v4 =	vsel vm12, v4, v3  }
0x1ea: {  	(xrf1) =	vsort.dscd.msk.f32 $0xffff, v4, v53;
	_ =	sdelay $0xd  }
0x1eb: {  	v57, _, _ =	vpop (xrf1)  }
0x1ec: {  	v5 =	vbroadcast v57, $0x0;
	_ =	sdelay $0x1  }
0x1ed: {  	v4 =	vsub.f32 v4, v5;
	_ =	sdelay $0x1  }
0x1ee: {  	v4 =	vmul.f32 $1.442695020e+00, v4;
	_ =	sdelay $0x1  }
0x1ef: {  	(erf) = vpow2.f32 v4;
	_ =	sdelay $0x8  }
0x1f0: {  	v4 =	vpop (erf)  }
0x1f1: {  	(v2sf) =	vpush v4, $0x0;
	_ =	sdelay $0x1  }
0x1f2: {  	(v2sf) =	vpush v4, $0x1;
	_ =	sdelay $0x1  }
0x1f3: {  	(v2sf) =	vpush v4, $0x2;
	_ =	sdelay $0x1  }
0x1f4: {  	(v2sf) =	vpush v4, $0x3;
	_ =	sdelay $0x1  }
0x1f5: {  	(v2sf) =	vpush v4, $0x4;
	_ =	sdelay $0x1  }
0x1f6: {  	(v2sf) =	vpush v4, $0x5;
	_ =	sdelay $0x1  }
0x1f7: {  	(v2sf) =	vpush v4, $0x6;
	_ =	sdelay $0x2  }
0x1f8: {  	s18 =	spop (v2sf)  }
0x1f9: {  	s14 =	sadd.f32 $0.0e+00, s18  }
0x1fa: {  	s19 =	spop (v2sf)  }
0x1fb: {  	s14 =	sadd.f32 s14, s19  }
0x1fc: {  	s20 =	spop (v2sf)  }
0x1fd: {  	s14 =	sadd.f32 s14, s20  }
0x1fe: {  	s21 =	spop (v2sf)  }
0x1ff: {  	s14 =	sadd.f32 s14, s21  }
0x200: {  	s22 =	spop (v2sf)  }
0x201: {  	s14 =	sadd.f32 s14, s22  }
0x202: {  	s23 =	spop (v2sf)  }
0x203: {  	s14 =	sadd.f32 s14, s23  }
0x204: {  	s24 =	spop (v2sf)  }
0x205: {  	s14 =	sadd.f32 s14, s24  }
0x206: {  	v58 =	vor.u32 $0x80, v7  }
0x207: {  	s14 =	sadd.f32 $0.0e+00, s14  }
0x208: {  	vm15 =	veq.s32 v0, $0x7;
	v4 =	vnsel vm12, $0x0, v4  }
0x209: {  	v4 =	vsel vm15, s14, v4  }
0x20a: {  	[tilespmem:$0x4C80] =	vst v4  }
0x20b: {  	v4 =	vld.idx.msk [tilespmem:v58+s10+$0x0], $0xffff;
	_ =	sdelay $0x4  }
0x20c: {  	v4 =	vsel vm12, v4, v3  }
0x20d: {  	(xrf1) =	vsort.dscd.msk.f32 $0xffff, v4, v53;
	_ =	sdelay $0xd  }
0x20e: {  	v59, _, _ =	vpop (xrf1)  }
0x20f: {  	v5 =	vbroadcast v59, $0x0;
	_ =	sdelay $0x1  }
0x210: {  	v4 =	vsub.f32 v4, v5;
	_ =	sdelay $0x1  }
0x211: {  	v4 =	vmul.f32 $1.442695020e+00, v4;
	_ =	sdelay $0x1  }
0x212: {  	(erf) = vpow2.f32 v4;
	_ =	sdelay $0x8  }
0x213: {  	v4 =	vpop (erf)  }
0x214: {  	(v2sf) =	vpush v4, $0x0;
	_ =	sdelay $0x1  }
0x215: {  	(v2sf) =	vpush v4, $0x1;
	_ =	sdelay $0x1  }
0x216: {  	(v2sf) =	vpush v4, $0x2;
	_ =	sdelay $0x1  }
0x217: {  	(v2sf) =	vpush v4, $0x3;
	_ =	sdelay $0x1  }
0x218: {  	(v2sf) =	vpush v4, $0x4;
	_ =	sdelay $0x1  }
0x219: {  	(v2sf) =	vpush v4, $0x5;
	_ =	sdelay $0x1  }
0x21a: {  	(v2sf) =	vpush v4, $0x6;
	_ =	sdelay $0x2  }
0x21b: {  	s25 =	spop (v2sf)  }
0x21c: {  	s14 =	sadd.f32 $0.0e+00, s25  }
0x21d: {  	s26 =	spop (v2sf)  }
0x21e: {  	s14 =	sadd.f32 s14, s26  }
0x21f: {  	s28 =	spop (v2sf)  }
0x220: {  	s14 =	sadd.f32 s14, s28  }
0x221: {  	s29 =	spop (v2sf)  }
0x222: {  	s14 =	sadd.f32 s14, s29  }
0x223: {  	s30 =	spop (v2sf)  }
0x224: {  	s14 =	sadd.f32 s14, s30  }
0x225: {  	s31 =	spop (v2sf)  }
0x226: {  	s14 =	sadd.f32 s14, s31  }
0x227: {  	s16 =	spop (v2sf)  }
0x228: {  	s14 =	sadd.f32 s14, s16  }
0x229: {  	v60 =	vor.u32 $0x100, v7  }
0x22a: {  	s14 =	sadd.f32 $0.0e+00, s14  }
0x22b: {  	v4 =	vnsel vm12, $0x0, v4  }
0x22c: {  	v4 =	vsel vm15, s14, v4  }
0x22d: {  	[tilespmem:$0x4D00] =	vst v4  }
0x22e: {  	v4 =	vld.idx.msk [tilespmem:v60+s10+$0x0], $0xffff;
	_ =	sdelay $0x4  }
0x22f: {  	v4 =	vsel vm12, v4, v3  }
0x230: {  	(xrf1) =	vsort.dscd.msk.f32 $0xffff, v4, v53;
	_ =	sdelay $0xd  }
0x231: {  	v61, _, _ =	vpop (xrf1)  }
0x232: {  	v5 =	vbroadcast v61, $0x0;
	_ =	sdelay $0x1  }
0x233: {  	v4 =	vsub.f32 v4, v5;
	_ =	sdelay $0x1  }
0x234: {  	v4 =	vmul.f32 $1.442695020e+00, v4;
	_ =	sdelay $0x1  }
0x235: {  	(erf) = vpow2.f32 v4;
	_ =	sdelay $0x8  }
0x236: {  	v4 =	vpop (erf)  }
0x237: {  	(v2sf) =	vpush v4, $0x0;
	_ =	sdelay $0x1  }
0x238: {  	(v2sf) =	vpush v4, $0x1;
	_ =	sdelay $0x1  }
0x239: {  	(v2sf) =	vpush v4, $0x2;
	_ =	sdelay $0x1  }
0x23a: {  	(v2sf) =	vpush v4, $0x3;
	_ =	sdelay $0x1  }
0x23b: {  	(v2sf) =	vpush v4, $0x4;
	_ =	sdelay $0x1  }
0x23c: {  	(v2sf) =	vpush v4, $0x5;
	_ =	sdelay $0x1  }
0x23d: {  	(v2sf) =	vpush v4, $0x6;
	_ =	sdelay $0x2  }
0x23e: {  	s17 =	spop (v2sf)  }
0x23f: {  	s14 =	sadd.f32 $0.0e+00, s17  }
0x240: {  	s18 =	spop (v2sf)  }
0x241: {  	s14 =	sadd.f32 s14, s18  }
0x242: {  	s19 =	spop (v2sf)  }
0x243: {  	s14 =	sadd.f32 s14, s19  }
0x244: {  	s20 =	spop (v2sf)  }
0x245: {  	s14 =	sadd.f32 s14, s20  }
0x246: {  	s21 =	spop (v2sf)  }
0x247: {  	s14 =	sadd.f32 s14, s21  }
0x248: {  	s22 =	spop (v2sf)  }
0x249: {  	s14 =	sadd.f32 s14, s22  }
0x24a: {  	s23 =	spop (v2sf)  }
0x24b: {  	s14 =	sadd.f32 s14, s23  }
0x24c: {  	v62 =	vor.u32 $0x180, v7  }
0x24d: {  	s14 =	sadd.f32 $0.0e+00, s14  }
0x24e: {  	v4 =	vnsel vm12, $0x0, v4  }
0x24f: {  	v4 =	vsel vm15, s14, v4  }
0x250: {  	[tilespmem:$0x4D80] =	vst v4  }
0x251: {  	v4 =	vld.idx.msk [tilespmem:v62+s10+$0x0], $0xffff;
	_ =	sdelay $0x4  }
0x252: {  	v3 =	vsel vm12, v4, v3  }
0x253: {  	(xrf1) =	vsort.dscd.msk.f32 $0xffff, v3, v53;
	_ =	sdelay $0xd  }
0x254: {  	v63, _, _ =	vpop (xrf1)  }
0x255: {  	v4 =	vbroadcast v63, $0x0;
	_ =	sdelay $0x1  }
0x256: {  	v3 =	vsub.f32 v3, v4;
	_ =	sdelay $0x1  }
0x257: {  	v3 =	vmul.f32 $1.442695020e+00, v3;
	_ =	sdelay $0x1  }
0x258: {  	(erf) = vpow2.f32 v3;
	_ =	sdelay $0x8  }
0x259: {  	v3 =	vpop (erf)  }
0x25a: {  	(v2sf) =	vpush v3, $0x0;
	_ =	sdelay $0x1  }
0x25b: {  	(v2sf) =	vpush v3, $0x1;
	_ =	sdelay $0x1  }
0x25c: {  	(v2sf) =	vpush v3, $0x2;
	_ =	sdelay $0x1  }
0x25d: {  	(v2sf) =	vpush v3, $0x3;
	_ =	sdelay $0x1  }
0x25e: {  	(v2sf) =	vpush v3, $0x4;
	_ =	sdelay $0x1  }
0x25f: {  	(v2sf) =	vpush v3, $0x5;
	_ =	sdelay $0x1  }
0x260: {  	(v2sf) =	vpush v3, $0x6;
	_ =	sdelay $0x2  }
0x261: {  	s24 =	spop (v2sf)  }
0x262: {  	s14 =	sadd.f32 $0.0e+00, s24  }
0x263: {  	s25 =	spop (v2sf)  }
0x264: {  	s14 =	sadd.f32 s14, s25  }
0x265: {  	s26 =	spop (v2sf)  }
0x266: {  	s14 =	sadd.f32 s14, s26  }
0x267: {  	s28 =	spop (v2sf)  }
0x268: {  	s14 =	sadd.f32 s14, s28  }
0x269: {  	s29 =	spop (v2sf)  }
0x26a: {  	s14 =	sadd.f32 s14, s29  }
0x26b: {  	s30 =	spop (v2sf)  }
0x26c: {  	s14 =	sadd.f32 s14, s30  }
0x26d: {  	s31 =	spop (v2sf)  }
0x26e: {  	s14 =	sadd.f32 s14, s31;
	_ =	sdelay $0x1  }
0x26f: {  	s14 =	sadd.f32 $0.0e+00, s14  }
0x270: {  	v3 =	vnsel vm12, $0x0, v3  }
0x271: {  	v3 =	vsel vm15, s14, v3  }
0x272: {  	[tilespmem:$0x4E00] =	vst v3  }
0x273: {  	[hbm4b:s4+s7] =	stream.linear.scatter [tilespmem:s11], [sflag:$0x1], $0x80, $0x38;
	[tilespmem:$0x4F00] =	vst v63  }
0x274: {  	_ =	swait.ge [sflag:s9], $0x80  }
0x275: {  	[sflag:s9] =	ssyncset.done $0x0  }
.Ltmp12:
0x276: {  	[sflag:s9] =	ssyncadd.s32 $0xFFFFFF80;
	(pc) =	sbr.rel .LBB2_21-.Ltmp12, $4  }
0x277: {  	[hbm4b:s5+s7] =	stream.linear.scatter [tilespmem:s12], [sflag:$0x1], $0x200, $0x38;
	[tilespmem:$0x4F00] =	vst v63  }
0x278: {  	_ =	swait.ge [sflag:s9], $0x200  }
0x279: {  	[sflag:s9] =	ssyncset.done $0x0  }
0x27a: {  	[sflag:s9] =	ssyncadd.s32 $0xFFFFFE00  }
.LBB2_22:
0x27b: {  	_ =	sfence.sel $0x180000  }
0x27c: {  	[bflag:$0x0] =	sbarrier.arrive $0xFFFF  }
0x27d: {  	p0 =	sne.s32 s2, $0x0;
	_ =	strace $0x90000047  }
0x27e: {  	s0 =	sadd.s32 @!p0 $0x100000, s0;
	[bflag:$0x2] =	sbarrier.arrive $0xFFFF  }
0x27f: {  	[sflag:s0] =	ssyncadd.tile.s32 @!p0 $0x1;
	_ =	shalt  }
.Lfunc_end2:
_tile_overlayer_lowered:
.L_overlay_start_2:
0x280: {  	(tag) =	ssettag $0x2  }
0x281: {  	s0 =	rddreg [dreg:$0x0];
	s2 =	stileid.u32  }
0x282: {  	s1 =	rddreg [dreg:$0x1];
	p0 =	sne.s32 s2, $0x0  }
0x283: {  	s3 =	rddreg [dreg:$0x2];
	[bflag:$0x3] =	sbarrier.arrive $0xFFFF;
	s2 =	simm.s32 @!p0 $0x1C01  }
0x284: {  	[timem:s3], [sflag:s2] =	dma.local @!p0 [hbm:s0], s1  }
0x285: {  	s0 =	simm.s32 @!p0 $0x1  }
0x286: {  	_ =	swait.ge @!p0 [sflag:s0], s1  }
0x287: {  	s1 =	ssub.s32 @!p0 $0x0, s1;
	[sflag:s0] =	ssyncset.done @!p0 $0x0  }
0x288: {  	[sflag:s0] =	ssyncadd.s32 @!p0 s1  }
0x289: {  	[bflag:$0x3] =	sbarrier.arrive $0xFFFF  }
0x28a: {  	_ =	shalt  }

</sc_bundles>
